<compile_context>
chip_gen: v7x
topology: tpu7x:2x2x1
jax: 0.10.2.dev20260603
libtpu: 0.0.44.dev20260713+nightly
codegen_flags: <defaults>
</compile_context>

<pallas_src>
import functools

import jax
import jax.numpy as jnp
from jax import lax
from jax.experimental import pallas as pl
from jax.experimental.pallas import tpu as pltpu
from jax.experimental.pallas import tpu_sc as plsc

_IDXW = 128
_SLABW = 133


@functools.lru_cache(maxsize=None)
def _build_transpose(V, D, NC, NS):
    NW = NC * NS
    RB = D // 8
    TU = 2 * _IDXW
    SW = TU + 5
    full_units = V // TU
    tail = V - full_units * TU
    units_per_w = full_units // NW
    extra = full_units - units_per_w * NW
    n_outer = units_per_w // 2
    odd = units_per_w - 2 * n_outer

    mesh = plsc.VectorSubcoreMesh(core_axis_name="c", subcore_axis_name="s")

    @functools.partial(
        pl.kernel,
        out_type=jax.ShapeDtypeStruct((V * D,), jnp.float32),
        mesh=mesh,
        scratch_types=[
            pltpu.VMEM((2, RB, 8, SW), jnp.float32),
            pltpu.VMEM((TU * D,), jnp.float32),
            pltpu.VMEM((max(tail, 1) * D,), jnp.float32),
            pltpu.SemaphoreType.DMA,
            pltpu.SemaphoreType.DMA,
        ],
        compiler_params=pltpu.CompilerParams(use_tc_tiling_on_sc=True,
                                             needs_layout_passes=False),
    )
    def transpose_kernel(tT_hbm, tail_hbm, out_hbm, slab_v, rows_v, tail_v,
                         sem_in, sem_st):
        wid = lax.axis_index("s") * NC + lax.axis_index("c")
        base = wid * units_per_w

        rv = lax.iota(jnp.int32, 16) & 7
        rb_lo = lax.iota(jnp.int32, 16) >> 3
        rb_hi = rb_lo + 2

        def fire_loads(u, s):
            tok0 = pl.multiple_of(u * TU, _IDXW)
            for rb in range(RB):
                pltpu.async_copy(
                    tT_hbm.at[pl.ds(rb * 8, 8), pl.ds(tok0, TU)],
                    slab_v.at[s, rb, pl.ds(0, 8), pl.ds(0, TU)], sem_in)

        def wait_loads(s):
            for rb in range(RB):
                pltpu.make_async_copy(
                    tT_hbm.at[pl.ds(0, 8), pl.ds(0, TU)],
                    slab_v.at[s, rb, pl.ds(0, 8), pl.ds(0, TU)],
                    sem_in).wait()

        def wait_store():
            pltpu.make_async_copy(rows_v, out_hbm.at[pl.ds(0, TU * D)],
                                  sem_st).wait()

        def transpose(s):
            @plsc.parallel_loop(0, TU, unroll=16,
                                carry=jnp.zeros((16,), jnp.int32))
            def _tok(i, cv):
                lo = plsc.load_gather(slab_v.at[s], [rb_lo, rv, cv])
                hi = plsc.load_gather(slab_v.at[s], [rb_hi, rv, cv])
                rows_v[pl.ds(i * D, 16)] = lo
                rows_v[pl.ds(i * D + 16, 16)] = hi
                return cv + 1

        def store(u):
            pltpu.async_copy(rows_v, out_hbm.at[pl.ds(u * (TU * D), TU * D)],
                             sem_st)

        fire_loads(base, 0)

        @pl.loop(0, n_outer)
        def _outer(k):
            for s in range(2):
                j = k * 2 + s
                wait_loads(s)

                @pl.when(j < units_per_w - 1)
                def _():
                    fire_loads(base + j + 1, 1 - s)

                @pl.when(j > 0)
                def _():
                    wait_store()

                transpose(s)
                store(base + j)

        if odd:
            wait_loads(0 if units_per_w == 1 else (units_per_w - 1) % 2)
            wait_store()
            transpose((units_per_w - 1) % 2)
            store(base + units_per_w - 1)

        wait_store()

        if extra:
            @pl.when(wid < extra)
            def _():
                u = full_units - extra + wid
                fire_loads(u, 0)
                wait_loads(0)
                transpose(0)
                store(u)
                wait_store()

        if tail:
            @pl.when(wid == NW - 1)
            def _():
                pltpu.sync_copy(tail_hbm, tail_v)
                pltpu.sync_copy(tail_v,
                                out_hbm.at[pl.ds(full_units * TU * D,
                                                 tail * D)])

    return transpose_kernel


@functools.lru_cache(maxsize=None)
def _build_gather(R, V, D, NC, NS):
    NW = NC * NS
    rows_per_w = R // NW
    G = 10
    NBUF = 2
    n_chunks = rows_per_w // G
    n_outer = n_chunks // NBUF

    mesh = plsc.VectorSubcoreMesh(core_axis_name="c", subcore_axis_name="s")

    @functools.partial(
        pl.kernel,
        out_type=jax.ShapeDtypeStruct((R, _IDXW, D), jnp.float32),
        mesh=mesh,
        scratch_types=[
            pltpu.VMEM((NBUF, G, _IDXW), jnp.int32),
            pltpu.VMEM((NBUF, G, _IDXW, D), jnp.float32),
            pltpu.SemaphoreType.DMA,
            pltpu.SemaphoreType.DMA,
            pltpu.SemaphoreType.DMA,
        ],
        compiler_params=pltpu.CompilerParams(use_tc_tiling_on_sc=False),
    )
    def gather_kernel(idx_hbm, table_hbm, out_hbm, idx_v, rows_v, sem_idx,
                      sem_gat, sem_st):
        wid = lax.axis_index("s") * NC + lax.axis_index("c")
        base = wid * rows_per_w

        for b in range(NBUF):
            pltpu.async_copy(idx_hbm.at[pl.ds(base + b * G, G)],
                             idx_v.at[b], sem_idx)

        @pl.loop(0, n_outer)
        def _outer(k):
            for b in range(NBUF):
                off = base + (k * NBUF + b) * G

                pltpu.make_async_copy(idx_hbm.at[pl.ds(base, G)],
                                      idx_v.at[b], sem_idx).wait()

                @pl.when(k >= 1)
                def _():
                    pltpu.make_async_copy(rows_v.at[b],
                                          out_hbm.at[pl.ds(base, G)],
                                          sem_st).wait()

                for j in range(G):
                    pltpu.async_copy(table_hbm.at[idx_v.at[b].at[j]],
                                     rows_v.at[b].at[j], sem_gat)

                pltpu.make_async_copy(out_hbm.at[pl.ds(base, G)],
                                      rows_v.at[b], sem_gat).wait()

                @pl.when(k < n_outer - 1)
                def _():
                    pltpu.async_copy(idx_hbm.at[pl.ds(off + NBUF * G, G)],
                                     idx_v.at[b], sem_idx)

                pltpu.async_copy(rows_v.at[b], out_hbm.at[pl.ds(off, G)],
                                 sem_st)

        for b in range(NBUF):
            pltpu.make_async_copy(rows_v.at[b], out_hbm.at[pl.ds(base, G)],
                                  sem_st).wait()

    return gather_kernel


@functools.lru_cache(maxsize=None)
def _build_gather_t(H, B, V, D, NC, NS):
    NW = NC * NS
    BQ = 512
    QN = B // BQ
    R = H * B // _IDXW
    units_total = H * QN
    units_per_w = units_total // NW
    n_outer = units_per_w // 2
    GP = BQ // _IDXW

    mesh = plsc.VectorSubcoreMesh(core_axis_name="c", subcore_axis_name="s")

    @functools.partial(
        pl.kernel,
        out_type=jax.ShapeDtypeStruct((H, D, B), jnp.float32),
        mesh=mesh,
        scratch_types=[
            pltpu.VMEM((2, GP, _IDXW), jnp.int32),
            pltpu.VMEM((2, GP, _IDXW, D), jnp.float32),
            pltpu.VMEM((D, BQ + 1), jnp.float32),
            pltpu.SemaphoreType.DMA,
            pltpu.SemaphoreType.DMA,
            pltpu.SemaphoreType.DMA,
        ],
        compiler_params=pltpu.CompilerParams(use_tc_tiling_on_sc=False,
                                             needs_layout_passes=False),
    )
    def gather_kernel(idx_hbm, table_hbm, out_hbm, idx_v, rows_v, tr_v,
                      sem_i, sem_g, sem_st):
        wid = lax.axis_index("s") * NC + lax.axis_index("c")
        base = wid * units_per_w

        dlo = lax.iota(jnp.int32, 16)
        dhi = dlo + 16

        def fire_gathers(s):
            for g in range(GP):
                pltpu.async_copy(table_hbm.at[idx_v.at[s].at[g]],
                                 rows_v.at[s].at[g], sem_g)

        def wait_gathers(s):
            for g in range(GP):
                pltpu.make_async_copy(table_hbm.at[pl.ds(0, _IDXW)],
                                      rows_v.at[s].at[g], sem_g).wait()

        def out_slice(u):
            return out_hbm.at[u // QN, pl.ds(0, D), pl.ds((u % QN) * BQ, BQ)]

        pltpu.sync_copy(idx_hbm.at[pl.ds(base * GP, GP)], idx_v.at[0])
        fire_gathers(0)
        pltpu.async_copy(idx_hbm.at[pl.ds((base + 1) * GP, GP)],
                         idx_v.at[1], sem_i)

        @pl.loop(0, n_outer)
        def _outer(k):
            for s in range(2):
                j = k * 2 + s
                u = base + j

                wait_gathers(s)

                @pl.when(j < units_per_w - 1)
                def _():
                    pltpu.make_async_copy(idx_hbm.at[pl.ds(0, GP)],
                                          idx_v.at[1 - s], sem_i).wait()
                    fire_gathers(1 - s)

                @pl.when(j < units_per_w - 2)
                def _():
                    pltpu.async_copy(
                        idx_hbm.at[pl.ds((u + 2) * GP, GP)],
                        idx_v.at[s], sem_i)

                @pl.when(j > 0)
                def _():
                    pltpu.make_async_copy(tr_v.at[pl.ds(0, D), pl.ds(0, BQ)],
                                          out_slice(base), sem_st).wait()

                @plsc.parallel_loop(0, BQ, unroll=16,
                                    carry=jnp.zeros((16,), jnp.int32))
                def _tok(t, tv):
                    g = t >> 7
                    c = t & (_IDXW - 1)
                    lo = rows_v[s, g, c, pl.ds(0, 16)]
                    hi = rows_v[s, g, c, pl.ds(16, 16)]
                    plsc.store_scatter(tr_v, [dlo, tv], lo)
                    plsc.store_scatter(tr_v, [dhi, tv], hi)
                    return tv + 1

                pltpu.async_copy(tr_v.at[pl.ds(0, D), pl.ds(0, BQ)],
                                 out_slice(u), sem_st)

        pltpu.make_async_copy(tr_v.at[pl.ds(0, D), pl.ds(0, BQ)],
                              out_slice(base), sem_st).wait()

    return gather_kernel


def kernel(tokens, table):
    B, H = tokens.shape
    V, D = table.shape
    info = plsc.get_sparse_core_info()
    NC, NS = info.num_cores, info.num_subcores

    full = (V // (2 * _IDXW)) * (2 * _IDXW)
    tail_rows = lax.slice(table, (full, 0), (V, D)).reshape(-1)
    t1d = _build_transpose(V, D, NC, NS)(jnp.transpose(table), tail_rows)
    table_lin = t1d.reshape(V, D)

    idx2d = jnp.transpose(tokens).reshape(H * B // _IDXW, _IDXW).astype(jnp.int32)
    out_phys = _build_gather_t(H, B, V, D, NC, NS)(idx2d, table_lin)
    return jnp.transpose(out_phys, (2, 0, 1))

# --- scband reference (transcript-rebuilt; emitter-appended) ---
"""Pipeline reference for scband-embedding-with-features-3590592660132 (READ-ONLY COPY).

The authoritative reference and input builder live on the scoring server;
editing this copy changes nothing except your own understanding.
"""

import jax, jax.numpy as jnp
import numpy as np

VOCAB = 1000000
TOKEN_DIM = 32
PAD_IDX = 38
BATCH = 4096
HIST = 200


def setup_inputs(seed: int = 0) -> dict:
    key = jax.random.key(seed)
    k1, k2 = jax.random.split(key)
    tokens = jax.random.randint(k1, (BATCH, HIST), 0, VOCAB, dtype=jnp.int64 if jax.config.jax_enable_x64 else jnp.int32)
    table = jax.random.normal(k2, (VOCAB, TOKEN_DIM), dtype=jnp.float32)
    # padding_idx row is initialized to zeros in torch nn.Embedding
    table = table.at[PAD_IDX].set(0.0)
    return {"tokens": tokens, "table": table}


def reference(tokens, table):
    # token_emb = self.token_embedding(tokens); no features; dropout p=0.0 (identity)
    token_emb = jnp.take(table, tokens, axis=0)
    return token_emb

if __name__ == "__main__":
    import jax
    _d = setup_inputs()
    print(jax.jit(kernel)(*tuple(_d.values())))

</pallas_src>

<mosaic_0001>
#map = affine_map<(d0, d1) -> (0, 0)>
#map1 = affine_map<(d0, d1) -> (0, 0, 0)>
module attributes {stable_mosaic.version = 14 : i64} {
  func.func @gather_kernel(%arg0: i32, %arg1: i32, %arg2: memref<6400x128xi32, #tpu.memory_space<hbm>>, %arg3: memref<1000000x32xf32, #tpu.memory_space<hbm>>, %arg4: memref<200x32x4096xf32, #tpu.memory_space<hbm>>, %arg5: memref<2x4x128xi32, #tpu.memory_space<vmem>>, %arg6: memref<2x4x128x32xf32, #tpu.memory_space<vmem>>, %arg7: memref<32x513xf32, #tpu.memory_space<vmem>>, %arg8: memref<!tpu.dma_semaphore, #tpu.memory_space<semaphore_mem>>, %arg9: memref<!tpu.dma_semaphore, #tpu.memory_space<semaphore_mem>>, %arg10: memref<!tpu.dma_semaphore, #tpu.memory_space<semaphore_mem>>) attributes {dimension_semantics = [#tpu.dimension_semantics<core_parallel>, #tpu.dimension_semantics<subcore_parallel>], iteration_bounds = array<i64: 2, 16>, scalar_prefetch = 0 : i64, scratch_operands = 6 : i64, tpu.core_type = #tpu.core_type<sc_vector_subcore>, window_params = [{transform_indices = #map}, {transform_indices = #map}, {transform_indices = #map1}]} {
    %mul3A = arith.constant 2 : i32
    %mul3A_0 = arith.muli %arg1, %mul3A : i32
    %add3A = arith.addi %mul3A_0, %arg0 : i32
    %mul3A_1 = arith.constant 50 : i32
    %mul3A_2 = arith.muli %add3A, %mul3A_1 : i32
    %iota3A = tpu.iota {dimensions = array<i32: 0>} : vector<16xi32>
    %add3A_3 = arith.constant 16 : i32
    %add3A_4 = vector.broadcast %add3A_3 : i32 to vector<16xi32>
    %add3A_5 = arith.addi %iota3A, %add3A_4 : vector<16xi32>
    %mul3A_6 = arith.constant 4 : i32
    %mul3A_7 = arith.muli %mul3A_2, %mul3A_6 : i32
    %run_scoped3A = arith.constant 0 : i32
    "tpu.region"() ({
      %run_scoped3A_163 = tpu.sem_alloc : memref<!tpu.dma_semaphore, #tpu.memory_space<semaphore_mem>>
      %dma_start3A_164 = arith.constant 0 : i32
      %dma_start3A_165 = arith.constant 0 : i32
      %dma_start3A_166 = tpu.memref_slice %arg5[%run_scoped3A, %dma_start3A_164, %dma_start3A_165] : memref<2x4x128xi32, #tpu.memory_space<vmem>> -> memref<1x4x128xi32, #tpu.memory_space<vmem>>
      %dma_start3A_167 = tpu.memref_squeeze %dma_start3A_166 : memref<1x4x128xi32, #tpu.memory_space<vmem>> -> memref<4x128xi32, #tpu.memory_space<vmem>>
      %dma_start3A_168 = arith.constant 0 : i32
      %dma_start3A_169 = tpu.memref_slice %arg2[%mul3A_7, %dma_start3A_168] : memref<6400x128xi32, #tpu.memory_space<hbm>> -> memref<4x128xi32, #tpu.memory_space<hbm>>
      %dma_start3A_170 = arith.constant 0 : i32
      %dma_start3A_171 = arith.constant 0 : i32
      %dma_start3A_172 = tpu.memref_slice %arg5[%run_scoped3A, %dma_start3A_170, %dma_start3A_171] : memref<2x4x128xi32, #tpu.memory_space<vmem>> -> memref<1x4x128xi32, #tpu.memory_space<vmem>>
      %dma_start3A_173 = tpu.memref_squeeze %dma_start3A_172 : memref<1x4x128xi32, #tpu.memory_space<vmem>> -> memref<4x128xi32, #tpu.memory_space<vmem>>
      %dma_start3A_174 = arith.constant 0 : i32
      %dma_start3A_175 = tpu.memref_slice %arg2[%mul3A_7, %dma_start3A_174] : memref<6400x128xi32, #tpu.memory_space<hbm>> -> memref<4x128xi32, #tpu.memory_space<hbm>>
      tpu.enqueue_dma source(%dma_start3A_175 : memref<4x128xi32, #tpu.memory_space<hbm>>) target(%dma_start3A_173 : memref<4x128xi32, #tpu.memory_space<vmem>>) target_semaphore(%run_scoped3A_163 : memref<!tpu.dma_semaphore, #tpu.memory_space<semaphore_mem>>)
      %dma_wait3A_176 = arith.constant 0 : i32
      %dma_wait3A_177 = arith.constant 0 : i32
      %dma_wait3A_178 = tpu.memref_slice %arg5[%run_scoped3A, %dma_wait3A_176, %dma_wait3A_177] : memref<2x4x128xi32, #tpu.memory_space<vmem>> -> memref<1x4x128xi32, #tpu.memory_space<vmem>>
      %dma_wait3A_179 = tpu.memref_squeeze %dma_wait3A_178 : memref<1x4x128xi32, #tpu.memory_space<vmem>> -> memref<4x128xi32, #tpu.memory_space<vmem>>
      %dma_wait3A_180 = arith.constant 0 : i32
      %dma_wait3A_181 = tpu.memref_slice %arg2[%mul3A_7, %dma_wait3A_180] : memref<6400x128xi32, #tpu.memory_space<hbm>> -> memref<4x128xi32, #tpu.memory_space<hbm>>
      %dma_wait3A_182 = arith.constant 0 : i32
      %dma_wait3A_183 = arith.constant 0 : i32
      %dma_wait3A_184 = tpu.memref_slice %arg5[%run_scoped3A, %dma_wait3A_182, %dma_wait3A_183] : memref<2x4x128xi32, #tpu.memory_space<vmem>> -> memref<1x4x128xi32, #tpu.memory_space<vmem>>
      %dma_wait3A_185 = tpu.memref_squeeze %dma_wait3A_184 : memref<1x4x128xi32, #tpu.memory_space<vmem>> -> memref<4x128xi32, #tpu.memory_space<vmem>>
      %dma_wait3A_186 = arith.constant 0 : i32
      %dma_wait3A_187 = tpu.memref_slice %arg2[%mul3A_7, %dma_wait3A_186] : memref<6400x128xi32, #tpu.memory_space<hbm>> -> memref<4x128xi32, #tpu.memory_space<hbm>>
      tpu.wait_dma2 semaphore(%run_scoped3A_163 : memref<!tpu.dma_semaphore, #tpu.memory_space<semaphore_mem>>) src(%dma_wait3A_187 : memref<4x128xi32, #tpu.memory_space<hbm>>) dst(%dma_wait3A_185 : memref<4x128xi32, #tpu.memory_space<vmem>>)
      tpu.yield
    }) : () -> ()
    %dma_start3A = arith.constant 0 : i32
    %dma_start3A_8 = arith.constant 0 : i32
    %dma_start3A_9 = arith.constant 0 : i32
    %dma_start3A_10 = arith.constant 0 : i32
    %dma_start3A_11 = arith.constant 0 : i32
    %dma_start3A_12 = arith.constant 0 : i32
    %dma_start3A_13 = arith.constant 0 : i32
    %dma_start3A_14 = tpu.memref_slice %arg6[%dma_start3A_9, %dma_start3A_11, %dma_start3A_12, %dma_start3A_13] : memref<2x4x128x32xf32, #tpu.memory_space<vmem>> -> memref<1x4x128x32xf32, #tpu.memory_space<vmem>>
    %dma_start3A_15 = tpu.memref_squeeze %dma_start3A_14 : memref<1x4x128x32xf32, #tpu.memory_space<vmem>> -> memref<4x128x32xf32, #tpu.memory_space<vmem>>
    %dma_start3A_16 = arith.constant 0 : i32
    %dma_start3A_17 = arith.constant 0 : i32
    %dma_start3A_18 = tpu.memref_slice %dma_start3A_15[%dma_start3A_10, %dma_start3A_16, %dma_start3A_17] : memref<4x128x32xf32, #tpu.memory_space<vmem>> -> memref<1x128x32xf32, #tpu.memory_space<vmem>>
    %dma_start3A_19 = tpu.memref_squeeze %dma_start3A_18 : memref<1x128x32xf32, #tpu.memory_space<vmem>> -> memref<128x32xf32, #tpu.memory_space<vmem>>
    %dma_start3A_20 = arith.constant 0 : i32
    %dma_start3A_21 = arith.constant 0 : i32
    %dma_start3A_22 = tpu.memref_slice %arg5[%dma_start3A, %dma_start3A_20, %dma_start3A_21] : memref<2x4x128xi32, #tpu.memory_space<vmem>> -> memref<1x4x128xi32, #tpu.memory_space<vmem>>
    %dma_start3A_23 = tpu.memref_squeeze %dma_start3A_22 : memref<1x4x128xi32, #tpu.memory_space<vmem>> -> memref<4x128xi32, #tpu.memory_space<vmem>>
    %dma_start3A_24 = arith.constant 0 : i32
    %dma_start3A_25 = tpu.memref_slice %dma_start3A_23[%dma_start3A_8, %dma_start3A_24] : memref<4x128xi32, #tpu.memory_space<vmem>> -> memref<1x128xi32, #tpu.memory_space<vmem>>
    %dma_start3A_26 = tpu.memref_squeeze %dma_start3A_25 : memref<1x128xi32, #tpu.memory_space<vmem>> -> memref<128xi32, #tpu.memory_space<vmem>>
    %dma_start3A_27 = arith.constant 0 : i32
    %dma_start3A_28 = arith.constant 0 : i32
    %dma_start3A_29 = tpu.memref_slice %arg3[%dma_start3A_27, %dma_start3A_28] : memref<1000000x32xf32, #tpu.memory_space<hbm>> -> memref<1000000x32xf32, #tpu.memory_space<hbm>>
    tpu.enqueue_indirect_dma source(%dma_start3A_29 : memref<1000000x32xf32, #tpu.memory_space<hbm>>) target(%dma_start3A_19 : memref<128x32xf32, #tpu.memory_space<vmem>>) offsets(%dma_start3A_26 : memref<128xi32, #tpu.memory_space<vmem>>) semaphore(%arg9 : memref<!tpu.dma_semaphore, #tpu.memory_space<semaphore_mem>>)
    %dma_start3A_30 = arith.constant 0 : i32
    %dma_start3A_31 = arith.constant 1 : i32
    %dma_start3A_32 = arith.constant 0 : i32
    %dma_start3A_33 = arith.constant 1 : i32
    %dma_start3A_34 = arith.constant 0 : i32
    %dma_start3A_35 = arith.constant 0 : i32
    %dma_start3A_36 = arith.constant 0 : i32
    %dma_start3A_37 = tpu.memref_slice %arg6[%dma_start3A_32, %dma_start3A_34, %dma_start3A_35, %dma_start3A_36] : memref<2x4x128x32xf32, #tpu.memory_space<vmem>> -> memref<1x4x128x32xf32, #tpu.memory_space<vmem>>
    %dma_start3A_38 = tpu.memref_squeeze %dma_start3A_37 : memref<1x4x128x32xf32, #tpu.memory_space<vmem>> -> memref<4x128x32xf32, #tpu.memory_space<vmem>>
    %dma_start3A_39 = arith.constant 0 : i32
    %dma_start3A_40 = arith.constant 0 : i32
    %dma_start3A_41 = tpu.memref_slice %dma_start3A_38[%dma_start3A_33, %dma_start3A_39, %dma_start3A_40] : memref<4x128x32xf32, #tpu.memory_space<vmem>> -> memref<1x128x32xf32, #tpu.memory_space<vmem>>
    %dma_start3A_42 = tpu.memref_squeeze %dma_start3A_41 : memref<1x128x32xf32, #tpu.memory_space<vmem>> -> memref<128x32xf32, #tpu.memory_space<vmem>>
    %dma_start3A_43 = arith.constant 0 : i32
    %dma_start3A_44 = arith.constant 0 : i32
    %dma_start3A_45 = tpu.memref_slice %arg5[%dma_start3A_30, %dma_start3A_43, %dma_start3A_44] : memref<2x4x128xi32, #tpu.memory_space<vmem>> -> memref<1x4x128xi32, #tpu.memory_space<vmem>>
    %dma_start3A_46 = tpu.memref_squeeze %dma_start3A_45 : memref<1x4x128xi32, #tpu.memory_space<vmem>> -> memref<4x128xi32, #tpu.memory_space<vmem>>
    %dma_start3A_47 = arith.constant 0 : i32
    %dma_start3A_48 = tpu.memref_slice %dma_start3A_46[%dma_start3A_31, %dma_start3A_47] : memref<4x128xi32, #tpu.memory_space<vmem>> -> memref<1x128xi32, #tpu.memory_space<vmem>>
    %dma_start3A_49 = tpu.memref_squeeze %dma_start3A_48 : memref<1x128xi32, #tpu.memory_space<vmem>> -> memref<128xi32, #tpu.memory_space<vmem>>
    %dma_start3A_50 = arith.constant 0 : i32
    %dma_start3A_51 = arith.constant 0 : i32
    %dma_start3A_52 = tpu.memref_slice %arg3[%dma_start3A_50, %dma_start3A_51] : memref<1000000x32xf32, #tpu.memory_space<hbm>> -> memref<1000000x32xf32, #tpu.memory_space<hbm>>
    tpu.enqueue_indirect_dma source(%dma_start3A_52 : memref<1000000x32xf32, #tpu.memory_space<hbm>>) target(%dma_start3A_42 : memref<128x32xf32, #tpu.memory_space<vmem>>) offsets(%dma_start3A_49 : memref<128xi32, #tpu.memory_space<vmem>>) semaphore(%arg9 : memref<!tpu.dma_semaphore, #tpu.memory_space<semaphore_mem>>)
    %dma_start3A_53 = arith.constant 0 : i32
    %dma_start3A_54 = arith.constant 2 : i32
    %dma_start3A_55 = arith.constant 0 : i32
    %dma_start3A_56 = arith.constant 2 : i32
    %dma_start3A_57 = arith.constant 0 : i32
    %dma_start3A_58 = arith.constant 0 : i32
    %dma_start3A_59 = arith.constant 0 : i32
    %dma_start3A_60 = tpu.memref_slice %arg6[%dma_start3A_55, %dma_start3A_57, %dma_start3A_58, %dma_start3A_59] : memref<2x4x128x32xf32, #tpu.memory_space<vmem>> -> memref<1x4x128x32xf32, #tpu.memory_space<vmem>>
    %dma_start3A_61 = tpu.memref_squeeze %dma_start3A_60 : memref<1x4x128x32xf32, #tpu.memory_space<vmem>> -> memref<4x128x32xf32, #tpu.memory_space<vmem>>
    %dma_start3A_62 = arith.constant 0 : i32
    %dma_start3A_63 = arith.constant 0 : i32
    %dma_start3A_64 = tpu.memref_slice %dma_start3A_61[%dma_start3A_56, %dma_start3A_62, %dma_start3A_63] : memref<4x128x32xf32, #tpu.memory_space<vmem>> -> memref<1x128x32xf32, #tpu.memory_space<vmem>>
    %dma_start3A_65 = tpu.memref_squeeze %dma_start3A_64 : memref<1x128x32xf32, #tpu.memory_space<vmem>> -> memref<128x32xf32, #tpu.memory_space<vmem>>
    %dma_start3A_66 = arith.constant 0 : i32
    %dma_start3A_67 = arith.constant 0 : i32
    %dma_start3A_68 = tpu.memref_slice %arg5[%dma_start3A_53, %dma_start3A_66, %dma_start3A_67] : memref<2x4x128xi32, #tpu.memory_space<vmem>> -> memref<1x4x128xi32, #tpu.memory_space<vmem>>
    %dma_start3A_69 = tpu.memref_squeeze %dma_start3A_68 : memref<1x4x128xi32, #tpu.memory_space<vmem>> -> memref<4x128xi32, #tpu.memory_space<vmem>>
    %dma_start3A_70 = arith.constant 0 : i32
    %dma_start3A_71 = tpu.memref_slice %dma_start3A_69[%dma_start3A_54, %dma_start3A_70] : memref<4x128xi32, #tpu.memory_space<vmem>> -> memref<1x128xi32, #tpu.memory_space<vmem>>
    %dma_start3A_72 = tpu.memref_squeeze %dma_start3A_71 : memref<1x128xi32, #tpu.memory_space<vmem>> -> memref<128xi32, #tpu.memory_space<vmem>>
    %dma_start3A_73 = arith.constant 0 : i32
    %dma_start3A_74 = arith.constant 0 : i32
    %dma_start3A_75 = tpu.memref_slice %arg3[%dma_start3A_73, %dma_start3A_74] : memref<1000000x32xf32, #tpu.memory_space<hbm>> -> memref<1000000x32xf32, #tpu.memory_space<hbm>>
    tpu.enqueue_indirect_dma source(%dma_start3A_75 : memref<1000000x32xf32, #tpu.memory_space<hbm>>) target(%dma_start3A_65 : memref<128x32xf32, #tpu.memory_space<vmem>>) offsets(%dma_start3A_72 : memref<128xi32, #tpu.memory_space<vmem>>) semaphore(%arg9 : memref<!tpu.dma_semaphore, #tpu.memory_space<semaphore_mem>>)
    %dma_start3A_76 = arith.constant 0 : i32
    %dma_start3A_77 = arith.constant 3 : i32
    %dma_start3A_78 = arith.constant 0 : i32
    %dma_start3A_79 = arith.constant 3 : i32
    %dma_start3A_80 = arith.constant 0 : i32
    %dma_start3A_81 = arith.constant 0 : i32
    %dma_start3A_82 = arith.constant 0 : i32
    %dma_start3A_83 = tpu.memref_slice %arg6[%dma_start3A_78, %dma_start3A_80, %dma_start3A_81, %dma_start3A_82] : memref<2x4x128x32xf32, #tpu.memory_space<vmem>> -> memref<1x4x128x32xf32, #tpu.memory_space<vmem>>
    %dma_start3A_84 = tpu.memref_squeeze %dma_start3A_83 : memref<1x4x128x32xf32, #tpu.memory_space<vmem>> -> memref<4x128x32xf32, #tpu.memory_space<vmem>>
    %dma_start3A_85 = arith.constant 0 : i32
    %dma_start3A_86 = arith.constant 0 : i32
    %dma_start3A_87 = tpu.memref_slice %dma_start3A_84[%dma_start3A_79, %dma_start3A_85, %dma_start3A_86] : memref<4x128x32xf32, #tpu.memory_space<vmem>> -> memref<1x128x32xf32, #tpu.memory_space<vmem>>
    %dma_start3A_88 = tpu.memref_squeeze %dma_start3A_87 : memref<1x128x32xf32, #tpu.memory_space<vmem>> -> memref<128x32xf32, #tpu.memory_space<vmem>>
    %dma_start3A_89 = arith.constant 0 : i32
    %dma_start3A_90 = arith.constant 0 : i32
    %dma_start3A_91 = tpu.memref_slice %arg5[%dma_start3A_76, %dma_start3A_89, %dma_start3A_90] : memref<2x4x128xi32, #tpu.memory_space<vmem>> -> memref<1x4x128xi32, #tpu.memory_space<vmem>>
    %dma_start3A_92 = tpu.memref_squeeze %dma_start3A_91 : memref<1x4x128xi32, #tpu.memory_space<vmem>> -> memref<4x128xi32, #tpu.memory_space<vmem>>
    %dma_start3A_93 = arith.constant 0 : i32
    %dma_start3A_94 = tpu.memref_slice %dma_start3A_92[%dma_start3A_77, %dma_start3A_93] : memref<4x128xi32, #tpu.memory_space<vmem>> -> memref<1x128xi32, #tpu.memory_space<vmem>>
    %dma_start3A_95 = tpu.memref_squeeze %dma_start3A_94 : memref<1x128xi32, #tpu.memory_space<vmem>> -> memref<128xi32, #tpu.memory_space<vmem>>
    %dma_start3A_96 = arith.constant 0 : i32
    %dma_start3A_97 = arith.constant 0 : i32
    %dma_start3A_98 = tpu.memref_slice %arg3[%dma_start3A_96, %dma_start3A_97] : memref<1000000x32xf32, #tpu.memory_space<hbm>> -> memref<1000000x32xf32, #tpu.memory_space<hbm>>
    tpu.enqueue_indirect_dma source(%dma_start3A_98 : memref<1000000x32xf32, #tpu.memory_space<hbm>>) target(%dma_start3A_88 : memref<128x32xf32, #tpu.memory_space<vmem>>) offsets(%dma_start3A_95 : memref<128xi32, #tpu.memory_space<vmem>>) semaphore(%arg9 : memref<!tpu.dma_semaphore, #tpu.memory_space<semaphore_mem>>)
    %add3A_99 = arith.constant 1 : i32
    %add3A_100 = arith.addi %mul3A_2, %add3A_99 : i32
    %mul3A_101 = arith.constant 4 : i32
    %mul3A_102 = arith.muli %add3A_100, %mul3A_101 : i32
    %dma_start3A_103 = arith.constant 1 : i32
    %dma_start3A_104 = arith.constant 0 : i32
    %dma_start3A_105 = arith.constant 0 : i32
    %dma_start3A_106 = tpu.memref_slice %arg5[%dma_start3A_103, %dma_start3A_104, %dma_start3A_105] : memref<2x4x128xi32, #tpu.memory_space<vmem>> -> memref<1x4x128xi32, #tpu.memory_space<vmem>>
    %dma_start3A_107 = tpu.memref_squeeze %dma_start3A_106 : memref<1x4x128xi32, #tpu.memory_space<vmem>> -> memref<4x128xi32, #tpu.memory_space<vmem>>
    %dma_start3A_108 = arith.constant 0 : i32
    %dma_start3A_109 = tpu.memref_slice %arg2[%mul3A_102, %dma_start3A_108] : memref<6400x128xi32, #tpu.memory_space<hbm>> -> memref<4x128xi32, #tpu.memory_space<hbm>>
    %dma_start3A_110 = arith.constant 0 : i32
    %dma_start3A_111 = arith.constant 0 : i32
    %dma_start3A_112 = tpu.memref_slice %arg5[%dma_start3A_103, %dma_start3A_110, %dma_start3A_111] : memref<2x4x128xi32, #tpu.memory_space<vmem>> -> memref<1x4x128xi32, #tpu.memory_space<vmem>>
    %dma_start3A_113 = tpu.memref_squeeze %dma_start3A_112 : memref<1x4x128xi32, #tpu.memory_space<vmem>> -> memref<4x128xi32, #tpu.memory_space<vmem>>
    %dma_start3A_114 = arith.constant 0 : i32
    %dma_start3A_115 = tpu.memref_slice %arg2[%mul3A_102, %dma_start3A_114] : memref<6400x128xi32, #tpu.memory_space<hbm>> -> memref<4x128xi32, #tpu.memory_space<hbm>>
    tpu.enqueue_dma source(%dma_start3A_115 : memref<4x128xi32, #tpu.memory_space<hbm>>) target(%dma_start3A_113 : memref<4x128xi32, #tpu.memory_space<vmem>>) target_semaphore(%arg8 : memref<!tpu.dma_semaphore, #tpu.memory_space<semaphore_mem>>)
    %scan3A = arith.constant 0 : i32
    %scan3A_116 = arith.constant 25 : i32
    %scan3A_117 = arith.addi %scan3A, %scan3A_116 : i32
    %scan3A_118 = arith.constant 1 : i32
    scf.for %scan3A_163 = %scan3A to %scan3A_117 step %scan3A_118  : i32 {
      %mul3A_164 = arith.constant 1 : i32
      %mul3A_165 = arith.muli %scan3A_163, %mul3A_164 : i32
      %add3A_166 = arith.constant 0 : i32
      %add3A_167 = arith.addi %add3A_166, %mul3A_165 : i32
      %mul3A_168 = arith.constant 2 : i32
      %mul3A_169 = arith.muli %add3A_167, %mul3A_168 : i32
      %add3A_170 = arith.constant 0 : i32
      %add3A_171 = arith.addi %mul3A_169, %add3A_170 : i32
      %add3A_172 = arith.addi %mul3A_2, %add3A_171 : i32
      %dma_wait3A_173 = arith.constant 0 : i32
      %dma_wait3A_174 = arith.constant 0 : i32
      %dma_wait3A_175 = arith.constant 0 : i32
      %dma_wait3A_176 = arith.constant 0 : i32
      %dma_wait3A_177 = arith.constant 0 : i32
      %dma_wait3A_178 = tpu.memref_slice %arg6[%dma_wait3A_173, %dma_wait3A_175, %dma_wait3A_176, %dma_wait3A_177] : memref<2x4x128x32xf32, #tpu.memory_space<vmem>> -> memref<1x4x128x32xf32, #tpu.memory_space<vmem>>
      %dma_wait3A_179 = tpu.memref_squeeze %dma_wait3A_178 : memref<1x4x128x32xf32, #tpu.memory_space<vmem>> -> memref<4x128x32xf32, #tpu.memory_space<vmem>>
      %dma_wait3A_180 = arith.constant 0 : i32
      %dma_wait3A_181 = arith.constant 0 : i32
      %dma_wait3A_182 = tpu.memref_slice %dma_wait3A_179[%dma_wait3A_174, %dma_wait3A_180, %dma_wait3A_181] : memref<4x128x32xf32, #tpu.memory_space<vmem>> -> memref<1x128x32xf32, #tpu.memory_space<vmem>>
      %dma_wait3A_183 = tpu.memref_squeeze %dma_wait3A_182 : memref<1x128x32xf32, #tpu.memory_space<vmem>> -> memref<128x32xf32, #tpu.memory_space<vmem>>
      %dma_wait3A_184 = arith.constant 0 : i32
      %dma_wait3A_185 = arith.constant 0 : i32
      %dma_wait3A_186 = tpu.memref_slice %arg3[%dma_wait3A_184, %dma_wait3A_185] : memref<1000000x32xf32, #tpu.memory_space<hbm>> -> memref<128x32xf32, #tpu.memory_space<hbm>>
      %dma_wait3A_187 = arith.constant 0 : i32
      %dma_wait3A_188 = arith.constant 0 : i32
      %dma_wait3A_189 = arith.constant 0 : i32
      %dma_wait3A_190 = tpu.memref_slice %arg6[%dma_wait3A_173, %dma_wait3A_187, %dma_wait3A_188, %dma_wait3A_189] : memref<2x4x128x32xf32, #tpu.memory_space<vmem>> -> memref<1x4x128x32xf32, #tpu.memory_space<vmem>>
      %dma_wait3A_191 = tpu.memref_squeeze %dma_wait3A_190 : memref<1x4x128x32xf32, #tpu.memory_space<vmem>> -> memref<4x128x32xf32, #tpu.memory_space<vmem>>
      %dma_wait3A_192 = arith.constant 0 : i32
      %dma_wait3A_193 = arith.constant 0 : i32
      %dma_wait3A_194 = tpu.memref_slice %dma_wait3A_191[%dma_wait3A_174, %dma_wait3A_192, %dma_wait3A_193] : memref<4x128x32xf32, #tpu.memory_space<vmem>> -> memref<1x128x32xf32, #tpu.memory_space<vmem>>
      %dma_wait3A_195 = tpu.memref_squeeze %dma_wait3A_194 : memref<1x128x32xf32, #tpu.memory_space<vmem>> -> memref<128x32xf32, #tpu.memory_space<vmem>>
      %dma_wait3A_196 = arith.constant 0 : i32
      %dma_wait3A_197 = arith.constant 0 : i32
      %dma_wait3A_198 = tpu.memref_slice %arg3[%dma_wait3A_196, %dma_wait3A_197] : memref<1000000x32xf32, #tpu.memory_space<hbm>> -> memref<128x32xf32, #tpu.memory_space<hbm>>
      tpu.wait_dma2 semaphore(%arg9 : memref<!tpu.dma_semaphore, #tpu.memory_space<semaphore_mem>>) src(%dma_wait3A_198 : memref<128x32xf32, #tpu.memory_space<hbm>>) dst(%dma_wait3A_195 : memref<128x32xf32, #tpu.memory_space<vmem>>)
      %dma_wait3A_199 = arith.constant 0 : i32
      %dma_wait3A_200 = arith.constant 1 : i32
      %dma_wait3A_201 = arith.constant 0 : i32
      %dma_wait3A_202 = arith.constant 0 : i32
      %dma_wait3A_203 = arith.constant 0 : i32
      %dma_wait3A_204 = tpu.memref_slice %arg6[%dma_wait3A_199, %dma_wait3A_201, %dma_wait3A_202, %dma_wait3A_203] : memref<2x4x128x32xf32, #tpu.memory_space<vmem>> -> memref<1x4x128x32xf32, #tpu.memory_space<vmem>>
      %dma_wait3A_205 = tpu.memref_squeeze %dma_wait3A_204 : memref<1x4x128x32xf32, #tpu.memory_space<vmem>> -> memref<4x128x32xf32, #tpu.memory_space<vmem>>
      %dma_wait3A_206 = arith.constant 0 : i32
      %dma_wait3A_207 = arith.constant 0 : i32
      %dma_wait3A_208 = tpu.memref_slice %dma_wait3A_205[%dma_wait3A_200, %dma_wait3A_206, %dma_wait3A_207] : memref<4x128x32xf32, #tpu.memory_space<vmem>> -> memref<1x128x32xf32, #tpu.memory_space<vmem>>
      %dma_wait3A_209 = tpu.memref_squeeze %dma_wait3A_208 : memref<1x128x32xf32, #tpu.memory_space<vmem>> -> memref<128x32xf32, #tpu.memory_space<vmem>>
      %dma_wait3A_210 = arith.constant 0 : i32
      %dma_wait3A_211 = arith.constant 0 : i32
      %dma_wait3A_212 = tpu.memref_slice %arg3[%dma_wait3A_210, %dma_wait3A_211] : memref<1000000x32xf32, #tpu.memory_space<hbm>> -> memref<128x32xf32, #tpu.memory_space<hbm>>
      %dma_wait3A_213 = arith.constant 0 : i32
      %dma_wait3A_214 = arith.constant 0 : i32
      %dma_wait3A_215 = arith.constant 0 : i32
      %dma_wait3A_216 = tpu.memref_slice %arg6[%dma_wait3A_199, %dma_wait3A_213, %dma_wait3A_214, %dma_wait3A_215] : memref<2x4x128x32xf32, #tpu.memory_space<vmem>> -> memref<1x4x128x32xf32, #tpu.memory_space<vmem>>
      %dma_wait3A_217 = tpu.memref_squeeze %dma_wait3A_216 : memref<1x4x128x32xf32, #tpu.memory_space<vmem>> -> memref<4x128x32xf32, #tpu.memory_space<vmem>>
      %dma_wait3A_218 = arith.constant 0 : i32
      %dma_wait3A_219 = arith.constant 0 : i32
      %dma_wait3A_220 = tpu.memref_slice %dma_wait3A_217[%dma_wait3A_200, %dma_wait3A_218, %dma_wait3A_219] : memref<4x128x32xf32, #tpu.memory_space<vmem>> -> memref<1x128x32xf32, #tpu.memory_space<vmem>>
      %dma_wait3A_221 = tpu.memref_squeeze %dma_wait3A_220 : memref<1x128x32xf32, #tpu.memory_space<vmem>> -> memref<128x32xf32, #tpu.memory_space<vmem>>
      %dma_wait3A_222 = arith.constant 0 : i32
      %dma_wait3A_223 = arith.constant 0 : i32
      %dma_wait3A_224 = tpu.memref_slice %arg3[%dma_wait3A_222, %dma_wait3A_223] : memref<1000000x32xf32, #tpu.memory_space<hbm>> -> memref<128x32xf32, #tpu.memory_space<hbm>>
      tpu.wait_dma2 semaphore(%arg9 : memref<!tpu.dma_semaphore, #tpu.memory_space<semaphore_mem>>) src(%dma_wait3A_224 : memref<128x32xf32, #tpu.memory_space<hbm>>) dst(%dma_wait3A_221 : memref<128x32xf32, #tpu.memory_space<vmem>>)
      %dma_wait3A_225 = arith.constant 0 : i32
      %dma_wait3A_226 = arith.constant 2 : i32
      %dma_wait3A_227 = arith.constant 0 : i32
      %dma_wait3A_228 = arith.constant 0 : i32
      %dma_wait3A_229 = arith.constant 0 : i32
      %dma_wait3A_230 = tpu.memref_slice %arg6[%dma_wait3A_225, %dma_wait3A_227, %dma_wait3A_228, %dma_wait3A_229] : memref<2x4x128x32xf32, #tpu.memory_space<vmem>> -> memref<1x4x128x32xf32, #tpu.memory_space<vmem>>
      %dma_wait3A_231 = tpu.memref_squeeze %dma_wait3A_230 : memref<1x4x128x32xf32, #tpu.memory_space<vmem>> -> memref<4x128x32xf32, #tpu.memory_space<vmem>>
      %dma_wait3A_232 = arith.constant 0 : i32
      %dma_wait3A_233 = arith.constant 0 : i32
      %dma_wait3A_234 = tpu.memref_slice %dma_wait3A_231[%dma_wait3A_226, %dma_wait3A_232, %dma_wait3A_233] : memref<4x128x32xf32, #tpu.memory_space<vmem>> -> memref<1x128x32xf32, #tpu.memory_space<vmem>>
      %dma_wait3A_235 = tpu.memref_squeeze %dma_wait3A_234 : memref<1x128x32xf32, #tpu.memory_space<vmem>> -> memref<128x32xf32, #tpu.memory_space<vmem>>
      %dma_wait3A_236 = arith.constant 0 : i32
      %dma_wait3A_237 = arith.constant 0 : i32
      %dma_wait3A_238 = tpu.memref_slice %arg3[%dma_wait3A_236, %dma_wait3A_237] : memref<1000000x32xf32, #tpu.memory_space<hbm>> -> memref<128x32xf32, #tpu.memory_space<hbm>>
      %dma_wait3A_239 = arith.constant 0 : i32
      %dma_wait3A_240 = arith.constant 0 : i32
      %dma_wait3A_241 = arith.constant 0 : i32
      %dma_wait3A_242 = tpu.memref_slice %arg6[%dma_wait3A_225, %dma_wait3A_239, %dma_wait3A_240, %dma_wait3A_241] : memref<2x4x128x32xf32, #tpu.memory_space<vmem>> -> memref<1x4x128x32xf32, #tpu.memory_space<vmem>>
      %dma_wait3A_243 = tpu.memref_squeeze %dma_wait3A_242 : memref<1x4x128x32xf32, #tpu.memory_space<vmem>> -> memref<4x128x32xf32, #tpu.memory_space<vmem>>
      %dma_wait3A_244 = arith.constant 0 : i32
      %dma_wait3A_245 = arith.constant 0 : i32
      %dma_wait3A_246 = tpu.memref_slice %dma_wait3A_243[%dma_wait3A_226, %dma_wait3A_244, %dma_wait3A_245] : memref<4x128x32xf32, #tpu.memory_space<vmem>> -> memref<1x128x32xf32, #tpu.memory_space<vmem>>
      %dma_wait3A_247 = tpu.memref_squeeze %dma_wait3A_246 : memref<1x128x32xf32, #tpu.memory_space<vmem>> -> memref<128x32xf32, #tpu.memory_space<vmem>>
      %dma_wait3A_248 = arith.constant 0 : i32
      %dma_wait3A_249 = arith.constant 0 : i32
      %dma_wait3A_250 = tpu.memref_slice %arg3[%dma_wait3A_248, %dma_wait3A_249] : memref<1000000x32xf32, #tpu.memory_space<hbm>> -> memref<128x32xf32, #tpu.memory_space<hbm>>
      tpu.wait_dma2 semaphore(%arg9 : memref<!tpu.dma_semaphore, #tpu.memory_space<semaphore_mem>>) src(%dma_wait3A_250 : memref<128x32xf32, #tpu.memory_space<hbm>>) dst(%dma_wait3A_247 : memref<128x32xf32, #tpu.memory_space<vmem>>)
      %dma_wait3A_251 = arith.constant 0 : i32
      %dma_wait3A_252 = arith.constant 3 : i32
      %dma_wait3A_253 = arith.constant 0 : i32
      %dma_wait3A_254 = arith.constant 0 : i32
      %dma_wait3A_255 = arith.constant 0 : i32
      %dma_wait3A_256 = tpu.memref_slice %arg6[%dma_wait3A_251, %dma_wait3A_253, %dma_wait3A_254, %dma_wait3A_255] : memref<2x4x128x32xf32, #tpu.memory_space<vmem>> -> memref<1x4x128x32xf32, #tpu.memory_space<vmem>>
      %dma_wait3A_257 = tpu.memref_squeeze %dma_wait3A_256 : memref<1x4x128x32xf32, #tpu.memory_space<vmem>> -> memref<4x128x32xf32, #tpu.memory_space<vmem>>
      %dma_wait3A_258 = arith.constant 0 : i32
      %dma_wait3A_259 = arith.constant 0 : i32
      %dma_wait3A_260 = tpu.memref_slice %dma_wait3A_257[%dma_wait3A_252, %dma_wait3A_258, %dma_wait3A_259] : memref<4x128x32xf32, #tpu.memory_space<vmem>> -> memref<1x128x32xf32, #tpu.memory_space<vmem>>
      %dma_wait3A_261 = tpu.memref_squeeze %dma_wait3A_260 : memref<1x128x32xf32, #tpu.memory_space<vmem>> -> memref<128x32xf32, #tpu.memory_space<vmem>>
      %dma_wait3A_262 = arith.constant 0 : i32
      %dma_wait3A_263 = arith.constant 0 : i32
      %dma_wait3A_264 = tpu.memref_slice %arg3[%dma_wait3A_262, %dma_wait3A_263] : memref<1000000x32xf32, #tpu.memory_space<hbm>> -> memref<128x32xf32, #tpu.memory_space<hbm>>
      %dma_wait3A_265 = arith.constant 0 : i32
      %dma_wait3A_266 = arith.constant 0 : i32
      %dma_wait3A_267 = arith.constant 0 : i32
      %dma_wait3A_268 = tpu.memref_slice %arg6[%dma_wait3A_251, %dma_wait3A_265, %dma_wait3A_266, %dma_wait3A_267] : memref<2x4x128x32xf32, #tpu.memory_space<vmem>> -> memref<1x4x128x32xf32, #tpu.memory_space<vmem>>
      %dma_wait3A_269 = tpu.memref_squeeze %dma_wait3A_268 : memref<1x4x128x32xf32, #tpu.memory_space<vmem>> -> memref<4x128x32xf32, #tpu.memory_space<vmem>>
      %dma_wait3A_270 = arith.constant 0 : i32
      %dma_wait3A_271 = arith.constant 0 : i32
      %dma_wait3A_272 = tpu.memref_slice %dma_wait3A_269[%dma_wait3A_252, %dma_wait3A_270, %dma_wait3A_271] : memref<4x128x32xf32, #tpu.memory_space<vmem>> -> memref<1x128x32xf32, #tpu.memory_space<vmem>>
      %dma_wait3A_273 = tpu.memref_squeeze %dma_wait3A_272 : memref<1x128x32xf32, #tpu.memory_space<vmem>> -> memref<128x32xf32, #tpu.memory_space<vmem>>
      %dma_wait3A_274 = arith.constant 0 : i32
      %dma_wait3A_275 = arith.constant 0 : i32
      %dma_wait3A_276 = tpu.memref_slice %arg3[%dma_wait3A_274, %dma_wait3A_275] : memref<1000000x32xf32, #tpu.memory_space<hbm>> -> memref<128x32xf32, #tpu.memory_space<hbm>>
      tpu.wait_dma2 semaphore(%arg9 : memref<!tpu.dma_semaphore, #tpu.memory_space<semaphore_mem>>) src(%dma_wait3A_276 : memref<128x32xf32, #tpu.memory_space<hbm>>) dst(%dma_wait3A_273 : memref<128x32xf32, #tpu.memory_space<vmem>>)
      %lt3A_277 = arith.constant 49 : i32
      %lt3A_278 = arith.cmpi slt, %add3A_171, %lt3A_277 : i32
      %convert_element_type3A = arith.extui %lt3A_278 : i1 to i32
      %cond3A = arith.constant 0 : i32
      %cond3A_279 = arith.cmpi ne, %convert_element_type3A, %cond3A : i32
      scf.if %cond3A_279 {
        %dma_wait3A_531 = arith.constant 1 : i32
        %dma_wait3A_532 = arith.constant 0 : i32
        %dma_wait3A_533 = arith.constant 0 : i32
        %dma_wait3A_534 = tpu.memref_slice %arg5[%dma_wait3A_531, %dma_wait3A_532, %dma_wait3A_533] : memref<2x4x128xi32, #tpu.memory_space<vmem>> -> memref<1x4x128xi32, #tpu.memory_space<vmem>>
        %dma_wait3A_535 = tpu.memref_squeeze %dma_wait3A_534 : memref<1x4x128xi32, #tpu.memory_space<vmem>> -> memref<4x128xi32, #tpu.memory_space<vmem>>
        %dma_wait3A_536 = arith.constant 0 : i32
        %dma_wait3A_537 = arith.constant 0 : i32
        %dma_wait3A_538 = tpu.memref_slice %arg2[%dma_wait3A_536, %dma_wait3A_537] : memref<6400x128xi32, #tpu.memory_space<hbm>> -> memref<4x128xi32, #tpu.memory_space<hbm>>
        %dma_wait3A_539 = arith.constant 0 : i32
        %dma_wait3A_540 = arith.constant 0 : i32
        %dma_wait3A_541 = tpu.memref_slice %arg5[%dma_wait3A_531, %dma_wait3A_539, %dma_wait3A_540] : memref<2x4x128xi32, #tpu.memory_space<vmem>> -> memref<1x4x128xi32, #tpu.memory_space<vmem>>
        %dma_wait3A_542 = tpu.memref_squeeze %dma_wait3A_541 : memref<1x4x128xi32, #tpu.memory_space<vmem>> -> memref<4x128xi32, #tpu.memory_space<vmem>>
        %dma_wait3A_543 = arith.constant 0 : i32
        %dma_wait3A_544 = arith.constant 0 : i32
        %dma_wait3A_545 = tpu.memref_slice %arg2[%dma_wait3A_543, %dma_wait3A_544] : memref<6400x128xi32, #tpu.memory_space<hbm>> -> memref<4x128xi32, #tpu.memory_space<hbm>>
        tpu.wait_dma2 semaphore(%arg8 : memref<!tpu.dma_semaphore, #tpu.memory_space<semaphore_mem>>) src(%dma_wait3A_545 : memref<4x128xi32, #tpu.memory_space<hbm>>) dst(%dma_wait3A_542 : memref<4x128xi32, #tpu.memory_space<vmem>>)
        %dma_start3A_546 = arith.constant 1 : i32
        %dma_start3A_547 = arith.constant 0 : i32
        %dma_start3A_548 = arith.constant 1 : i32
        %dma_start3A_549 = arith.constant 0 : i32
        %dma_start3A_550 = arith.constant 0 : i32
        %dma_start3A_551 = arith.constant 0 : i32
        %dma_start3A_552 = arith.constant 0 : i32
        %dma_start3A_553 = tpu.memref_slice %arg6[%dma_start3A_548, %dma_start3A_550, %dma_start3A_551, %dma_start3A_552] : memref<2x4x128x32xf32, #tpu.memory_space<vmem>> -> memref<1x4x128x32xf32, #tpu.memory_space<vmem>>
        %dma_start3A_554 = tpu.memref_squeeze %dma_start3A_553 : memref<1x4x128x32xf32, #tpu.memory_space<vmem>> -> memref<4x128x32xf32, #tpu.memory_space<vmem>>
        %dma_start3A_555 = arith.constant 0 : i32
        %dma_start3A_556 = arith.constant 0 : i32
        %dma_start3A_557 = tpu.memref_slice %dma_start3A_554[%dma_start3A_549, %dma_start3A_555, %dma_start3A_556] : memref<4x128x32xf32, #tpu.memory_space<vmem>> -> memref<1x128x32xf32, #tpu.memory_space<vmem>>
        %dma_start3A_558 = tpu.memref_squeeze %dma_start3A_557 : memref<1x128x32xf32, #tpu.memory_space<vmem>> -> memref<128x32xf32, #tpu.memory_space<vmem>>
        %dma_start3A_559 = arith.constant 0 : i32
        %dma_start3A_560 = arith.constant 0 : i32
        %dma_start3A_561 = tpu.memref_slice %arg5[%dma_start3A_546, %dma_start3A_559, %dma_start3A_560] : memref<2x4x128xi32, #tpu.memory_space<vmem>> -> memref<1x4x128xi32, #tpu.memory_space<vmem>>
        %dma_start3A_562 = tpu.memref_squeeze %dma_start3A_561 : memref<1x4x128xi32, #tpu.memory_space<vmem>> -> memref<4x128xi32, #tpu.memory_space<vmem>>
        %dma_start3A_563 = arith.constant 0 : i32
        %dma_start3A_564 = tpu.memref_slice %dma_start3A_562[%dma_start3A_547, %dma_start3A_563] : memref<4x128xi32, #tpu.memory_space<vmem>> -> memref<1x128xi32, #tpu.memory_space<vmem>>
        %dma_start3A_565 = tpu.memref_squeeze %dma_start3A_564 : memref<1x128xi32, #tpu.memory_space<vmem>> -> memref<128xi32, #tpu.memory_space<vmem>>
        %dma_start3A_566 = arith.constant 0 : i32
        %dma_start3A_567 = arith.constant 0 : i32
        %dma_start3A_568 = tpu.memref_slice %arg3[%dma_start3A_566, %dma_start3A_567] : memref<1000000x32xf32, #tpu.memory_space<hbm>> -> memref<1000000x32xf32, #tpu.memory_space<hbm>>
        tpu.enqueue_indirect_dma source(%dma_start3A_568 : memref<1000000x32xf32, #tpu.memory_space<hbm>>) target(%dma_start3A_558 : memref<128x32xf32, #tpu.memory_space<vmem>>) offsets(%dma_start3A_565 : memref<128xi32, #tpu.memory_space<vmem>>) semaphore(%arg9 : memref<!tpu.dma_semaphore, #tpu.memory_space<semaphore_mem>>)
        %dma_start3A_569 = arith.constant 1 : i32
        %dma_start3A_570 = arith.constant 1 : i32
        %dma_start3A_571 = arith.constant 1 : i32
        %dma_start3A_572 = arith.constant 1 : i32
        %dma_start3A_573 = arith.constant 0 : i32
        %dma_start3A_574 = arith.constant 0 : i32
        %dma_start3A_575 = arith.constant 0 : i32
        %dma_start3A_576 = tpu.memref_slice %arg6[%dma_start3A_571, %dma_start3A_573, %dma_start3A_574, %dma_start3A_575] : memref<2x4x128x32xf32, #tpu.memory_space<vmem>> -> memref<1x4x128x32xf32, #tpu.memory_space<vmem>>
        %dma_start3A_577 = tpu.memref_squeeze %dma_start3A_576 : memref<1x4x128x32xf32, #tpu.memory_space<vmem>> -> memref<4x128x32xf32, #tpu.memory_space<vmem>>
        %dma_start3A_578 = arith.constant 0 : i32
        %dma_start3A_579 = arith.constant 0 : i32
        %dma_start3A_580 = tpu.memref_slice %dma_start3A_577[%dma_start3A_572, %dma_start3A_578, %dma_start3A_579] : memref<4x128x32xf32, #tpu.memory_space<vmem>> -> memref<1x128x32xf32, #tpu.memory_space<vmem>>
        %dma_start3A_581 = tpu.memref_squeeze %dma_start3A_580 : memref<1x128x32xf32, #tpu.memory_space<vmem>> -> memref<128x32xf32, #tpu.memory_space<vmem>>
        %dma_start3A_582 = arith.constant 0 : i32
        %dma_start3A_583 = arith.constant 0 : i32
        %dma_start3A_584 = tpu.memref_slice %arg5[%dma_start3A_569, %dma_start3A_582, %dma_start3A_583] : memref<2x4x128xi32, #tpu.memory_space<vmem>> -> memref<1x4x128xi32, #tpu.memory_space<vmem>>
        %dma_start3A_585 = tpu.memref_squeeze %dma_start3A_584 : memref<1x4x128xi32, #tpu.memory_space<vmem>> -> memref<4x128xi32, #tpu.memory_space<vmem>>
        %dma_start3A_586 = arith.constant 0 : i32
        %dma_start3A_587 = tpu.memref_slice %dma_start3A_585[%dma_start3A_570, %dma_start3A_586] : memref<4x128xi32, #tpu.memory_space<vmem>> -> memref<1x128xi32, #tpu.memory_space<vmem>>
        %dma_start3A_588 = tpu.memref_squeeze %dma_start3A_587 : memref<1x128xi32, #tpu.memory_space<vmem>> -> memref<128xi32, #tpu.memory_space<vmem>>
        %dma_start3A_589 = arith.constant 0 : i32
        %dma_start3A_590 = arith.constant 0 : i32
        %dma_start3A_591 = tpu.memref_slice %arg3[%dma_start3A_589, %dma_start3A_590] : memref<1000000x32xf32, #tpu.memory_space<hbm>> -> memref<1000000x32xf32, #tpu.memory_space<hbm>>
        tpu.enqueue_indirect_dma source(%dma_start3A_591 : memref<1000000x32xf32, #tpu.memory_space<hbm>>) target(%dma_start3A_581 : memref<128x32xf32, #tpu.memory_space<vmem>>) offsets(%dma_start3A_588 : memref<128xi32, #tpu.memory_space<vmem>>) semaphore(%arg9 : memref<!tpu.dma_semaphore, #tpu.memory_space<semaphore_mem>>)
        %dma_start3A_592 = arith.constant 1 : i32
        %dma_start3A_593 = arith.constant 2 : i32
        %dma_start3A_594 = arith.constant 1 : i32
        %dma_start3A_595 = arith.constant 2 : i32
        %dma_start3A_596 = arith.constant 0 : i32
        %dma_start3A_597 = arith.constant 0 : i32
        %dma_start3A_598 = arith.constant 0 : i32
        %dma_start3A_599 = tpu.memref_slice %arg6[%dma_start3A_594, %dma_start3A_596, %dma_start3A_597, %dma_start3A_598] : memref<2x4x128x32xf32, #tpu.memory_space<vmem>> -> memref<1x4x128x32xf32, #tpu.memory_space<vmem>>
        %dma_start3A_600 = tpu.memref_squeeze %dma_start3A_599 : memref<1x4x128x32xf32, #tpu.memory_space<vmem>> -> memref<4x128x32xf32, #tpu.memory_space<vmem>>
        %dma_start3A_601 = arith.constant 0 : i32
        %dma_start3A_602 = arith.constant 0 : i32
        %dma_start3A_603 = tpu.memref_slice %dma_start3A_600[%dma_start3A_595, %dma_start3A_601, %dma_start3A_602] : memref<4x128x32xf32, #tpu.memory_space<vmem>> -> memref<1x128x32xf32, #tpu.memory_space<vmem>>
        %dma_start3A_604 = tpu.memref_squeeze %dma_start3A_603 : memref<1x128x32xf32, #tpu.memory_space<vmem>> -> memref<128x32xf32, #tpu.memory_space<vmem>>
        %dma_start3A_605 = arith.constant 0 : i32
        %dma_start3A_606 = arith.constant 0 : i32
        %dma_start3A_607 = tpu.memref_slice %arg5[%dma_start3A_592, %dma_start3A_605, %dma_start3A_606] : memref<2x4x128xi32, #tpu.memory_space<vmem>> -> memref<1x4x128xi32, #tpu.memory_space<vmem>>
        %dma_start3A_608 = tpu.memref_squeeze %dma_start3A_607 : memref<1x4x128xi32, #tpu.memory_space<vmem>> -> memref<4x128xi32, #tpu.memory_space<vmem>>
        %dma_start3A_609 = arith.constant 0 : i32
        %dma_start3A_610 = tpu.memref_slice %dma_start3A_608[%dma_start3A_593, %dma_start3A_609] : memref<4x128xi32, #tpu.memory_space<vmem>> -> memref<1x128xi32, #tpu.memory_space<vmem>>
        %dma_start3A_611 = tpu.memref_squeeze %dma_start3A_610 : memref<1x128xi32, #tpu.memory_space<vmem>> -> memref<128xi32, #tpu.memory_space<vmem>>
        %dma_start3A_612 = arith.constant 0 : i32
        %dma_start3A_613 = arith.constant 0 : i32
        %dma_start3A_614 = tpu.memref_slice %arg3[%dma_start3A_612, %dma_start3A_613] : memref<1000000x32xf32, #tpu.memory_space<hbm>> -> memref<1000000x32xf32, #tpu.memory_space<hbm>>
        tpu.enqueue_indirect_dma source(%dma_start3A_614 : memref<1000000x32xf32, #tpu.memory_space<hbm>>) target(%dma_start3A_604 : memref<128x32xf32, #tpu.memory_space<vmem>>) offsets(%dma_start3A_611 : memref<128xi32, #tpu.memory_space<vmem>>) semaphore(%arg9 : memref<!tpu.dma_semaphore, #tpu.memory_space<semaphore_mem>>)
        %dma_start3A_615 = arith.constant 1 : i32
        %dma_start3A_616 = arith.constant 3 : i32
        %dma_start3A_617 = arith.constant 1 : i32
        %dma_start3A_618 = arith.constant 3 : i32
        %dma_start3A_619 = arith.constant 0 : i32
        %dma_start3A_620 = arith.constant 0 : i32
        %dma_start3A_621 = arith.constant 0 : i32
        %dma_start3A_622 = tpu.memref_slice %arg6[%dma_start3A_617, %dma_start3A_619, %dma_start3A_620, %dma_start3A_621] : memref<2x4x128x32xf32, #tpu.memory_space<vmem>> -> memref<1x4x128x32xf32, #tpu.memory_space<vmem>>
        %dma_start3A_623 = tpu.memref_squeeze %dma_start3A_622 : memref<1x4x128x32xf32, #tpu.memory_space<vmem>> -> memref<4x128x32xf32, #tpu.memory_space<vmem>>
        %dma_start3A_624 = arith.constant 0 : i32
        %dma_start3A_625 = arith.constant 0 : i32
        %dma_start3A_626 = tpu.memref_slice %dma_start3A_623[%dma_start3A_618, %dma_start3A_624, %dma_start3A_625] : memref<4x128x32xf32, #tpu.memory_space<vmem>> -> memref<1x128x32xf32, #tpu.memory_space<vmem>>
        %dma_start3A_627 = tpu.memref_squeeze %dma_start3A_626 : memref<1x128x32xf32, #tpu.memory_space<vmem>> -> memref<128x32xf32, #tpu.memory_space<vmem>>
        %dma_start3A_628 = arith.constant 0 : i32
        %dma_start3A_629 = arith.constant 0 : i32
        %dma_start3A_630 = tpu.memref_slice %arg5[%dma_start3A_615, %dma_start3A_628, %dma_start3A_629] : memref<2x4x128xi32, #tpu.memory_space<vmem>> -> memref<1x4x128xi32, #tpu.memory_space<vmem>>
        %dma_start3A_631 = tpu.memref_squeeze %dma_start3A_630 : memref<1x4x128xi32, #tpu.memory_space<vmem>> -> memref<4x128xi32, #tpu.memory_space<vmem>>
        %dma_start3A_632 = arith.constant 0 : i32
        %dma_start3A_633 = tpu.memref_slice %dma_start3A_631[%dma_start3A_616, %dma_start3A_632] : memref<4x128xi32, #tpu.memory_space<vmem>> -> memref<1x128xi32, #tpu.memory_space<vmem>>
        %dma_start3A_634 = tpu.memref_squeeze %dma_start3A_633 : memref<1x128xi32, #tpu.memory_space<vmem>> -> memref<128xi32, #tpu.memory_space<vmem>>
        %dma_start3A_635 = arith.constant 0 : i32
        %dma_start3A_636 = arith.constant 0 : i32
        %dma_start3A_637 = tpu.memref_slice %arg3[%dma_start3A_635, %dma_start3A_636] : memref<1000000x32xf32, #tpu.memory_space<hbm>> -> memref<1000000x32xf32, #tpu.memory_space<hbm>>
        tpu.enqueue_indirect_dma source(%dma_start3A_637 : memref<1000000x32xf32, #tpu.memory_space<hbm>>) target(%dma_start3A_627 : memref<128x32xf32, #tpu.memory_space<vmem>>) offsets(%dma_start3A_634 : memref<128xi32, #tpu.memory_space<vmem>>) semaphore(%arg9 : memref<!tpu.dma_semaphore, #tpu.memory_space<semaphore_mem>>)
      } else {
      }
      %lt3A_280 = arith.constant 48 : i32
      %lt3A_281 = arith.cmpi slt, %add3A_171, %lt3A_280 : i32
      %convert_element_type3A_282 = arith.extui %lt3A_281 : i1 to i32
      %cond3A_283 = arith.constant 0 : i32
      %cond3A_284 = arith.cmpi ne, %convert_element_type3A_282, %cond3A_283 : i32
      scf.if %cond3A_284 {
        %add3A_531 = arith.constant 2 : i32
        %add3A_532 = arith.addi %add3A_172, %add3A_531 : i32
        %mul3A_533 = arith.constant 4 : i32
        %mul3A_534 = arith.muli %add3A_532, %mul3A_533 : i32
        %dma_start3A_535 = arith.constant 0 : i32
        %dma_start3A_536 = arith.constant 0 : i32
        %dma_start3A_537 = arith.constant 0 : i32
        %dma_start3A_538 = tpu.memref_slice %arg5[%dma_start3A_535, %dma_start3A_536, %dma_start3A_537] : memref<2x4x128xi32, #tpu.memory_space<vmem>> -> memref<1x4x128xi32, #tpu.memory_space<vmem>>
        %dma_start3A_539 = tpu.memref_squeeze %dma_start3A_538 : memref<1x4x128xi32, #tpu.memory_space<vmem>> -> memref<4x128xi32, #tpu.memory_space<vmem>>
        %dma_start3A_540 = arith.constant 0 : i32
        %dma_start3A_541 = tpu.memref_slice %arg2[%mul3A_534, %dma_start3A_540] : memref<6400x128xi32, #tpu.memory_space<hbm>> -> memref<4x128xi32, #tpu.memory_space<hbm>>
        %dma_start3A_542 = arith.constant 0 : i32
        %dma_start3A_543 = arith.constant 0 : i32
        %dma_start3A_544 = tpu.memref_slice %arg5[%dma_start3A_535, %dma_start3A_542, %dma_start3A_543] : memref<2x4x128xi32, #tpu.memory_space<vmem>> -> memref<1x4x128xi32, #tpu.memory_space<vmem>>
        %dma_start3A_545 = tpu.memref_squeeze %dma_start3A_544 : memref<1x4x128xi32, #tpu.memory_space<vmem>> -> memref<4x128xi32, #tpu.memory_space<vmem>>
        %dma_start3A_546 = arith.constant 0 : i32
        %dma_start3A_547 = tpu.memref_slice %arg2[%mul3A_534, %dma_start3A_546] : memref<6400x128xi32, #tpu.memory_space<hbm>> -> memref<4x128xi32, #tpu.memory_space<hbm>>
        tpu.enqueue_dma source(%dma_start3A_547 : memref<4x128xi32, #tpu.memory_space<hbm>>) target(%dma_start3A_545 : memref<4x128xi32, #tpu.memory_space<vmem>>) target_semaphore(%arg8 : memref<!tpu.dma_semaphore, #tpu.memory_space<semaphore_mem>>)
      } else {
      }
      %gt3A = arith.constant 0 : i32
      %gt3A_285 = arith.cmpi sgt, %add3A_171, %gt3A : i32
      %convert_element_type3A_286 = arith.extui %gt3A_285 : i1 to i32
      %cond3A_287 = arith.constant 0 : i32
      %cond3A_288 = arith.cmpi ne, %convert_element_type3A_286, %cond3A_287 : i32
      scf.if %cond3A_288 {
        %jit3A_531 = arith.constant 8 : i32
        %div3A_532 = arith.divsi %mul3A_2, %jit3A_531 : i32
        %sign3A_533 = arith.constant 0 : i32
        %sign3A_534 = arith.cmpi sgt, %mul3A_2, %sign3A_533 : i32
        %sign3A_535 = arith.extui %sign3A_534 : i1 to i32
        %sign3A_536 = arith.constant 0 : i32
        %sign3A_537 = arith.cmpi slt, %mul3A_2, %sign3A_536 : i32
        %sign3A_538 = arith.extui %sign3A_537 : i1 to i32
        %sign3A_539 = arith.subi %sign3A_535, %sign3A_538 : i32
        %sign3A_540 = arith.constant 0 : i32
        %sign3A_541 = arith.cmpi sgt, %jit3A_531, %sign3A_540 : i32
        %sign3A_542 = arith.extui %sign3A_541 : i1 to i32
        %sign3A_543 = arith.constant 0 : i32
        %sign3A_544 = arith.cmpi slt, %jit3A_531, %sign3A_543 : i32
        %sign3A_545 = arith.extui %sign3A_544 : i1 to i32
        %sign3A_546 = arith.subi %sign3A_542, %sign3A_545 : i32
        %ne3A_547 = arith.cmpi ne, %sign3A_539, %sign3A_546 : i32
        %rem3A_548 = arith.remsi %mul3A_2, %jit3A_531 : i32
        %ne3A_549 = arith.constant 0 : i32
        %ne3A_550 = arith.cmpi ne, %rem3A_548, %ne3A_549 : i32
        %and3A_551 = arith.andi %ne3A_547, %ne3A_550 : i1
        %sub3A_552 = arith.constant 1 : i32
        %sub3A_553 = arith.subi %div3A_532, %sub3A_552 : i32
        %select_n3A_554 = arith.select %and3A_551, %sub3A_553, %div3A_532 : i32
        %jit3A_555 = arith.constant 8 : i32
        %eq3A_556 = arith.constant 0 : i32
        %eq3A_557 = arith.cmpi eq, %jit3A_555, %eq3A_556 : i32
        %jit3A_558 = arith.constant 1 : i32
        %select_n3A_559 = arith.select %eq3A_557, %jit3A_558, %jit3A_555 : i32
        %rem3A_560 = arith.remsi %mul3A_2, %select_n3A_559 : i32
        %ne3A_561 = arith.constant 0 : i32
        %ne3A_562 = arith.cmpi ne, %rem3A_560, %ne3A_561 : i32
        %lt3A_563 = arith.constant 0 : i32
        %lt3A_564 = arith.cmpi slt, %rem3A_560, %lt3A_563 : i32
        %lt3A_565 = arith.constant 0 : i32
        %lt3A_566 = arith.cmpi slt, %select_n3A_559, %lt3A_565 : i32
        %ne3A_567 = arith.xori %lt3A_564, %lt3A_566 : i1
        %and3A_568 = arith.andi %ne3A_567, %ne3A_562 : i1
        %add3A_569 = arith.addi %rem3A_560, %select_n3A_559 : i32
        %select_n3A_570 = arith.select %and3A_568, %add3A_569, %rem3A_560 : i32
        %mul3A_571 = arith.constant 512 : i32
        %mul3A_572 = arith.muli %select_n3A_570, %mul3A_571 : i32
        %dma_wait3A_573 = arith.constant 0 : i32
        %dma_wait3A_574 = arith.constant 0 : i32
        %dma_wait3A_575 = tpu.memref_slice %arg7[%dma_wait3A_573, %dma_wait3A_574] : memref<32x513xf32, #tpu.memory_space<vmem>> -> memref<32x512xf32, #tpu.memory_space<vmem>>
        %dma_wait3A_576 = arith.constant 0 : i32
        %dma_wait3A_577 = tpu.memref_slice %arg4[%select_n3A_554, %dma_wait3A_576, %mul3A_572] : memref<200x32x4096xf32, #tpu.memory_space<hbm>> -> memref<1x32x512xf32, #tpu.memory_space<hbm>>
        %dma_wait3A_578 = tpu.memref_squeeze %dma_wait3A_577 : memref<1x32x512xf32, #tpu.memory_space<hbm>> -> memref<32x512xf32, #tpu.memory_space<hbm>>
        %dma_wait3A_579 = arith.constant 0 : i32
        %dma_wait3A_580 = tpu.memref_slice %arg4[%select_n3A_554, %dma_wait3A_579, %mul3A_572] : memref<200x32x4096xf32, #tpu.memory_space<hbm>> -> memref<1x32x512xf32, #tpu.memory_space<hbm>>
        %dma_wait3A_581 = tpu.memref_squeeze %dma_wait3A_580 : memref<1x32x512xf32, #tpu.memory_space<hbm>> -> memref<32x512xf32, #tpu.memory_space<hbm>>
        %dma_wait3A_582 = arith.constant 0 : i32
        %dma_wait3A_583 = arith.constant 0 : i32
        %dma_wait3A_584 = tpu.memref_slice %arg7[%dma_wait3A_582, %dma_wait3A_583] : memref<32x513xf32, #tpu.memory_space<vmem>> -> memref<32x512xf32, #tpu.memory_space<vmem>>
        tpu.wait_dma2 semaphore(%arg10 : memref<!tpu.dma_semaphore, #tpu.memory_space<semaphore_mem>>) src(%dma_wait3A_584 : memref<32x512xf32, #tpu.memory_space<vmem>>) dst(%dma_wait3A_581 : memref<32x512xf32, #tpu.memory_space<hbm>>)
      } else {
      }
      %broadcast_in_dim3A = arith.constant 0 : i32
      %broadcast_in_dim3A_289 = vector.broadcast %broadcast_in_dim3A : i32 to vector<16xi32>
      %parallel_loop3A = arith.constant 0 : i32
      %parallel_loop3A_290 = arith.constant 512 : i32
      %parallel_loop3A_291 = arith.constant 1 : i32
      %parallel_loop3A_292 = scf.for %parallel_loop3A_531 = %parallel_loop3A to %parallel_loop3A_290 step %parallel_loop3A_291 iter_args(%parallel_loop3A_532 = %broadcast_in_dim3A_289) -> (vector<16xi32>)  : i32 {
        %parallel_loop3A_533 = arith.constant 7 : i32
        %parallel_loop3A_534 = arith.shrsi %parallel_loop3A_531, %parallel_loop3A_533 : i32
        %parallel_loop3A_535 = arith.constant 127 : i32
        %parallel_loop3A_536 = arith.andi %parallel_loop3A_531, %parallel_loop3A_535 : i32
        %parallel_loop3A_537 = arith.constant 0 : i32
        %parallel_loop3A_538 = arith.index_cast %parallel_loop3A_537 : i32 to index
        %parallel_loop3A_539 = arith.index_cast %parallel_loop3A_534 : i32 to index
        %parallel_loop3A_540 = arith.index_cast %parallel_loop3A_536 : i32 to index
        %parallel_loop3A_541 = arith.constant 0 : index
        %parallel_loop3A_542 = tpu.vector_load %arg6[%parallel_loop3A_538, %parallel_loop3A_539, %parallel_loop3A_540, %parallel_loop3A_541] {strides = array<i32>} : memref<2x4x128x32xf32, #tpu.memory_space<vmem>>, vector<16xf32>,
        %parallel_loop3A_543 = arith.constant 0 : i32
        %parallel_loop3A_544 = arith.index_cast %parallel_loop3A_543 : i32 to index
        %parallel_loop3A_545 = arith.index_cast %parallel_loop3A_534 : i32 to index
        %parallel_loop3A_546 = arith.index_cast %parallel_loop3A_536 : i32 to index
        %parallel_loop3A_547 = arith.constant 16 : index
        %parallel_loop3A_548 = tpu.vector_load %arg6[%parallel_loop3A_544, %parallel_loop3A_545, %parallel_loop3A_546, %parallel_loop3A_547] {strides = array<i32>} : memref<2x4x128x32xf32, #tpu.memory_space<vmem>>, vector<16xf32>,
        tpu.vector_store_idx %arg7[%iota3A, %parallel_loop3A_532], %parallel_loop3A_542 : memref<32x513xf32, #tpu.memory_space<vmem>>[vector<16xi32>, vector<16xi32>], vector<16xf32>,
        tpu.vector_store_idx %arg7[%add3A_5, %parallel_loop3A_532], %parallel_loop3A_548 : memref<32x513xf32, #tpu.memory_space<vmem>>[vector<16xi32>, vector<16xi32>], vector<16xf32>,
        %parallel_loop3A_549 = arith.constant 1 : i32
        %parallel_loop3A_550 = vector.broadcast %parallel_loop3A_549 : i32 to vector<16xi32>
        %parallel_loop3A_551 = arith.addi %parallel_loop3A_532, %parallel_loop3A_550 : vector<16xi32>
        scf.yield %parallel_loop3A_551 : vector<16xi32>
      } {sc.loop_unroll_factor = 16 : i64, sc.parallel_access}
      %jit3A_293 = arith.constant 8 : i32
      %div3A_294 = arith.divsi %add3A_172, %jit3A_293 : i32
      %sign3A_295 = arith.constant 0 : i32
      %sign3A_296 = arith.cmpi sgt, %add3A_172, %sign3A_295 : i32
      %sign3A_297 = arith.extui %sign3A_296 : i1 to i32
      %sign3A_298 = arith.constant 0 : i32
      %sign3A_299 = arith.cmpi slt, %add3A_172, %sign3A_298 : i32
      %sign3A_300 = arith.extui %sign3A_299 : i1 to i32
      %sign3A_301 = arith.subi %sign3A_297, %sign3A_300 : i32
      %sign3A_302 = arith.constant 0 : i32
      %sign3A_303 = arith.cmpi sgt, %jit3A_293, %sign3A_302 : i32
      %sign3A_304 = arith.extui %sign3A_303 : i1 to i32
      %sign3A_305 = arith.constant 0 : i32
      %sign3A_306 = arith.cmpi slt, %jit3A_293, %sign3A_305 : i32
      %sign3A_307 = arith.extui %sign3A_306 : i1 to i32
      %sign3A_308 = arith.subi %sign3A_304, %sign3A_307 : i32
      %ne3A_309 = arith.cmpi ne, %sign3A_301, %sign3A_308 : i32
      %rem3A_310 = arith.remsi %add3A_172, %jit3A_293 : i32
      %ne3A_311 = arith.constant 0 : i32
      %ne3A_312 = arith.cmpi ne, %rem3A_310, %ne3A_311 : i32
      %and3A_313 = arith.andi %ne3A_309, %ne3A_312 : i1
      %sub3A_314 = arith.constant 1 : i32
      %sub3A_315 = arith.subi %div3A_294, %sub3A_314 : i32
      %select_n3A_316 = arith.select %and3A_313, %sub3A_315, %div3A_294 : i32
      %jit3A_317 = arith.constant 8 : i32
      %eq3A_318 = arith.constant 0 : i32
      %eq3A_319 = arith.cmpi eq, %jit3A_317, %eq3A_318 : i32
      %jit3A_320 = arith.constant 1 : i32
      %select_n3A_321 = arith.select %eq3A_319, %jit3A_320, %jit3A_317 : i32
      %rem3A_322 = arith.remsi %add3A_172, %select_n3A_321 : i32
      %ne3A_323 = arith.constant 0 : i32
      %ne3A_324 = arith.cmpi ne, %rem3A_322, %ne3A_323 : i32
      %lt3A_325 = arith.constant 0 : i32
      %lt3A_326 = arith.cmpi slt, %rem3A_322, %lt3A_325 : i32
      %lt3A_327 = arith.constant 0 : i32
      %lt3A_328 = arith.cmpi slt, %select_n3A_321, %lt3A_327 : i32
      %ne3A_329 = arith.xori %lt3A_326, %lt3A_328 : i1
      %and3A_330 = arith.andi %ne3A_329, %ne3A_324 : i1
      %add3A_331 = arith.addi %rem3A_322, %select_n3A_321 : i32
      %select_n3A_332 = arith.select %and3A_330, %add3A_331, %rem3A_322 : i32
      %mul3A_333 = arith.constant 512 : i32
      %mul3A_334 = arith.muli %select_n3A_332, %mul3A_333 : i32
      %dma_start3A_335 = arith.constant 0 : i32
      %dma_start3A_336 = arith.constant 0 : i32
      %dma_start3A_337 = tpu.memref_slice %arg7[%dma_start3A_335, %dma_start3A_336] : memref<32x513xf32, #tpu.memory_space<vmem>> -> memref<32x512xf32, #tpu.memory_space<vmem>>
      %dma_start3A_338 = arith.constant 0 : i32
      %dma_start3A_339 = tpu.memref_slice %arg4[%select_n3A_316, %dma_start3A_338, %mul3A_334] : memref<200x32x4096xf32, #tpu.memory_space<hbm>> -> memref<1x32x512xf32, #tpu.memory_space<hbm>>
      %dma_start3A_340 = tpu.memref_squeeze %dma_start3A_339 : memref<1x32x512xf32, #tpu.memory_space<hbm>> -> memref<32x512xf32, #tpu.memory_space<hbm>>
      %dma_start3A_341 = arith.constant 0 : i32
      %dma_start3A_342 = tpu.memref_slice %arg4[%select_n3A_316, %dma_start3A_341, %mul3A_334] : memref<200x32x4096xf32, #tpu.memory_space<hbm>> -> memref<1x32x512xf32, #tpu.memory_space<hbm>>
      %dma_start3A_343 = tpu.memref_squeeze %dma_start3A_342 : memref<1x32x512xf32, #tpu.memory_space<hbm>> -> memref<32x512xf32, #tpu.memory_space<hbm>>
      %dma_start3A_344 = arith.constant 0 : i32
      %dma_start3A_345 = arith.constant 0 : i32
      %dma_start3A_346 = tpu.memref_slice %arg7[%dma_start3A_344, %dma_start3A_345] : memref<32x513xf32, #tpu.memory_space<vmem>> -> memref<32x512xf32, #tpu.memory_space<vmem>>
      tpu.enqueue_dma source(%dma_start3A_346 : memref<32x512xf32, #tpu.memory_space<vmem>>) target(%dma_start3A_343 : memref<32x512xf32, #tpu.memory_space<hbm>>) target_semaphore(%arg10 : memref<!tpu.dma_semaphore, #tpu.memory_space<semaphore_mem>>)
      %mul3A_347 = arith.constant 2 : i32
      %mul3A_348 = arith.muli %add3A_167, %mul3A_347 : i32
      %add3A_349 = arith.constant 1 : i32
      %add3A_350 = arith.addi %mul3A_348, %add3A_349 : i32
      %add3A_351 = arith.addi %mul3A_2, %add3A_350 : i32
      %dma_wait3A_352 = arith.constant 1 : i32
      %dma_wait3A_353 = arith.constant 0 : i32
      %dma_wait3A_354 = arith.constant 0 : i32
      %dma_wait3A_355 = arith.constant 0 : i32
      %dma_wait3A_356 = arith.constant 0 : i32
      %dma_wait3A_357 = tpu.memref_slice %arg6[%dma_wait3A_352, %dma_wait3A_354, %dma_wait3A_355, %dma_wait3A_356] : memref<2x4x128x32xf32, #tpu.memory_space<vmem>> -> memref<1x4x128x32xf32, #tpu.memory_space<vmem>>
      %dma_wait3A_358 = tpu.memref_squeeze %dma_wait3A_357 : memref<1x4x128x32xf32, #tpu.memory_space<vmem>> -> memref<4x128x32xf32, #tpu.memory_space<vmem>>
      %dma_wait3A_359 = arith.constant 0 : i32
      %dma_wait3A_360 = arith.constant 0 : i32
      %dma_wait3A_361 = tpu.memref_slice %dma_wait3A_358[%dma_wait3A_353, %dma_wait3A_359, %dma_wait3A_360] : memref<4x128x32xf32, #tpu.memory_space<vmem>> -> memref<1x128x32xf32, #tpu.memory_space<vmem>>
      %dma_wait3A_362 = tpu.memref_squeeze %dma_wait3A_361 : memref<1x128x32xf32, #tpu.memory_space<vmem>> -> memref<128x32xf32, #tpu.memory_space<vmem>>
      %dma_wait3A_363 = arith.constant 0 : i32
      %dma_wait3A_364 = arith.constant 0 : i32
      %dma_wait3A_365 = tpu.memref_slice %arg3[%dma_wait3A_363, %dma_wait3A_364] : memref<1000000x32xf32, #tpu.memory_space<hbm>> -> memref<128x32xf32, #tpu.memory_space<hbm>>
      %dma_wait3A_366 = arith.constant 0 : i32
      %dma_wait3A_367 = arith.constant 0 : i32
      %dma_wait3A_368 = arith.constant 0 : i32
      %dma_wait3A_369 = tpu.memref_slice %arg6[%dma_wait3A_352, %dma_wait3A_366, %dma_wait3A_367, %dma_wait3A_368] : memref<2x4x128x32xf32, #tpu.memory_space<vmem>> -> memref<1x4x128x32xf32, #tpu.memory_space<vmem>>
      %dma_wait3A_370 = tpu.memref_squeeze %dma_wait3A_369 : memref<1x4x128x32xf32, #tpu.memory_space<vmem>> -> memref<4x128x32xf32, #tpu.memory_space<vmem>>
      %dma_wait3A_371 = arith.constant 0 : i32
      %dma_wait3A_372 = arith.constant 0 : i32
      %dma_wait3A_373 = tpu.memref_slice %dma_wait3A_370[%dma_wait3A_353, %dma_wait3A_371, %dma_wait3A_372] : memref<4x128x32xf32, #tpu.memory_space<vmem>> -> memref<1x128x32xf32, #tpu.memory_space<vmem>>
      %dma_wait3A_374 = tpu.memref_squeeze %dma_wait3A_373 : memref<1x128x32xf32, #tpu.memory_space<vmem>> -> memref<128x32xf32, #tpu.memory_space<vmem>>
      %dma_wait3A_375 = arith.constant 0 : i32
      %dma_wait3A_376 = arith.constant 0 : i32
      %dma_wait3A_377 = tpu.memref_slice %arg3[%dma_wait3A_375, %dma_wait3A_376] : memref<1000000x32xf32, #tpu.memory_space<hbm>> -> memref<128x32xf32, #tpu.memory_space<hbm>>
      tpu.wait_dma2 semaphore(%arg9 : memref<!tpu.dma_semaphore, #tpu.memory_space<semaphore_mem>>) src(%dma_wait3A_377 : memref<128x32xf32, #tpu.memory_space<hbm>>) dst(%dma_wait3A_374 : memref<128x32xf32, #tpu.memory_space<vmem>>)
      %dma_wait3A_378 = arith.constant 1 : i32
      %dma_wait3A_379 = arith.constant 1 : i32
      %dma_wait3A_380 = arith.constant 0 : i32
      %dma_wait3A_381 = arith.constant 0 : i32
      %dma_wait3A_382 = arith.constant 0 : i32
      %dma_wait3A_383 = tpu.memref_slice %arg6[%dma_wait3A_378, %dma_wait3A_380, %dma_wait3A_381, %dma_wait3A_382] : memref<2x4x128x32xf32, #tpu.memory_space<vmem>> -> memref<1x4x128x32xf32, #tpu.memory_space<vmem>>
      %dma_wait3A_384 = tpu.memref_squeeze %dma_wait3A_383 : memref<1x4x128x32xf32, #tpu.memory_space<vmem>> -> memref<4x128x32xf32, #tpu.memory_space<vmem>>
      %dma_wait3A_385 = arith.constant 0 : i32
      %dma_wait3A_386 = arith.constant 0 : i32
      %dma_wait3A_387 = tpu.memref_slice %dma_wait3A_384[%dma_wait3A_379, %dma_wait3A_385, %dma_wait3A_386] : memref<4x128x32xf32, #tpu.memory_space<vmem>> -> memref<1x128x32xf32, #tpu.memory_space<vmem>>
      %dma_wait3A_388 = tpu.memref_squeeze %dma_wait3A_387 : memref<1x128x32xf32, #tpu.memory_space<vmem>> -> memref<128x32xf32, #tpu.memory_space<vmem>>
      %dma_wait3A_389 = arith.constant 0 : i32
      %dma_wait3A_390 = arith.constant 0 : i32
      %dma_wait3A_391 = tpu.memref_slice %arg3[%dma_wait3A_389, %dma_wait3A_390] : memref<1000000x32xf32, #tpu.memory_space<hbm>> -> memref<128x32xf32, #tpu.memory_space<hbm>>
      %dma_wait3A_392 = arith.constant 0 : i32
      %dma_wait3A_393 = arith.constant 0 : i32
      %dma_wait3A_394 = arith.constant 0 : i32
      %dma_wait3A_395 = tpu.memref_slice %arg6[%dma_wait3A_378, %dma_wait3A_392, %dma_wait3A_393, %dma_wait3A_394] : memref<2x4x128x32xf32, #tpu.memory_space<vmem>> -> memref<1x4x128x32xf32, #tpu.memory_space<vmem>>
      %dma_wait3A_396 = tpu.memref_squeeze %dma_wait3A_395 : memref<1x4x128x32xf32, #tpu.memory_space<vmem>> -> memref<4x128x32xf32, #tpu.memory_space<vmem>>
      %dma_wait3A_397 = arith.constant 0 : i32
      %dma_wait3A_398 = arith.constant 0 : i32
      %dma_wait3A_399 = tpu.memref_slice %dma_wait3A_396[%dma_wait3A_379, %dma_wait3A_397, %dma_wait3A_398] : memref<4x128x32xf32, #tpu.memory_space<vmem>> -> memref<1x128x32xf32, #tpu.memory_space<vmem>>
      %dma_wait3A_400 = tpu.memref_squeeze %dma_wait3A_399 : memref<1x128x32xf32, #tpu.memory_space<vmem>> -> memref<128x32xf32, #tpu.memory_space<vmem>>
      %dma_wait3A_401 = arith.constant 0 : i32
      %dma_wait3A_402 = arith.constant 0 : i32
      %dma_wait3A_403 = tpu.memref_slice %arg3[%dma_wait3A_401, %dma_wait3A_402] : memref<1000000x32xf32, #tpu.memory_space<hbm>> -> memref<128x32xf32, #tpu.memory_space<hbm>>
      tpu.wait_dma2 semaphore(%arg9 : memref<!tpu.dma_semaphore, #tpu.memory_space<semaphore_mem>>) src(%dma_wait3A_403 : memref<128x32xf32, #tpu.memory_space<hbm>>) dst(%dma_wait3A_400 : memref<128x32xf32, #tpu.memory_space<vmem>>)
      %dma_wait3A_404 = arith.constant 1 : i32
      %dma_wait3A_405 = arith.constant 2 : i32
      %dma_wait3A_406 = arith.constant 0 : i32
      %dma_wait3A_407 = arith.constant 0 : i32
      %dma_wait3A_408 = arith.constant 0 : i32
      %dma_wait3A_409 = tpu.memref_slice %arg6[%dma_wait3A_404, %dma_wait3A_406, %dma_wait3A_407, %dma_wait3A_408] : memref<2x4x128x32xf32, #tpu.memory_space<vmem>> -> memref<1x4x128x32xf32, #tpu.memory_space<vmem>>
      %dma_wait3A_410 = tpu.memref_squeeze %dma_wait3A_409 : memref<1x4x128x32xf32, #tpu.memory_space<vmem>> -> memref<4x128x32xf32, #tpu.memory_space<vmem>>
      %dma_wait3A_411 = arith.constant 0 : i32
      %dma_wait3A_412 = arith.constant 0 : i32
      %dma_wait3A_413 = tpu.memref_slice %dma_wait3A_410[%dma_wait3A_405, %dma_wait3A_411, %dma_wait3A_412] : memref<4x128x32xf32, #tpu.memory_space<vmem>> -> memref<1x128x32xf32, #tpu.memory_space<vmem>>
      %dma_wait3A_414 = tpu.memref_squeeze %dma_wait3A_413 : memref<1x128x32xf32, #tpu.memory_space<vmem>> -> memref<128x32xf32, #tpu.memory_space<vmem>>
      %dma_wait3A_415 = arith.constant 0 : i32
      %dma_wait3A_416 = arith.constant 0 : i32
      %dma_wait3A_417 = tpu.memref_slice %arg3[%dma_wait3A_415, %dma_wait3A_416] : memref<1000000x32xf32, #tpu.memory_space<hbm>> -> memref<128x32xf32, #tpu.memory_space<hbm>>
      %dma_wait3A_418 = arith.constant 0 : i32
      %dma_wait3A_419 = arith.constant 0 : i32
      %dma_wait3A_420 = arith.constant 0 : i32
      %dma_wait3A_421 = tpu.memref_slice %arg6[%dma_wait3A_404, %dma_wait3A_418, %dma_wait3A_419, %dma_wait3A_420] : memref<2x4x128x32xf32, #tpu.memory_space<vmem>> -> memref<1x4x128x32xf32, #tpu.memory_space<vmem>>
      %dma_wait3A_422 = tpu.memref_squeeze %dma_wait3A_421 : memref<1x4x128x32xf32, #tpu.memory_space<vmem>> -> memref<4x128x32xf32, #tpu.memory_space<vmem>>
      %dma_wait3A_423 = arith.constant 0 : i32
      %dma_wait3A_424 = arith.constant 0 : i32
      %dma_wait3A_425 = tpu.memref_slice %dma_wait3A_422[%dma_wait3A_405, %dma_wait3A_423, %dma_wait3A_424] : memref<4x128x32xf32, #tpu.memory_space<vmem>> -> memref<1x128x32xf32, #tpu.memory_space<vmem>>
      %dma_wait3A_426 = tpu.memref_squeeze %dma_wait3A_425 : memref<1x128x32xf32, #tpu.memory_space<vmem>> -> memref<128x32xf32, #tpu.memory_space<vmem>>
      %dma_wait3A_427 = arith.constant 0 : i32
      %dma_wait3A_428 = arith.constant 0 : i32
      %dma_wait3A_429 = tpu.memref_slice %arg3[%dma_wait3A_427, %dma_wait3A_428] : memref<1000000x32xf32, #tpu.memory_space<hbm>> -> memref<128x32xf32, #tpu.memory_space<hbm>>
      tpu.wait_dma2 semaphore(%arg9 : memref<!tpu.dma_semaphore, #tpu.memory_space<semaphore_mem>>) src(%dma_wait3A_429 : memref<128x32xf32, #tpu.memory_space<hbm>>) dst(%dma_wait3A_426 : memref<128x32xf32, #tpu.memory_space<vmem>>)
      %dma_wait3A_430 = arith.constant 1 : i32
      %dma_wait3A_431 = arith.constant 3 : i32
      %dma_wait3A_432 = arith.constant 0 : i32
      %dma_wait3A_433 = arith.constant 0 : i32
      %dma_wait3A_434 = arith.constant 0 : i32
      %dma_wait3A_435 = tpu.memref_slice %arg6[%dma_wait3A_430, %dma_wait3A_432, %dma_wait3A_433, %dma_wait3A_434] : memref<2x4x128x32xf32, #tpu.memory_space<vmem>> -> memref<1x4x128x32xf32, #tpu.memory_space<vmem>>
      %dma_wait3A_436 = tpu.memref_squeeze %dma_wait3A_435 : memref<1x4x128x32xf32, #tpu.memory_space<vmem>> -> memref<4x128x32xf32, #tpu.memory_space<vmem>>
      %dma_wait3A_437 = arith.constant 0 : i32
      %dma_wait3A_438 = arith.constant 0 : i32
      %dma_wait3A_439 = tpu.memref_slice %dma_wait3A_436[%dma_wait3A_431, %dma_wait3A_437, %dma_wait3A_438] : memref<4x128x32xf32, #tpu.memory_space<vmem>> -> memref<1x128x32xf32, #tpu.memory_space<vmem>>
      %dma_wait3A_440 = tpu.memref_squeeze %dma_wait3A_439 : memref<1x128x32xf32, #tpu.memory_space<vmem>> -> memref<128x32xf32, #tpu.memory_space<vmem>>
      %dma_wait3A_441 = arith.constant 0 : i32
      %dma_wait3A_442 = arith.constant 0 : i32
      %dma_wait3A_443 = tpu.memref_slice %arg3[%dma_wait3A_441, %dma_wait3A_442] : memref<1000000x32xf32, #tpu.memory_space<hbm>> -> memref<128x32xf32, #tpu.memory_space<hbm>>
      %dma_wait3A_444 = arith.constant 0 : i32
      %dma_wait3A_445 = arith.constant 0 : i32
      %dma_wait3A_446 = arith.constant 0 : i32
      %dma_wait3A_447 = tpu.memref_slice %arg6[%dma_wait3A_430, %dma_wait3A_444, %dma_wait3A_445, %dma_wait3A_446] : memref<2x4x128x32xf32, #tpu.memory_space<vmem>> -> memref<1x4x128x32xf32, #tpu.memory_space<vmem>>
      %dma_wait3A_448 = tpu.memref_squeeze %dma_wait3A_447 : memref<1x4x128x32xf32, #tpu.memory_space<vmem>> -> memref<4x128x32xf32, #tpu.memory_space<vmem>>
      %dma_wait3A_449 = arith.constant 0 : i32
      %dma_wait3A_450 = arith.constant 0 : i32
      %dma_wait3A_451 = tpu.memref_slice %dma_wait3A_448[%dma_wait3A_431, %dma_wait3A_449, %dma_wait3A_450] : memref<4x128x32xf32, #tpu.memory_space<vmem>> -> memref<1x128x32xf32, #tpu.memory_space<vmem>>
      %dma_wait3A_452 = tpu.memref_squeeze %dma_wait3A_451 : memref<1x128x32xf32, #tpu.memory_space<vmem>> -> memref<128x32xf32, #tpu.memory_space<vmem>>
      %dma_wait3A_453 = arith.constant 0 : i32
      %dma_wait3A_454 = arith.constant 0 : i32
      %dma_wait3A_455 = tpu.memref_slice %arg3[%dma_wait3A_453, %dma_wait3A_454] : memref<1000000x32xf32, #tpu.memory_space<hbm>> -> memref<128x32xf32, #tpu.memory_space<hbm>>
      tpu.wait_dma2 semaphore(%arg9 : memref<!tpu.dma_semaphore, #tpu.memory_space<semaphore_mem>>) src(%dma_wait3A_455 : memref<128x32xf32, #tpu.memory_space<hbm>>) dst(%dma_wait3A_452 : memref<128x32xf32, #tpu.memory_space<vmem>>)
      %lt3A_456 = arith.constant 49 : i32
      %lt3A_457 = arith.cmpi slt, %add3A_350, %lt3A_456 : i32
      %convert_element_type3A_458 = arith.extui %lt3A_457 : i1 to i32
      %cond3A_459 = arith.constant 0 : i32
      %cond3A_460 = arith.cmpi ne, %convert_element_type3A_458, %cond3A_459 : i32
      scf.if %cond3A_460 {
        %dma_wait3A_531 = arith.constant 0 : i32
        %dma_wait3A_532 = arith.constant 0 : i32
        %dma_wait3A_533 = arith.constant 0 : i32
        %dma_wait3A_534 = tpu.memref_slice %arg5[%dma_wait3A_531, %dma_wait3A_532, %dma_wait3A_533] : memref<2x4x128xi32, #tpu.memory_space<vmem>> -> memref<1x4x128xi32, #tpu.memory_space<vmem>>
        %dma_wait3A_535 = tpu.memref_squeeze %dma_wait3A_534 : memref<1x4x128xi32, #tpu.memory_space<vmem>> -> memref<4x128xi32, #tpu.memory_space<vmem>>
        %dma_wait3A_536 = arith.constant 0 : i32
        %dma_wait3A_537 = arith.constant 0 : i32
        %dma_wait3A_538 = tpu.memref_slice %arg2[%dma_wait3A_536, %dma_wait3A_537] : memref<6400x128xi32, #tpu.memory_space<hbm>> -> memref<4x128xi32, #tpu.memory_space<hbm>>
        %dma_wait3A_539 = arith.constant 0 : i32
        %dma_wait3A_540 = arith.constant 0 : i32
        %dma_wait3A_541 = tpu.memref_slice %arg5[%dma_wait3A_531, %dma_wait3A_539, %dma_wait3A_540] : memref<2x4x128xi32, #tpu.memory_space<vmem>> -> memref<1x4x128xi32, #tpu.memory_space<vmem>>
        %dma_wait3A_542 = tpu.memref_squeeze %dma_wait3A_541 : memref<1x4x128xi32, #tpu.memory_space<vmem>> -> memref<4x128xi32, #tpu.memory_space<vmem>>
        %dma_wait3A_543 = arith.constant 0 : i32
        %dma_wait3A_544 = arith.constant 0 : i32
        %dma_wait3A_545 = tpu.memref_slice %arg2[%dma_wait3A_543, %dma_wait3A_544] : memref<6400x128xi32, #tpu.memory_space<hbm>> -> memref<4x128xi32, #tpu.memory_space<hbm>>
        tpu.wait_dma2 semaphore(%arg8 : memref<!tpu.dma_semaphore, #tpu.memory_space<semaphore_mem>>) src(%dma_wait3A_545 : memref<4x128xi32, #tpu.memory_space<hbm>>) dst(%dma_wait3A_542 : memref<4x128xi32, #tpu.memory_space<vmem>>)
        %dma_start3A_546 = arith.constant 0 : i32
        %dma_start3A_547 = arith.constant 0 : i32
        %dma_start3A_548 = arith.constant 0 : i32
        %dma_start3A_549 = arith.constant 0 : i32
        %dma_start3A_550 = arith.constant 0 : i32
        %dma_start3A_551 = arith.constant 0 : i32
        %dma_start3A_552 = arith.constant 0 : i32
        %dma_start3A_553 = tpu.memref_slice %arg6[%dma_start3A_548, %dma_start3A_550, %dma_start3A_551, %dma_start3A_552] : memref<2x4x128x32xf32, #tpu.memory_space<vmem>> -> memref<1x4x128x32xf32, #tpu.memory_space<vmem>>
        %dma_start3A_554 = tpu.memref_squeeze %dma_start3A_553 : memref<1x4x128x32xf32, #tpu.memory_space<vmem>> -> memref<4x128x32xf32, #tpu.memory_space<vmem>>
        %dma_start3A_555 = arith.constant 0 : i32
        %dma_start3A_556 = arith.constant 0 : i32
        %dma_start3A_557 = tpu.memref_slice %dma_start3A_554[%dma_start3A_549, %dma_start3A_555, %dma_start3A_556] : memref<4x128x32xf32, #tpu.memory_space<vmem>> -> memref<1x128x32xf32, #tpu.memory_space<vmem>>
        %dma_start3A_558 = tpu.memref_squeeze %dma_start3A_557 : memref<1x128x32xf32, #tpu.memory_space<vmem>> -> memref<128x32xf32, #tpu.memory_space<vmem>>
        %dma_start3A_559 = arith.constant 0 : i32
        %dma_start3A_560 = arith.constant 0 : i32
        %dma_start3A_561 = tpu.memref_slice %arg5[%dma_start3A_546, %dma_start3A_559, %dma_start3A_560] : memref<2x4x128xi32, #tpu.memory_space<vmem>> -> memref<1x4x128xi32, #tpu.memory_space<vmem>>
        %dma_start3A_562 = tpu.memref_squeeze %dma_start3A_561 : memref<1x4x128xi32, #tpu.memory_space<vmem>> -> memref<4x128xi32, #tpu.memory_space<vmem>>
        %dma_start3A_563 = arith.constant 0 : i32
        %dma_start3A_564 = tpu.memref_slice %dma_start3A_562[%dma_start3A_547, %dma_start3A_563] : memref<4x128xi32, #tpu.memory_space<vmem>> -> memref<1x128xi32, #tpu.memory_space<vmem>>
        %dma_start3A_565 = tpu.memref_squeeze %dma_start3A_564 : memref<1x128xi32, #tpu.memory_space<vmem>> -> memref<128xi32, #tpu.memory_space<vmem>>
        %dma_start3A_566 = arith.constant 0 : i32
        %dma_start3A_567 = arith.constant 0 : i32
        %dma_start3A_568 = tpu.memref_slice %arg3[%dma_start3A_566, %dma_start3A_567] : memref<1000000x32xf32, #tpu.memory_space<hbm>> -> memref<1000000x32xf32, #tpu.memory_space<hbm>>
        tpu.enqueue_indirect_dma source(%dma_start3A_568 : memref<1000000x32xf32, #tpu.memory_space<hbm>>) target(%dma_start3A_558 : memref<128x32xf32, #tpu.memory_space<vmem>>) offsets(%dma_start3A_565 : memref<128xi32, #tpu.memory_space<vmem>>) semaphore(%arg9 : memref<!tpu.dma_semaphore, #tpu.memory_space<semaphore_mem>>)
        %dma_start3A_569 = arith.constant 0 : i32
        %dma_start3A_570 = arith.constant 1 : i32
        %dma_start3A_571 = arith.constant 0 : i32
        %dma_start3A_572 = arith.constant 1 : i32
        %dma_start3A_573 = arith.constant 0 : i32
        %dma_start3A_574 = arith.constant 0 : i32
        %dma_start3A_575 = arith.constant 0 : i32
        %dma_start3A_576 = tpu.memref_slice %arg6[%dma_start3A_571, %dma_start3A_573, %dma_start3A_574, %dma_start3A_575] : memref<2x4x128x32xf32, #tpu.memory_space<vmem>> -> memref<1x4x128x32xf32, #tpu.memory_space<vmem>>
        %dma_start3A_577 = tpu.memref_squeeze %dma_start3A_576 : memref<1x4x128x32xf32, #tpu.memory_space<vmem>> -> memref<4x128x32xf32, #tpu.memory_space<vmem>>
        %dma_start3A_578 = arith.constant 0 : i32
        %dma_start3A_579 = arith.constant 0 : i32
        %dma_start3A_580 = tpu.memref_slice %dma_start3A_577[%dma_start3A_572, %dma_start3A_578, %dma_start3A_579] : memref<4x128x32xf32, #tpu.memory_space<vmem>> -> memref<1x128x32xf32, #tpu.memory_space<vmem>>
        %dma_start3A_581 = tpu.memref_squeeze %dma_start3A_580 : memref<1x128x32xf32, #tpu.memory_space<vmem>> -> memref<128x32xf32, #tpu.memory_space<vmem>>
        %dma_start3A_582 = arith.constant 0 : i32
        %dma_start3A_583 = arith.constant 0 : i32
        %dma_start3A_584 = tpu.memref_slice %arg5[%dma_start3A_569, %dma_start3A_582, %dma_start3A_583] : memref<2x4x128xi32, #tpu.memory_space<vmem>> -> memref<1x4x128xi32, #tpu.memory_space<vmem>>
        %dma_start3A_585 = tpu.memref_squeeze %dma_start3A_584 : memref<1x4x128xi32, #tpu.memory_space<vmem>> -> memref<4x128xi32, #tpu.memory_space<vmem>>
        %dma_start3A_586 = arith.constant 0 : i32
        %dma_start3A_587 = tpu.memref_slice %dma_start3A_585[%dma_start3A_570, %dma_start3A_586] : memref<4x128xi32, #tpu.memory_space<vmem>> -> memref<1x128xi32, #tpu.memory_space<vmem>>
        %dma_start3A_588 = tpu.memref_squeeze %dma_start3A_587 : memref<1x128xi32, #tpu.memory_space<vmem>> -> memref<128xi32, #tpu.memory_space<vmem>>
        %dma_start3A_589 = arith.constant 0 : i32
        %dma_start3A_590 = arith.constant 0 : i32
        %dma_start3A_591 = tpu.memref_slice %arg3[%dma_start3A_589, %dma_start3A_590] : memref<1000000x32xf32, #tpu.memory_space<hbm>> -> memref<1000000x32xf32, #tpu.memory_space<hbm>>
        tpu.enqueue_indirect_dma source(%dma_start3A_591 : memref<1000000x32xf32, #tpu.memory_space<hbm>>) target(%dma_start3A_581 : memref<128x32xf32, #tpu.memory_space<vmem>>) offsets(%dma_start3A_588 : memref<128xi32, #tpu.memory_space<vmem>>) semaphore(%arg9 : memref<!tpu.dma_semaphore, #tpu.memory_space<semaphore_mem>>)
        %dma_start3A_592 = arith.constant 0 : i32
        %dma_start3A_593 = arith.constant 2 : i32
        %dma_start3A_594 = arith.constant 0 : i32
        %dma_start3A_595 = arith.constant 2 : i32
        %dma_start3A_596 = arith.constant 0 : i32
        %dma_start3A_597 = arith.constant 0 : i32
        %dma_start3A_598 = arith.constant 0 : i32
        %dma_start3A_599 = tpu.memref_slice %arg6[%dma_start3A_594, %dma_start3A_596, %dma_start3A_597, %dma_start3A_598] : memref<2x4x128x32xf32, #tpu.memory_space<vmem>> -> memref<1x4x128x32xf32, #tpu.memory_space<vmem>>
        %dma_start3A_600 = tpu.memref_squeeze %dma_start3A_599 : memref<1x4x128x32xf32, #tpu.memory_space<vmem>> -> memref<4x128x32xf32, #tpu.memory_space<vmem>>
        %dma_start3A_601 = arith.constant 0 : i32
        %dma_start3A_602 = arith.constant 0 : i32
        %dma_start3A_603 = tpu.memref_slice %dma_start3A_600[%dma_start3A_595, %dma_start3A_601, %dma_start3A_602] : memref<4x128x32xf32, #tpu.memory_space<vmem>> -> memref<1x128x32xf32, #tpu.memory_space<vmem>>
        %dma_start3A_604 = tpu.memref_squeeze %dma_start3A_603 : memref<1x128x32xf32, #tpu.memory_space<vmem>> -> memref<128x32xf32, #tpu.memory_space<vmem>>
        %dma_start3A_605 = arith.constant 0 : i32
        %dma_start3A_606 = arith.constant 0 : i32
        %dma_start3A_607 = tpu.memref_slice %arg5[%dma_start3A_592, %dma_start3A_605, %dma_start3A_606] : memref<2x4x128xi32, #tpu.memory_space<vmem>> -> memref<1x4x128xi32, #tpu.memory_space<vmem>>
        %dma_start3A_608 = tpu.memref_squeeze %dma_start3A_607 : memref<1x4x128xi32, #tpu.memory_space<vmem>> -> memref<4x128xi32, #tpu.memory_space<vmem>>
        %dma_start3A_609 = arith.constant 0 : i32
        %dma_start3A_610 = tpu.memref_slice %dma_start3A_608[%dma_start3A_593, %dma_start3A_609] : memref<4x128xi32, #tpu.memory_space<vmem>> -> memref<1x128xi32, #tpu.memory_space<vmem>>
        %dma_start3A_611 = tpu.memref_squeeze %dma_start3A_610 : memref<1x128xi32, #tpu.memory_space<vmem>> -> memref<128xi32, #tpu.memory_space<vmem>>
        %dma_start3A_612 = arith.constant 0 : i32
        %dma_start3A_613 = arith.constant 0 : i32
        %dma_start3A_614 = tpu.memref_slice %arg3[%dma_start3A_612, %dma_start3A_613] : memref<1000000x32xf32, #tpu.memory_space<hbm>> -> memref<1000000x32xf32, #tpu.memory_space<hbm>>
        tpu.enqueue_indirect_dma source(%dma_start3A_614 : memref<1000000x32xf32, #tpu.memory_space<hbm>>) target(%dma_start3A_604 : memref<128x32xf32, #tpu.memory_space<vmem>>) offsets(%dma_start3A_611 : memref<128xi32, #tpu.memory_space<vmem>>) semaphore(%arg9 : memref<!tpu.dma_semaphore, #tpu.memory_space<semaphore_mem>>)
        %dma_start3A_615 = arith.constant 0 : i32
        %dma_start3A_616 = arith.constant 3 : i32
        %dma_start3A_617 = arith.constant 0 : i32
        %dma_start3A_618 = arith.constant 3 : i32
        %dma_start3A_619 = arith.constant 0 : i32
        %dma_start3A_620 = arith.constant 0 : i32
        %dma_start3A_621 = arith.constant 0 : i32
        %dma_start3A_622 = tpu.memref_slice %arg6[%dma_start3A_617, %dma_start3A_619, %dma_start3A_620, %dma_start3A_621] : memref<2x4x128x32xf32, #tpu.memory_space<vmem>> -> memref<1x4x128x32xf32, #tpu.memory_space<vmem>>
        %dma_start3A_623 = tpu.memref_squeeze %dma_start3A_622 : memref<1x4x128x32xf32, #tpu.memory_space<vmem>> -> memref<4x128x32xf32, #tpu.memory_space<vmem>>
        %dma_start3A_624 = arith.constant 0 : i32
        %dma_start3A_625 = arith.constant 0 : i32
        %dma_start3A_626 = tpu.memref_slice %dma_start3A_623[%dma_start3A_618, %dma_start3A_624, %dma_start3A_625] : memref<4x128x32xf32, #tpu.memory_space<vmem>> -> memref<1x128x32xf32, #tpu.memory_space<vmem>>
        %dma_start3A_627 = tpu.memref_squeeze %dma_start3A_626 : memref<1x128x32xf32, #tpu.memory_space<vmem>> -> memref<128x32xf32, #tpu.memory_space<vmem>>
        %dma_start3A_628 = arith.constant 0 : i32
        %dma_start3A_629 = arith.constant 0 : i32
        %dma_start3A_630 = tpu.memref_slice %arg5[%dma_start3A_615, %dma_start3A_628, %dma_start3A_629] : memref<2x4x128xi32, #tpu.memory_space<vmem>> -> memref<1x4x128xi32, #tpu.memory_space<vmem>>
        %dma_start3A_631 = tpu.memref_squeeze %dma_start3A_630 : memref<1x4x128xi32, #tpu.memory_space<vmem>> -> memref<4x128xi32, #tpu.memory_space<vmem>>
        %dma_start3A_632 = arith.constant 0 : i32
        %dma_start3A_633 = tpu.memref_slice %dma_start3A_631[%dma_start3A_616, %dma_start3A_632] : memref<4x128xi32, #tpu.memory_space<vmem>> -> memref<1x128xi32, #tpu.memory_space<vmem>>
        %dma_start3A_634 = tpu.memref_squeeze %dma_start3A_633 : memref<1x128xi32, #tpu.memory_space<vmem>> -> memref<128xi32, #tpu.memory_space<vmem>>
        %dma_start3A_635 = arith.constant 0 : i32
        %dma_start3A_636 = arith.constant 0 : i32
        %dma_start3A_637 = tpu.memref_slice %arg3[%dma_start3A_635, %dma_start3A_636] : memref<1000000x32xf32, #tpu.memory_space<hbm>> -> memref<1000000x32xf32, #tpu.memory_space<hbm>>
        tpu.enqueue_indirect_dma source(%dma_start3A_637 : memref<1000000x32xf32, #tpu.memory_space<hbm>>) target(%dma_start3A_627 : memref<128x32xf32, #tpu.memory_space<vmem>>) offsets(%dma_start3A_634 : memref<128xi32, #tpu.memory_space<vmem>>) semaphore(%arg9 : memref<!tpu.dma_semaphore, #tpu.memory_space<semaphore_mem>>)
      } else {
      }
      %lt3A_461 = arith.constant 48 : i32
      %lt3A_462 = arith.cmpi slt, %add3A_350, %lt3A_461 : i32
      %convert_element_type3A_463 = arith.extui %lt3A_462 : i1 to i32
      %cond3A_464 = arith.constant 0 : i32
      %cond3A_465 = arith.cmpi ne, %convert_element_type3A_463, %cond3A_464 : i32
      scf.if %cond3A_465 {
        %add3A_531 = arith.constant 2 : i32
        %add3A_532 = arith.addi %add3A_351, %add3A_531 : i32
        %mul3A_533 = arith.constant 4 : i32
        %mul3A_534 = arith.muli %add3A_532, %mul3A_533 : i32
        %dma_start3A_535 = arith.constant 1 : i32
        %dma_start3A_536 = arith.constant 0 : i32
        %dma_start3A_537 = arith.constant 0 : i32
        %dma_start3A_538 = tpu.memref_slice %arg5[%dma_start3A_535, %dma_start3A_536, %dma_start3A_537] : memref<2x4x128xi32, #tpu.memory_space<vmem>> -> memref<1x4x128xi32, #tpu.memory_space<vmem>>
        %dma_start3A_539 = tpu.memref_squeeze %dma_start3A_538 : memref<1x4x128xi32, #tpu.memory_space<vmem>> -> memref<4x128xi32, #tpu.memory_space<vmem>>
        %dma_start3A_540 = arith.constant 0 : i32
        %dma_start3A_541 = tpu.memref_slice %arg2[%mul3A_534, %dma_start3A_540] : memref<6400x128xi32, #tpu.memory_space<hbm>> -> memref<4x128xi32, #tpu.memory_space<hbm>>
        %dma_start3A_542 = arith.constant 0 : i32
        %dma_start3A_543 = arith.constant 0 : i32
        %dma_start3A_544 = tpu.memref_slice %arg5[%dma_start3A_535, %dma_start3A_542, %dma_start3A_543] : memref<2x4x128xi32, #tpu.memory_space<vmem>> -> memref<1x4x128xi32, #tpu.memory_space<vmem>>
        %dma_start3A_545 = tpu.memref_squeeze %dma_start3A_544 : memref<1x4x128xi32, #tpu.memory_space<vmem>> -> memref<4x128xi32, #tpu.memory_space<vmem>>
        %dma_start3A_546 = arith.constant 0 : i32
        %dma_start3A_547 = tpu.memref_slice %arg2[%mul3A_534, %dma_start3A_546] : memref<6400x128xi32, #tpu.memory_space<hbm>> -> memref<4x128xi32, #tpu.memory_space<hbm>>
        tpu.enqueue_dma source(%dma_start3A_547 : memref<4x128xi32, #tpu.memory_space<hbm>>) target(%dma_start3A_545 : memref<4x128xi32, #tpu.memory_space<vmem>>) target_semaphore(%arg8 : memref<!tpu.dma_semaphore, #tpu.memory_space<semaphore_mem>>)
      } else {
      }
      %gt3A_466 = arith.constant 0 : i32
      %gt3A_467 = arith.cmpi sgt, %add3A_350, %gt3A_466 : i32
      %convert_element_type3A_468 = arith.extui %gt3A_467 : i1 to i32
      %cond3A_469 = arith.constant 0 : i32
      %cond3A_470 = arith.cmpi ne, %convert_element_type3A_468, %cond3A_469 : i32
      scf.if %cond3A_470 {
        %jit3A_531 = arith.constant 8 : i32
        %div3A_532 = arith.divsi %mul3A_2, %jit3A_531 : i32
        %sign3A_533 = arith.constant 0 : i32
        %sign3A_534 = arith.cmpi sgt, %mul3A_2, %sign3A_533 : i32
        %sign3A_535 = arith.extui %sign3A_534 : i1 to i32
        %sign3A_536 = arith.constant 0 : i32
        %sign3A_537 = arith.cmpi slt, %mul3A_2, %sign3A_536 : i32
        %sign3A_538 = arith.extui %sign3A_537 : i1 to i32
        %sign3A_539 = arith.subi %sign3A_535, %sign3A_538 : i32
        %sign3A_540 = arith.constant 0 : i32
        %sign3A_541 = arith.cmpi sgt, %jit3A_531, %sign3A_540 : i32
        %sign3A_542 = arith.extui %sign3A_541 : i1 to i32
        %sign3A_543 = arith.constant 0 : i32
        %sign3A_544 = arith.cmpi slt, %jit3A_531, %sign3A_543 : i32
        %sign3A_545 = arith.extui %sign3A_544 : i1 to i32
        %sign3A_546 = arith.subi %sign3A_542, %sign3A_545 : i32
        %ne3A_547 = arith.cmpi ne, %sign3A_539, %sign3A_546 : i32
        %rem3A_548 = arith.remsi %mul3A_2, %jit3A_531 : i32
        %ne3A_549 = arith.constant 0 : i32
        %ne3A_550 = arith.cmpi ne, %rem3A_548, %ne3A_549 : i32
        %and3A_551 = arith.andi %ne3A_547, %ne3A_550 : i1
        %sub3A_552 = arith.constant 1 : i32
        %sub3A_553 = arith.subi %div3A_532, %sub3A_552 : i32
        %select_n3A_554 = arith.select %and3A_551, %sub3A_553, %div3A_532 : i32
        %jit3A_555 = arith.constant 8 : i32
        %eq3A_556 = arith.constant 0 : i32
        %eq3A_557 = arith.cmpi eq, %jit3A_555, %eq3A_556 : i32
        %jit3A_558 = arith.constant 1 : i32
        %select_n3A_559 = arith.select %eq3A_557, %jit3A_558, %jit3A_555 : i32
        %rem3A_560 = arith.remsi %mul3A_2, %select_n3A_559 : i32
        %ne3A_561 = arith.constant 0 : i32
        %ne3A_562 = arith.cmpi ne, %rem3A_560, %ne3A_561 : i32
        %lt3A_563 = arith.constant 0 : i32
        %lt3A_564 = arith.cmpi slt, %rem3A_560, %lt3A_563 : i32
        %lt3A_565 = arith.constant 0 : i32
        %lt3A_566 = arith.cmpi slt, %select_n3A_559, %lt3A_565 : i32
        %ne3A_567 = arith.xori %lt3A_564, %lt3A_566 : i1
        %and3A_568 = arith.andi %ne3A_567, %ne3A_562 : i1
        %add3A_569 = arith.addi %rem3A_560, %select_n3A_559 : i32
        %select_n3A_570 = arith.select %and3A_568, %add3A_569, %rem3A_560 : i32
        %mul3A_571 = arith.constant 512 : i32
        %mul3A_572 = arith.muli %select_n3A_570, %mul3A_571 : i32
        %dma_wait3A_573 = arith.constant 0 : i32
        %dma_wait3A_574 = arith.constant 0 : i32
        %dma_wait3A_575 = tpu.memref_slice %arg7[%dma_wait3A_573, %dma_wait3A_574] : memref<32x513xf32, #tpu.memory_space<vmem>> -> memref<32x512xf32, #tpu.memory_space<vmem>>
        %dma_wait3A_576 = arith.constant 0 : i32
        %dma_wait3A_577 = tpu.memref_slice %arg4[%select_n3A_554, %dma_wait3A_576, %mul3A_572] : memref<200x32x4096xf32, #tpu.memory_space<hbm>> -> memref<1x32x512xf32, #tpu.memory_space<hbm>>
        %dma_wait3A_578 = tpu.memref_squeeze %dma_wait3A_577 : memref<1x32x512xf32, #tpu.memory_space<hbm>> -> memref<32x512xf32, #tpu.memory_space<hbm>>
        %dma_wait3A_579 = arith.constant 0 : i32
        %dma_wait3A_580 = tpu.memref_slice %arg4[%select_n3A_554, %dma_wait3A_579, %mul3A_572] : memref<200x32x4096xf32, #tpu.memory_space<hbm>> -> memref<1x32x512xf32, #tpu.memory_space<hbm>>
        %dma_wait3A_581 = tpu.memref_squeeze %dma_wait3A_580 : memref<1x32x512xf32, #tpu.memory_space<hbm>> -> memref<32x512xf32, #tpu.memory_space<hbm>>
        %dma_wait3A_582 = arith.constant 0 : i32
        %dma_wait3A_583 = arith.constant 0 : i32
        %dma_wait3A_584 = tpu.memref_slice %arg7[%dma_wait3A_582, %dma_wait3A_583] : memref<32x513xf32, #tpu.memory_space<vmem>> -> memref<32x512xf32, #tpu.memory_space<vmem>>
        tpu.wait_dma2 semaphore(%arg10 : memref<!tpu.dma_semaphore, #tpu.memory_space<semaphore_mem>>) src(%dma_wait3A_584 : memref<32x512xf32, #tpu.memory_space<vmem>>) dst(%dma_wait3A_581 : memref<32x512xf32, #tpu.memory_space<hbm>>)
      } else {
      }
      %broadcast_in_dim3A_471 = arith.constant 0 : i32
      %broadcast_in_dim3A_472 = vector.broadcast %broadcast_in_dim3A_471 : i32 to vector<16xi32>
      %parallel_loop3A_473 = arith.constant 0 : i32
      %parallel_loop3A_474 = arith.constant 512 : i32
      %parallel_loop3A_475 = arith.constant 1 : i32
      %parallel_loop3A_476 = scf.for %parallel_loop3A_531 = %parallel_loop3A_473 to %parallel_loop3A_474 step %parallel_loop3A_475 iter_args(%parallel_loop3A_532 = %broadcast_in_dim3A_472) -> (vector<16xi32>)  : i32 {
        %parallel_loop3A_533 = arith.constant 7 : i32
        %parallel_loop3A_534 = arith.shrsi %parallel_loop3A_531, %parallel_loop3A_533 : i32
        %parallel_loop3A_535 = arith.constant 127 : i32
        %parallel_loop3A_536 = arith.andi %parallel_loop3A_531, %parallel_loop3A_535 : i32
        %parallel_loop3A_537 = arith.constant 1 : i32
        %parallel_loop3A_538 = arith.index_cast %parallel_loop3A_537 : i32 to index
        %parallel_loop3A_539 = arith.index_cast %parallel_loop3A_534 : i32 to index
        %parallel_loop3A_540 = arith.index_cast %parallel_loop3A_536 : i32 to index
        %parallel_loop3A_541 = arith.constant 0 : index
        %parallel_loop3A_542 = tpu.vector_load %arg6[%parallel_loop3A_538, %parallel_loop3A_539, %parallel_loop3A_540, %parallel_loop3A_541] {strides = array<i32>} : memref<2x4x128x32xf32, #tpu.memory_space<vmem>>, vector<16xf32>,
        %parallel_loop3A_543 = arith.constant 1 : i32
        %parallel_loop3A_544 = arith.index_cast %parallel_loop3A_543 : i32 to index
        %parallel_loop3A_545 = arith.index_cast %parallel_loop3A_534 : i32 to index
        %parallel_loop3A_546 = arith.index_cast %parallel_loop3A_536 : i32 to index
        %parallel_loop3A_547 = arith.constant 16 : index
        %parallel_loop3A_548 = tpu.vector_load %arg6[%parallel_loop3A_544, %parallel_loop3A_545, %parallel_loop3A_546, %parallel_loop3A_547] {strides = array<i32>} : memref<2x4x128x32xf32, #tpu.memory_space<vmem>>, vector<16xf32>,
        tpu.vector_store_idx %arg7[%iota3A, %parallel_loop3A_532], %parallel_loop3A_542 : memref<32x513xf32, #tpu.memory_space<vmem>>[vector<16xi32>, vector<16xi32>], vector<16xf32>,
        tpu.vector_store_idx %arg7[%add3A_5, %parallel_loop3A_532], %parallel_loop3A_548 : memref<32x513xf32, #tpu.memory_space<vmem>>[vector<16xi32>, vector<16xi32>], vector<16xf32>,
        %parallel_loop3A_549 = arith.constant 1 : i32
        %parallel_loop3A_550 = vector.broadcast %parallel_loop3A_549 : i32 to vector<16xi32>
        %parallel_loop3A_551 = arith.addi %parallel_loop3A_532, %parallel_loop3A_550 : vector<16xi32>
        scf.yield %parallel_loop3A_551 : vector<16xi32>
      } {sc.loop_unroll_factor = 16 : i64, sc.parallel_access}
      %jit3A_477 = arith.constant 8 : i32
      %div3A_478 = arith.divsi %add3A_351, %jit3A_477 : i32
      %sign3A_479 = arith.constant 0 : i32
      %sign3A_480 = arith.cmpi sgt, %add3A_351, %sign3A_479 : i32
      %sign3A_481 = arith.extui %sign3A_480 : i1 to i32
      %sign3A_482 = arith.constant 0 : i32
      %sign3A_483 = arith.cmpi slt, %add3A_351, %sign3A_482 : i32
      %sign3A_484 = arith.extui %sign3A_483 : i1 to i32
      %sign3A_485 = arith.subi %sign3A_481, %sign3A_484 : i32
      %sign3A_486 = arith.constant 0 : i32
      %sign3A_487 = arith.cmpi sgt, %jit3A_477, %sign3A_486 : i32
      %sign3A_488 = arith.extui %sign3A_487 : i1 to i32
      %sign3A_489 = arith.constant 0 : i32
      %sign3A_490 = arith.cmpi slt, %jit3A_477, %sign3A_489 : i32
      %sign3A_491 = arith.extui %sign3A_490 : i1 to i32
      %sign3A_492 = arith.subi %sign3A_488, %sign3A_491 : i32
      %ne3A_493 = arith.cmpi ne, %sign3A_485, %sign3A_492 : i32
      %rem3A_494 = arith.remsi %add3A_351, %jit3A_477 : i32
      %ne3A_495 = arith.constant 0 : i32
      %ne3A_496 = arith.cmpi ne, %rem3A_494, %ne3A_495 : i32
      %and3A_497 = arith.andi %ne3A_493, %ne3A_496 : i1
      %sub3A_498 = arith.constant 1 : i32
      %sub3A_499 = arith.subi %div3A_478, %sub3A_498 : i32
      %select_n3A_500 = arith.select %and3A_497, %sub3A_499, %div3A_478 : i32
      %jit3A_501 = arith.constant 8 : i32
      %eq3A_502 = arith.constant 0 : i32
      %eq3A_503 = arith.cmpi eq, %jit3A_501, %eq3A_502 : i32
      %jit3A_504 = arith.constant 1 : i32
      %select_n3A_505 = arith.select %eq3A_503, %jit3A_504, %jit3A_501 : i32
      %rem3A_506 = arith.remsi %add3A_351, %select_n3A_505 : i32
      %ne3A_507 = arith.constant 0 : i32
      %ne3A_508 = arith.cmpi ne, %rem3A_506, %ne3A_507 : i32
      %lt3A_509 = arith.constant 0 : i32
      %lt3A_510 = arith.cmpi slt, %rem3A_506, %lt3A_509 : i32
      %lt3A_511 = arith.constant 0 : i32
      %lt3A_512 = arith.cmpi slt, %select_n3A_505, %lt3A_511 : i32
      %ne3A_513 = arith.xori %lt3A_510, %lt3A_512 : i1
      %and3A_514 = arith.andi %ne3A_513, %ne3A_508 : i1
      %add3A_515 = arith.addi %rem3A_506, %select_n3A_505 : i32
      %select_n3A_516 = arith.select %and3A_514, %add3A_515, %rem3A_506 : i32
      %mul3A_517 = arith.constant 512 : i32
      %mul3A_518 = arith.muli %select_n3A_516, %mul3A_517 : i32
      %dma_start3A_519 = arith.constant 0 : i32
      %dma_start3A_520 = arith.constant 0 : i32
      %dma_start3A_521 = tpu.memref_slice %arg7[%dma_start3A_519, %dma_start3A_520] : memref<32x513xf32, #tpu.memory_space<vmem>> -> memref<32x512xf32, #tpu.memory_space<vmem>>
      %dma_start3A_522 = arith.constant 0 : i32
      %dma_start3A_523 = tpu.memref_slice %arg4[%select_n3A_500, %dma_start3A_522, %mul3A_518] : memref<200x32x4096xf32, #tpu.memory_space<hbm>> -> memref<1x32x512xf32, #tpu.memory_space<hbm>>
      %dma_start3A_524 = tpu.memref_squeeze %dma_start3A_523 : memref<1x32x512xf32, #tpu.memory_space<hbm>> -> memref<32x512xf32, #tpu.memory_space<hbm>>
      %dma_start3A_525 = arith.constant 0 : i32
      %dma_start3A_526 = tpu.memref_slice %arg4[%select_n3A_500, %dma_start3A_525, %mul3A_518] : memref<200x32x4096xf32, #tpu.memory_space<hbm>> -> memref<1x32x512xf32, #tpu.memory_space<hbm>>
      %dma_start3A_527 = tpu.memref_squeeze %dma_start3A_526 : memref<1x32x512xf32, #tpu.memory_space<hbm>> -> memref<32x512xf32, #tpu.memory_space<hbm>>
      %dma_start3A_528 = arith.constant 0 : i32
      %dma_start3A_529 = arith.constant 0 : i32
      %dma_start3A_530 = tpu.memref_slice %arg7[%dma_start3A_528, %dma_start3A_529] : memref<32x513xf32, #tpu.memory_space<vmem>> -> memref<32x512xf32, #tpu.memory_space<vmem>>
      tpu.enqueue_dma source(%dma_start3A_530 : memref<32x512xf32, #tpu.memory_space<vmem>>) target(%dma_start3A_527 : memref<32x512xf32, #tpu.memory_space<hbm>>) target_semaphore(%arg10 : memref<!tpu.dma_semaphore, #tpu.memory_space<semaphore_mem>>)
    }
    %scan3A_119 = arith.constant 25 : i32
    %jit3A = arith.constant 8 : i32
    %div3A = arith.divsi %mul3A_2, %jit3A : i32
    %sign3A = arith.constant 0 : i32
    %sign3A_120 = arith.cmpi sgt, %mul3A_2, %sign3A : i32
    %sign3A_121 = arith.extui %sign3A_120 : i1 to i32
    %sign3A_122 = arith.constant 0 : i32
    %sign3A_123 = arith.cmpi slt, %mul3A_2, %sign3A_122 : i32
    %sign3A_124 = arith.extui %sign3A_123 : i1 to i32
    %sign3A_125 = arith.subi %sign3A_121, %sign3A_124 : i32
    %sign3A_126 = arith.constant 0 : i32
    %sign3A_127 = arith.cmpi sgt, %jit3A, %sign3A_126 : i32
    %sign3A_128 = arith.extui %sign3A_127 : i1 to i32
    %sign3A_129 = arith.constant 0 : i32
    %sign3A_130 = arith.cmpi slt, %jit3A, %sign3A_129 : i32
    %sign3A_131 = arith.extui %sign3A_130 : i1 to i32
    %sign3A_132 = arith.subi %sign3A_128, %sign3A_131 : i32
    %ne3A = arith.cmpi ne, %sign3A_125, %sign3A_132 : i32
    %rem3A = arith.remsi %mul3A_2, %jit3A : i32
    %ne3A_133 = arith.constant 0 : i32
    %ne3A_134 = arith.cmpi ne, %rem3A, %ne3A_133 : i32
    %and3A = arith.andi %ne3A, %ne3A_134 : i1
    %sub3A = arith.constant 1 : i32
    %sub3A_135 = arith.subi %div3A, %sub3A : i32
    %select_n3A = arith.select %and3A, %sub3A_135, %div3A : i32
    %jit3A_136 = arith.constant 8 : i32
    %eq3A = arith.constant 0 : i32
    %eq3A_137 = arith.cmpi eq, %jit3A_136, %eq3A : i32
    %jit3A_138 = arith.constant 1 : i32
    %select_n3A_139 = arith.select %eq3A_137, %jit3A_138, %jit3A_136 : i32
    %rem3A_140 = arith.remsi %mul3A_2, %select_n3A_139 : i32
    %ne3A_141 = arith.constant 0 : i32
    %ne3A_142 = arith.cmpi ne, %rem3A_140, %ne3A_141 : i32
    %lt3A = arith.constant 0 : i32
    %lt3A_143 = arith.cmpi slt, %rem3A_140, %lt3A : i32
    %lt3A_144 = arith.constant 0 : i32
    %lt3A_145 = arith.cmpi slt, %select_n3A_139, %lt3A_144 : i32
    %ne3A_146 = arith.xori %lt3A_143, %lt3A_145 : i1
    %and3A_147 = arith.andi %ne3A_146, %ne3A_142 : i1
    %add3A_148 = arith.addi %rem3A_140, %select_n3A_139 : i32
    %select_n3A_149 = arith.select %and3A_147, %add3A_148, %rem3A_140 : i32
    %mul3A_150 = arith.constant 512 : i32
    %mul3A_151 = arith.muli %select_n3A_149, %mul3A_150 : i32
    %dma_wait3A = arith.constant 0 : i32
    %dma_wait3A_152 = arith.constant 0 : i32
    %dma_wait3A_153 = tpu.memref_slice %arg7[%dma_wait3A, %dma_wait3A_152] : memref<32x513xf32, #tpu.memory_space<vmem>> -> memref<32x512xf32, #tpu.memory_space<vmem>>
    %dma_wait3A_154 = arith.constant 0 : i32
    %dma_wait3A_155 = tpu.memref_slice %arg4[%select_n3A, %dma_wait3A_154, %mul3A_151] : memref<200x32x4096xf32, #tpu.memory_space<hbm>> -> memref<1x32x512xf32, #tpu.memory_space<hbm>>
    %dma_wait3A_156 = tpu.memref_squeeze %dma_wait3A_155 : memref<1x32x512xf32, #tpu.memory_space<hbm>> -> memref<32x512xf32, #tpu.memory_space<hbm>>
    %dma_wait3A_157 = arith.constant 0 : i32
    %dma_wait3A_158 = tpu.memref_slice %arg4[%select_n3A, %dma_wait3A_157, %mul3A_151] : memref<200x32x4096xf32, #tpu.memory_space<hbm>> -> memref<1x32x512xf32, #tpu.memory_space<hbm>>
    %dma_wait3A_159 = tpu.memref_squeeze %dma_wait3A_158 : memref<1x32x512xf32, #tpu.memory_space<hbm>> -> memref<32x512xf32, #tpu.memory_space<hbm>>
    %dma_wait3A_160 = arith.constant 0 : i32
    %dma_wait3A_161 = arith.constant 0 : i32
    %dma_wait3A_162 = tpu.memref_slice %arg7[%dma_wait3A_160, %dma_wait3A_161] : memref<32x513xf32, #tpu.memory_space<vmem>> -> memref<32x512xf32, #tpu.memory_space<vmem>>
    tpu.wait_dma2 semaphore(%arg10 : memref<!tpu.dma_semaphore, #tpu.memory_space<semaphore_mem>>) src(%dma_wait3A_162 : memref<32x512xf32, #tpu.memory_space<vmem>>) dst(%dma_wait3A_159 : memref<32x512xf32, #tpu.memory_space<hbm>>)
    return
  }
}

#map = affine_map<(d0, d1) -> (0, 0)>
#map1 = affine_map<(d0, d1) -> (0)>
module attributes {stable_mosaic.version = 14 : i64} {
  func.func @transpose_kernel(%arg0: i32, %arg1: i32, %arg2: memref<32x1000000xf32, #tpu.memory_space<hbm>>, %arg3: memref<2048xf32, #tpu.memory_space<hbm>>, %arg4: memref<32000000xf32, #tpu.memory_space<hbm>>, %arg5: memref<2x4x8x261xf32, #tpu.memory_space<vmem>>, %arg6: memref<8192xf32, #tpu.memory_space<vmem>>, %arg7: memref<2048xf32, #tpu.memory_space<vmem>>, %arg8: memref<!tpu.dma_semaphore, #tpu.memory_space<semaphore_mem>>, %arg9: memref<!tpu.dma_semaphore, #tpu.memory_space<semaphore_mem>>) attributes {dimension_semantics = [#tpu.dimension_semantics<core_parallel>, #tpu.dimension_semantics<subcore_parallel>], iteration_bounds = array<i64: 2, 16>, scalar_prefetch = 0 : i64, scratch_operands = 5 : i64, tpu.core_type = #tpu.core_type<sc_vector_subcore>, window_params = [{transform_indices = #map}, {transform_indices = #map1}, {transform_indices = #map1}]} {
    %mul3A = arith.constant 2 : i32
    %mul3A_0 = arith.muli %arg1, %mul3A : i32
    %add3A = arith.addi %mul3A_0, %arg0 : i32
    %mul3A_1 = arith.constant 122 : i32
    %mul3A_2 = arith.muli %add3A, %mul3A_1 : i32
    %iota3A = tpu.iota {dimensions = array<i32: 0>} : vector<16xi32>
    %and3A = arith.constant 7 : i32
    %and3A_3 = vector.broadcast %and3A : i32 to vector<16xi32>
    %and3A_4 = arith.andi %iota3A, %and3A_3 : vector<16xi32>
    %iota3A_5 = tpu.iota {dimensions = array<i32: 0>} : vector<16xi32>
    %shift_right_arithmetic3A = arith.constant 3 : i32
    %shift_right_arithmetic3A_6 = vector.broadcast %shift_right_arithmetic3A : i32 to vector<16xi32>
    %shift_right_arithmetic3A_7 = arith.shrsi %iota3A_5, %shift_right_arithmetic3A_6 : vector<16xi32>
    %add3A_8 = arith.constant 2 : i32
    %add3A_9 = vector.broadcast %add3A_8 : i32 to vector<16xi32>
    %add3A_10 = arith.addi %shift_right_arithmetic3A_7, %add3A_9 : vector<16xi32>
    %mul3A_11 = arith.constant 256 : i32
    %mul3A_12 = arith.muli %mul3A_2, %mul3A_11 : i32
    %multiple_of3A = tpu.assume_multiple %mul3A_12, 128 : i32
    %dma_start3A = arith.constant 0 : i32
    %dma_start3A_13 = arith.constant 0 : i32
    %dma_start3A_14 = arith.constant 0 : i32
    %dma_start3A_15 = arith.constant 0 : i32
    %dma_start3A_16 = tpu.memref_slice %arg5[%dma_start3A, %dma_start3A_13, %dma_start3A_14, %dma_start3A_15] : memref<2x4x8x261xf32, #tpu.memory_space<vmem>> -> memref<1x1x8x256xf32, #tpu.memory_space<vmem>>
    %dma_start3A_17 = tpu.memref_squeeze %dma_start3A_16 : memref<1x1x8x256xf32, #tpu.memory_space<vmem>> -> memref<8x256xf32, #tpu.memory_space<vmem>>
    %dma_start3A_18 = arith.constant 0 : i32
    %dma_start3A_19 = tpu.memref_slice %arg2[%dma_start3A_18, %multiple_of3A] : memref<32x1000000xf32, #tpu.memory_space<hbm>> -> memref<8x256xf32, #tpu.memory_space<hbm>>
    %dma_start3A_20 = arith.constant 0 : i32
    %dma_start3A_21 = arith.constant 0 : i32
    %dma_start3A_22 = tpu.memref_slice %arg5[%dma_start3A, %dma_start3A_13, %dma_start3A_20, %dma_start3A_21] : memref<2x4x8x261xf32, #tpu.memory_space<vmem>> -> memref<1x1x8x256xf32, #tpu.memory_space<vmem>>
    %dma_start3A_23 = tpu.memref_squeeze %dma_start3A_22 : memref<1x1x8x256xf32, #tpu.memory_space<vmem>> -> memref<8x256xf32, #tpu.memory_space<vmem>>
    %dma_start3A_24 = arith.constant 0 : i32
    %dma_start3A_25 = tpu.memref_slice %arg2[%dma_start3A_24, %multiple_of3A] : memref<32x1000000xf32, #tpu.memory_space<hbm>> -> memref<8x256xf32, #tpu.memory_space<hbm>>
    tpu.enqueue_dma source(%dma_start3A_25 : memref<8x256xf32, #tpu.memory_space<hbm>>) target(%dma_start3A_23 : memref<8x256xf32, #tpu.memory_space<vmem>>) target_semaphore(%arg8 : memref<!tpu.dma_semaphore, #tpu.memory_space<semaphore_mem>>)
    %dma_start3A_26 = arith.constant 0 : i32
    %dma_start3A_27 = arith.constant 1 : i32
    %dma_start3A_28 = arith.constant 0 : i32
    %dma_start3A_29 = arith.constant 0 : i32
    %dma_start3A_30 = tpu.memref_slice %arg5[%dma_start3A_26, %dma_start3A_27, %dma_start3A_28, %dma_start3A_29] : memref<2x4x8x261xf32, #tpu.memory_space<vmem>> -> memref<1x1x8x256xf32, #tpu.memory_space<vmem>>
    %dma_start3A_31 = tpu.memref_squeeze %dma_start3A_30 : memref<1x1x8x256xf32, #tpu.memory_space<vmem>> -> memref<8x256xf32, #tpu.memory_space<vmem>>
    %dma_start3A_32 = arith.constant 8 : i32
    %dma_start3A_33 = tpu.memref_slice %arg2[%dma_start3A_32, %multiple_of3A] : memref<32x1000000xf32, #tpu.memory_space<hbm>> -> memref<8x256xf32, #tpu.memory_space<hbm>>
    %dma_start3A_34 = arith.constant 0 : i32
    %dma_start3A_35 = arith.constant 0 : i32
    %dma_start3A_36 = tpu.memref_slice %arg5[%dma_start3A_26, %dma_start3A_27, %dma_start3A_34, %dma_start3A_35] : memref<2x4x8x261xf32, #tpu.memory_space<vmem>> -> memref<1x1x8x256xf32, #tpu.memory_space<vmem>>
    %dma_start3A_37 = tpu.memref_squeeze %dma_start3A_36 : memref<1x1x8x256xf32, #tpu.memory_space<vmem>> -> memref<8x256xf32, #tpu.memory_space<vmem>>
    %dma_start3A_38 = arith.constant 8 : i32
    %dma_start3A_39 = tpu.memref_slice %arg2[%dma_start3A_38, %multiple_of3A] : memref<32x1000000xf32, #tpu.memory_space<hbm>> -> memref<8x256xf32, #tpu.memory_space<hbm>>
    tpu.enqueue_dma source(%dma_start3A_39 : memref<8x256xf32, #tpu.memory_space<hbm>>) target(%dma_start3A_37 : memref<8x256xf32, #tpu.memory_space<vmem>>) target_semaphore(%arg8 : memref<!tpu.dma_semaphore, #tpu.memory_space<semaphore_mem>>)
    %dma_start3A_40 = arith.constant 0 : i32
    %dma_start3A_41 = arith.constant 2 : i32
    %dma_start3A_42 = arith.constant 0 : i32
    %dma_start3A_43 = arith.constant 0 : i32
    %dma_start3A_44 = tpu.memref_slice %arg5[%dma_start3A_40, %dma_start3A_41, %dma_start3A_42, %dma_start3A_43] : memref<2x4x8x261xf32, #tpu.memory_space<vmem>> -> memref<1x1x8x256xf32, #tpu.memory_space<vmem>>
    %dma_start3A_45 = tpu.memref_squeeze %dma_start3A_44 : memref<1x1x8x256xf32, #tpu.memory_space<vmem>> -> memref<8x256xf32, #tpu.memory_space<vmem>>
    %dma_start3A_46 = arith.constant 16 : i32
    %dma_start3A_47 = tpu.memref_slice %arg2[%dma_start3A_46, %multiple_of3A] : memref<32x1000000xf32, #tpu.memory_space<hbm>> -> memref<8x256xf32, #tpu.memory_space<hbm>>
    %dma_start3A_48 = arith.constant 0 : i32
    %dma_start3A_49 = arith.constant 0 : i32
    %dma_start3A_50 = tpu.memref_slice %arg5[%dma_start3A_40, %dma_start3A_41, %dma_start3A_48, %dma_start3A_49] : memref<2x4x8x261xf32, #tpu.memory_space<vmem>> -> memref<1x1x8x256xf32, #tpu.memory_space<vmem>>
    %dma_start3A_51 = tpu.memref_squeeze %dma_start3A_50 : memref<1x1x8x256xf32, #tpu.memory_space<vmem>> -> memref<8x256xf32, #tpu.memory_space<vmem>>
    %dma_start3A_52 = arith.constant 16 : i32
    %dma_start3A_53 = tpu.memref_slice %arg2[%dma_start3A_52, %multiple_of3A] : memref<32x1000000xf32, #tpu.memory_space<hbm>> -> memref<8x256xf32, #tpu.memory_space<hbm>>
    tpu.enqueue_dma source(%dma_start3A_53 : memref<8x256xf32, #tpu.memory_space<hbm>>) target(%dma_start3A_51 : memref<8x256xf32, #tpu.memory_space<vmem>>) target_semaphore(%arg8 : memref<!tpu.dma_semaphore, #tpu.memory_space<semaphore_mem>>)
    %dma_start3A_54 = arith.constant 0 : i32
    %dma_start3A_55 = arith.constant 3 : i32
    %dma_start3A_56 = arith.constant 0 : i32
    %dma_start3A_57 = arith.constant 0 : i32
    %dma_start3A_58 = tpu.memref_slice %arg5[%dma_start3A_54, %dma_start3A_55, %dma_start3A_56, %dma_start3A_57] : memref<2x4x8x261xf32, #tpu.memory_space<vmem>> -> memref<1x1x8x256xf32, #tpu.memory_space<vmem>>
    %dma_start3A_59 = tpu.memref_squeeze %dma_start3A_58 : memref<1x1x8x256xf32, #tpu.memory_space<vmem>> -> memref<8x256xf32, #tpu.memory_space<vmem>>
    %dma_start3A_60 = arith.constant 24 : i32
    %dma_start3A_61 = tpu.memref_slice %arg2[%dma_start3A_60, %multiple_of3A] : memref<32x1000000xf32, #tpu.memory_space<hbm>> -> memref<8x256xf32, #tpu.memory_space<hbm>>
    %dma_start3A_62 = arith.constant 0 : i32
    %dma_start3A_63 = arith.constant 0 : i32
    %dma_start3A_64 = tpu.memref_slice %arg5[%dma_start3A_54, %dma_start3A_55, %dma_start3A_62, %dma_start3A_63] : memref<2x4x8x261xf32, #tpu.memory_space<vmem>> -> memref<1x1x8x256xf32, #tpu.memory_space<vmem>>
    %dma_start3A_65 = tpu.memref_squeeze %dma_start3A_64 : memref<1x1x8x256xf32, #tpu.memory_space<vmem>> -> memref<8x256xf32, #tpu.memory_space<vmem>>
    %dma_start3A_66 = arith.constant 24 : i32
    %dma_start3A_67 = tpu.memref_slice %arg2[%dma_start3A_66, %multiple_of3A] : memref<32x1000000xf32, #tpu.memory_space<hbm>> -> memref<8x256xf32, #tpu.memory_space<hbm>>
    tpu.enqueue_dma source(%dma_start3A_67 : memref<8x256xf32, #tpu.memory_space<hbm>>) target(%dma_start3A_65 : memref<8x256xf32, #tpu.memory_space<vmem>>) target_semaphore(%arg8 : memref<!tpu.dma_semaphore, #tpu.memory_space<semaphore_mem>>)
    %scan3A = arith.constant 0 : i32
    %scan3A_68 = arith.constant 61 : i32
    %scan3A_69 = arith.addi %scan3A, %scan3A_68 : i32
    %scan3A_70 = arith.constant 1 : i32
    scf.for %scan3A_81 = %scan3A to %scan3A_69 step %scan3A_70  : i32 {
      %mul3A_82 = arith.constant 1 : i32
      %mul3A_83 = arith.muli %scan3A_81, %mul3A_82 : i32
      %add3A_84 = arith.constant 0 : i32
      %add3A_85 = arith.addi %add3A_84, %mul3A_83 : i32
      %mul3A_86 = arith.constant 2 : i32
      %mul3A_87 = arith.muli %add3A_85, %mul3A_86 : i32
      %add3A_88 = arith.constant 0 : i32
      %add3A_89 = arith.addi %mul3A_87, %add3A_88 : i32
      %dma_wait3A_90 = arith.constant 0 : i32
      %dma_wait3A_91 = arith.constant 0 : i32
      %dma_wait3A_92 = arith.constant 0 : i32
      %dma_wait3A_93 = arith.constant 0 : i32
      %dma_wait3A_94 = tpu.memref_slice %arg5[%dma_wait3A_90, %dma_wait3A_91, %dma_wait3A_92, %dma_wait3A_93] : memref<2x4x8x261xf32, #tpu.memory_space<vmem>> -> memref<1x1x8x256xf32, #tpu.memory_space<vmem>>
      %dma_wait3A_95 = tpu.memref_squeeze %dma_wait3A_94 : memref<1x1x8x256xf32, #tpu.memory_space<vmem>> -> memref<8x256xf32, #tpu.memory_space<vmem>>
      %dma_wait3A_96 = arith.constant 0 : i32
      %dma_wait3A_97 = arith.constant 0 : i32
      %dma_wait3A_98 = tpu.memref_slice %arg2[%dma_wait3A_96, %dma_wait3A_97] : memref<32x1000000xf32, #tpu.memory_space<hbm>> -> memref<8x256xf32, #tpu.memory_space<hbm>>
      %dma_wait3A_99 = arith.constant 0 : i32
      %dma_wait3A_100 = arith.constant 0 : i32
      %dma_wait3A_101 = tpu.memref_slice %arg5[%dma_wait3A_90, %dma_wait3A_91, %dma_wait3A_99, %dma_wait3A_100] : memref<2x4x8x261xf32, #tpu.memory_space<vmem>> -> memref<1x1x8x256xf32, #tpu.memory_space<vmem>>
      %dma_wait3A_102 = tpu.memref_squeeze %dma_wait3A_101 : memref<1x1x8x256xf32, #tpu.memory_space<vmem>> -> memref<8x256xf32, #tpu.memory_space<vmem>>
      %dma_wait3A_103 = arith.constant 0 : i32
      %dma_wait3A_104 = arith.constant 0 : i32
      %dma_wait3A_105 = tpu.memref_slice %arg2[%dma_wait3A_103, %dma_wait3A_104] : memref<32x1000000xf32, #tpu.memory_space<hbm>> -> memref<8x256xf32, #tpu.memory_space<hbm>>
      tpu.wait_dma2 semaphore(%arg8 : memref<!tpu.dma_semaphore, #tpu.memory_space<semaphore_mem>>) src(%dma_wait3A_105 : memref<8x256xf32, #tpu.memory_space<hbm>>) dst(%dma_wait3A_102 : memref<8x256xf32, #tpu.memory_space<vmem>>)
      %dma_wait3A_106 = arith.constant 0 : i32
      %dma_wait3A_107 = arith.constant 1 : i32
      %dma_wait3A_108 = arith.constant 0 : i32
      %dma_wait3A_109 = arith.constant 0 : i32
      %dma_wait3A_110 = tpu.memref_slice %arg5[%dma_wait3A_106, %dma_wait3A_107, %dma_wait3A_108, %dma_wait3A_109] : memref<2x4x8x261xf32, #tpu.memory_space<vmem>> -> memref<1x1x8x256xf32, #tpu.memory_space<vmem>>
      %dma_wait3A_111 = tpu.memref_squeeze %dma_wait3A_110 : memref<1x1x8x256xf32, #tpu.memory_space<vmem>> -> memref<8x256xf32, #tpu.memory_space<vmem>>
      %dma_wait3A_112 = arith.constant 0 : i32
      %dma_wait3A_113 = arith.constant 0 : i32
      %dma_wait3A_114 = tpu.memref_slice %arg2[%dma_wait3A_112, %dma_wait3A_113] : memref<32x1000000xf32, #tpu.memory_space<hbm>> -> memref<8x256xf32, #tpu.memory_space<hbm>>
      %dma_wait3A_115 = arith.constant 0 : i32
      %dma_wait3A_116 = arith.constant 0 : i32
      %dma_wait3A_117 = tpu.memref_slice %arg5[%dma_wait3A_106, %dma_wait3A_107, %dma_wait3A_115, %dma_wait3A_116] : memref<2x4x8x261xf32, #tpu.memory_space<vmem>> -> memref<1x1x8x256xf32, #tpu.memory_space<vmem>>
      %dma_wait3A_118 = tpu.memref_squeeze %dma_wait3A_117 : memref<1x1x8x256xf32, #tpu.memory_space<vmem>> -> memref<8x256xf32, #tpu.memory_space<vmem>>
      %dma_wait3A_119 = arith.constant 0 : i32
      %dma_wait3A_120 = arith.constant 0 : i32
      %dma_wait3A_121 = tpu.memref_slice %arg2[%dma_wait3A_119, %dma_wait3A_120] : memref<32x1000000xf32, #tpu.memory_space<hbm>> -> memref<8x256xf32, #tpu.memory_space<hbm>>
      tpu.wait_dma2 semaphore(%arg8 : memref<!tpu.dma_semaphore, #tpu.memory_space<semaphore_mem>>) src(%dma_wait3A_121 : memref<8x256xf32, #tpu.memory_space<hbm>>) dst(%dma_wait3A_118 : memref<8x256xf32, #tpu.memory_space<vmem>>)
      %dma_wait3A_122 = arith.constant 0 : i32
      %dma_wait3A_123 = arith.constant 2 : i32
      %dma_wait3A_124 = arith.constant 0 : i32
      %dma_wait3A_125 = arith.constant 0 : i32
      %dma_wait3A_126 = tpu.memref_slice %arg5[%dma_wait3A_122, %dma_wait3A_123, %dma_wait3A_124, %dma_wait3A_125] : memref<2x4x8x261xf32, #tpu.memory_space<vmem>> -> memref<1x1x8x256xf32, #tpu.memory_space<vmem>>
      %dma_wait3A_127 = tpu.memref_squeeze %dma_wait3A_126 : memref<1x1x8x256xf32, #tpu.memory_space<vmem>> -> memref<8x256xf32, #tpu.memory_space<vmem>>
      %dma_wait3A_128 = arith.constant 0 : i32
      %dma_wait3A_129 = arith.constant 0 : i32
      %dma_wait3A_130 = tpu.memref_slice %arg2[%dma_wait3A_128, %dma_wait3A_129] : memref<32x1000000xf32, #tpu.memory_space<hbm>> -> memref<8x256xf32, #tpu.memory_space<hbm>>
      %dma_wait3A_131 = arith.constant 0 : i32
      %dma_wait3A_132 = arith.constant 0 : i32
      %dma_wait3A_133 = tpu.memref_slice %arg5[%dma_wait3A_122, %dma_wait3A_123, %dma_wait3A_131, %dma_wait3A_132] : memref<2x4x8x261xf32, #tpu.memory_space<vmem>> -> memref<1x1x8x256xf32, #tpu.memory_space<vmem>>
      %dma_wait3A_134 = tpu.memref_squeeze %dma_wait3A_133 : memref<1x1x8x256xf32, #tpu.memory_space<vmem>> -> memref<8x256xf32, #tpu.memory_space<vmem>>
      %dma_wait3A_135 = arith.constant 0 : i32
      %dma_wait3A_136 = arith.constant 0 : i32
      %dma_wait3A_137 = tpu.memref_slice %arg2[%dma_wait3A_135, %dma_wait3A_136] : memref<32x1000000xf32, #tpu.memory_space<hbm>> -> memref<8x256xf32, #tpu.memory_space<hbm>>
      tpu.wait_dma2 semaphore(%arg8 : memref<!tpu.dma_semaphore, #tpu.memory_space<semaphore_mem>>) src(%dma_wait3A_137 : memref<8x256xf32, #tpu.memory_space<hbm>>) dst(%dma_wait3A_134 : memref<8x256xf32, #tpu.memory_space<vmem>>)
      %dma_wait3A_138 = arith.constant 0 : i32
      %dma_wait3A_139 = arith.constant 3 : i32
      %dma_wait3A_140 = arith.constant 0 : i32
      %dma_wait3A_141 = arith.constant 0 : i32
      %dma_wait3A_142 = tpu.memref_slice %arg5[%dma_wait3A_138, %dma_wait3A_139, %dma_wait3A_140, %dma_wait3A_141] : memref<2x4x8x261xf32, #tpu.memory_space<vmem>> -> memref<1x1x8x256xf32, #tpu.memory_space<vmem>>
      %dma_wait3A_143 = tpu.memref_squeeze %dma_wait3A_142 : memref<1x1x8x256xf32, #tpu.memory_space<vmem>> -> memref<8x256xf32, #tpu.memory_space<vmem>>
      %dma_wait3A_144 = arith.constant 0 : i32
      %dma_wait3A_145 = arith.constant 0 : i32
      %dma_wait3A_146 = tpu.memref_slice %arg2[%dma_wait3A_144, %dma_wait3A_145] : memref<32x1000000xf32, #tpu.memory_space<hbm>> -> memref<8x256xf32, #tpu.memory_space<hbm>>
      %dma_wait3A_147 = arith.constant 0 : i32
      %dma_wait3A_148 = arith.constant 0 : i32
      %dma_wait3A_149 = tpu.memref_slice %arg5[%dma_wait3A_138, %dma_wait3A_139, %dma_wait3A_147, %dma_wait3A_148] : memref<2x4x8x261xf32, #tpu.memory_space<vmem>> -> memref<1x1x8x256xf32, #tpu.memory_space<vmem>>
      %dma_wait3A_150 = tpu.memref_squeeze %dma_wait3A_149 : memref<1x1x8x256xf32, #tpu.memory_space<vmem>> -> memref<8x256xf32, #tpu.memory_space<vmem>>
      %dma_wait3A_151 = arith.constant 0 : i32
      %dma_wait3A_152 = arith.constant 0 : i32
      %dma_wait3A_153 = tpu.memref_slice %arg2[%dma_wait3A_151, %dma_wait3A_152] : memref<32x1000000xf32, #tpu.memory_space<hbm>> -> memref<8x256xf32, #tpu.memory_space<hbm>>
      tpu.wait_dma2 semaphore(%arg8 : memref<!tpu.dma_semaphore, #tpu.memory_space<semaphore_mem>>) src(%dma_wait3A_153 : memref<8x256xf32, #tpu.memory_space<hbm>>) dst(%dma_wait3A_150 : memref<8x256xf32, #tpu.memory_space<vmem>>)
      %lt3A_154 = arith.constant 121 : i32
      %lt3A_155 = arith.cmpi slt, %add3A_89, %lt3A_154 : i32
      %convert_element_type3A_156 = arith.extui %lt3A_155 : i1 to i32
      %cond3A_157 = arith.constant 0 : i32
      %cond3A_158 = arith.cmpi ne, %convert_element_type3A_156, %cond3A_157 : i32
      scf.if %cond3A_158 {
        %add3A_261 = arith.addi %mul3A_2, %add3A_89 : i32
        %add3A_262 = arith.constant 1 : i32
        %add3A_263 = arith.addi %add3A_261, %add3A_262 : i32
        %mul3A_264 = arith.constant 256 : i32
        %mul3A_265 = arith.muli %add3A_263, %mul3A_264 : i32
        %multiple_of3A_266 = tpu.assume_multiple %mul3A_265, 128 : i32
        %dma_start3A_267 = arith.constant 1 : i32
        %dma_start3A_268 = arith.constant 0 : i32
        %dma_start3A_269 = arith.constant 0 : i32
        %dma_start3A_270 = arith.constant 0 : i32
        %dma_start3A_271 = tpu.memref_slice %arg5[%dma_start3A_267, %dma_start3A_268, %dma_start3A_269, %dma_start3A_270] : memref<2x4x8x261xf32, #tpu.memory_space<vmem>> -> memref<1x1x8x256xf32, #tpu.memory_space<vmem>>
        %dma_start3A_272 = tpu.memref_squeeze %dma_start3A_271 : memref<1x1x8x256xf32, #tpu.memory_space<vmem>> -> memref<8x256xf32, #tpu.memory_space<vmem>>
        %dma_start3A_273 = arith.constant 0 : i32
        %dma_start3A_274 = tpu.memref_slice %arg2[%dma_start3A_273, %multiple_of3A_266] : memref<32x1000000xf32, #tpu.memory_space<hbm>> -> memref<8x256xf32, #tpu.memory_space<hbm>>
        %dma_start3A_275 = arith.constant 0 : i32
        %dma_start3A_276 = arith.constant 0 : i32
        %dma_start3A_277 = tpu.memref_slice %arg5[%dma_start3A_267, %dma_start3A_268, %dma_start3A_275, %dma_start3A_276] : memref<2x4x8x261xf32, #tpu.memory_space<vmem>> -> memref<1x1x8x256xf32, #tpu.memory_space<vmem>>
        %dma_start3A_278 = tpu.memref_squeeze %dma_start3A_277 : memref<1x1x8x256xf32, #tpu.memory_space<vmem>> -> memref<8x256xf32, #tpu.memory_space<vmem>>
        %dma_start3A_279 = arith.constant 0 : i32
        %dma_start3A_280 = tpu.memref_slice %arg2[%dma_start3A_279, %multiple_of3A_266] : memref<32x1000000xf32, #tpu.memory_space<hbm>> -> memref<8x256xf32, #tpu.memory_space<hbm>>
        tpu.enqueue_dma source(%dma_start3A_280 : memref<8x256xf32, #tpu.memory_space<hbm>>) target(%dma_start3A_278 : memref<8x256xf32, #tpu.memory_space<vmem>>) target_semaphore(%arg8 : memref<!tpu.dma_semaphore, #tpu.memory_space<semaphore_mem>>)
        %dma_start3A_281 = arith.constant 1 : i32
        %dma_start3A_282 = arith.constant 1 : i32
        %dma_start3A_283 = arith.constant 0 : i32
        %dma_start3A_284 = arith.constant 0 : i32
        %dma_start3A_285 = tpu.memref_slice %arg5[%dma_start3A_281, %dma_start3A_282, %dma_start3A_283, %dma_start3A_284] : memref<2x4x8x261xf32, #tpu.memory_space<vmem>> -> memref<1x1x8x256xf32, #tpu.memory_space<vmem>>
        %dma_start3A_286 = tpu.memref_squeeze %dma_start3A_285 : memref<1x1x8x256xf32, #tpu.memory_space<vmem>> -> memref<8x256xf32, #tpu.memory_space<vmem>>
        %dma_start3A_287 = arith.constant 8 : i32
        %dma_start3A_288 = tpu.memref_slice %arg2[%dma_start3A_287, %multiple_of3A_266] : memref<32x1000000xf32, #tpu.memory_space<hbm>> -> memref<8x256xf32, #tpu.memory_space<hbm>>
        %dma_start3A_289 = arith.constant 0 : i32
        %dma_start3A_290 = arith.constant 0 : i32
        %dma_start3A_291 = tpu.memref_slice %arg5[%dma_start3A_281, %dma_start3A_282, %dma_start3A_289, %dma_start3A_290] : memref<2x4x8x261xf32, #tpu.memory_space<vmem>> -> memref<1x1x8x256xf32, #tpu.memory_space<vmem>>
        %dma_start3A_292 = tpu.memref_squeeze %dma_start3A_291 : memref<1x1x8x256xf32, #tpu.memory_space<vmem>> -> memref<8x256xf32, #tpu.memory_space<vmem>>
        %dma_start3A_293 = arith.constant 8 : i32
        %dma_start3A_294 = tpu.memref_slice %arg2[%dma_start3A_293, %multiple_of3A_266] : memref<32x1000000xf32, #tpu.memory_space<hbm>> -> memref<8x256xf32, #tpu.memory_space<hbm>>
        tpu.enqueue_dma source(%dma_start3A_294 : memref<8x256xf32, #tpu.memory_space<hbm>>) target(%dma_start3A_292 : memref<8x256xf32, #tpu.memory_space<vmem>>) target_semaphore(%arg8 : memref<!tpu.dma_semaphore, #tpu.memory_space<semaphore_mem>>)
        %dma_start3A_295 = arith.constant 1 : i32
        %dma_start3A_296 = arith.constant 2 : i32
        %dma_start3A_297 = arith.constant 0 : i32
        %dma_start3A_298 = arith.constant 0 : i32
        %dma_start3A_299 = tpu.memref_slice %arg5[%dma_start3A_295, %dma_start3A_296, %dma_start3A_297, %dma_start3A_298] : memref<2x4x8x261xf32, #tpu.memory_space<vmem>> -> memref<1x1x8x256xf32, #tpu.memory_space<vmem>>
        %dma_start3A_300 = tpu.memref_squeeze %dma_start3A_299 : memref<1x1x8x256xf32, #tpu.memory_space<vmem>> -> memref<8x256xf32, #tpu.memory_space<vmem>>
        %dma_start3A_301 = arith.constant 16 : i32
        %dma_start3A_302 = tpu.memref_slice %arg2[%dma_start3A_301, %multiple_of3A_266] : memref<32x1000000xf32, #tpu.memory_space<hbm>> -> memref<8x256xf32, #tpu.memory_space<hbm>>
        %dma_start3A_303 = arith.constant 0 : i32
        %dma_start3A_304 = arith.constant 0 : i32
        %dma_start3A_305 = tpu.memref_slice %arg5[%dma_start3A_295, %dma_start3A_296, %dma_start3A_303, %dma_start3A_304] : memref<2x4x8x261xf32, #tpu.memory_space<vmem>> -> memref<1x1x8x256xf32, #tpu.memory_space<vmem>>
        %dma_start3A_306 = tpu.memref_squeeze %dma_start3A_305 : memref<1x1x8x256xf32, #tpu.memory_space<vmem>> -> memref<8x256xf32, #tpu.memory_space<vmem>>
        %dma_start3A_307 = arith.constant 16 : i32
        %dma_start3A_308 = tpu.memref_slice %arg2[%dma_start3A_307, %multiple_of3A_266] : memref<32x1000000xf32, #tpu.memory_space<hbm>> -> memref<8x256xf32, #tpu.memory_space<hbm>>
        tpu.enqueue_dma source(%dma_start3A_308 : memref<8x256xf32, #tpu.memory_space<hbm>>) target(%dma_start3A_306 : memref<8x256xf32, #tpu.memory_space<vmem>>) target_semaphore(%arg8 : memref<!tpu.dma_semaphore, #tpu.memory_space<semaphore_mem>>)
        %dma_start3A_309 = arith.constant 1 : i32
        %dma_start3A_310 = arith.constant 3 : i32
        %dma_start3A_311 = arith.constant 0 : i32
        %dma_start3A_312 = arith.constant 0 : i32
        %dma_start3A_313 = tpu.memref_slice %arg5[%dma_start3A_309, %dma_start3A_310, %dma_start3A_311, %dma_start3A_312] : memref<2x4x8x261xf32, #tpu.memory_space<vmem>> -> memref<1x1x8x256xf32, #tpu.memory_space<vmem>>
        %dma_start3A_314 = tpu.memref_squeeze %dma_start3A_313 : memref<1x1x8x256xf32, #tpu.memory_space<vmem>> -> memref<8x256xf32, #tpu.memory_space<vmem>>
        %dma_start3A_315 = arith.constant 24 : i32
        %dma_start3A_316 = tpu.memref_slice %arg2[%dma_start3A_315, %multiple_of3A_266] : memref<32x1000000xf32, #tpu.memory_space<hbm>> -> memref<8x256xf32, #tpu.memory_space<hbm>>
        %dma_start3A_317 = arith.constant 0 : i32
        %dma_start3A_318 = arith.constant 0 : i32
        %dma_start3A_319 = tpu.memref_slice %arg5[%dma_start3A_309, %dma_start3A_310, %dma_start3A_317, %dma_start3A_318] : memref<2x4x8x261xf32, #tpu.memory_space<vmem>> -> memref<1x1x8x256xf32, #tpu.memory_space<vmem>>
        %dma_start3A_320 = tpu.memref_squeeze %dma_start3A_319 : memref<1x1x8x256xf32, #tpu.memory_space<vmem>> -> memref<8x256xf32, #tpu.memory_space<vmem>>
        %dma_start3A_321 = arith.constant 24 : i32
        %dma_start3A_322 = tpu.memref_slice %arg2[%dma_start3A_321, %multiple_of3A_266] : memref<32x1000000xf32, #tpu.memory_space<hbm>> -> memref<8x256xf32, #tpu.memory_space<hbm>>
        tpu.enqueue_dma source(%dma_start3A_322 : memref<8x256xf32, #tpu.memory_space<hbm>>) target(%dma_start3A_320 : memref<8x256xf32, #tpu.memory_space<vmem>>) target_semaphore(%arg8 : memref<!tpu.dma_semaphore, #tpu.memory_space<semaphore_mem>>)
      } else {
      }
      %gt3A = arith.constant 0 : i32
      %gt3A_159 = arith.cmpi sgt, %add3A_89, %gt3A : i32
      %convert_element_type3A_160 = arith.extui %gt3A_159 : i1 to i32
      %cond3A_161 = arith.constant 0 : i32
      %cond3A_162 = arith.cmpi ne, %convert_element_type3A_160, %cond3A_161 : i32
      scf.if %cond3A_162 {
        %dma_wait3A_261 = arith.constant 0 : i32
        %dma_wait3A_262 = tpu.memref_slice %arg4[%dma_wait3A_261] : memref<32000000xf32, #tpu.memory_space<hbm>> -> memref<8192xf32, #tpu.memory_space<hbm>>
        %dma_wait3A_263 = arith.constant 0 : i32
        %dma_wait3A_264 = tpu.memref_slice %arg4[%dma_wait3A_263] : memref<32000000xf32, #tpu.memory_space<hbm>> -> memref<8192xf32, #tpu.memory_space<hbm>>
        tpu.wait_dma2 semaphore(%arg9 : memref<!tpu.dma_semaphore, #tpu.memory_space<semaphore_mem>>) src(%arg6 : memref<8192xf32, #tpu.memory_space<vmem>>) dst(%dma_wait3A_264 : memref<8192xf32, #tpu.memory_space<hbm>>)
      } else {
      }
      %broadcast_in_dim3A = arith.constant 0 : i32
      %broadcast_in_dim3A_163 = vector.broadcast %broadcast_in_dim3A : i32 to vector<16xi32>
      %parallel_loop3A = arith.constant 0 : i32
      %parallel_loop3A_164 = arith.constant 256 : i32
      %parallel_loop3A_165 = arith.constant 1 : i32
      %parallel_loop3A_166 = scf.for %parallel_loop3A_261 = %parallel_loop3A to %parallel_loop3A_164 step %parallel_loop3A_165 iter_args(%parallel_loop3A_262 = %broadcast_in_dim3A_163) -> (vector<16xi32>)  : i32 {
        %parallel_loop3A_263 = arith.constant 0 : i32
        %parallel_loop3A_264 = arith.constant 0 : i32
        %parallel_loop3A_265 = arith.constant 0 : i32
        %parallel_loop3A_266 = arith.constant 0 : i32
        %parallel_loop3A_267 = tpu.memref_slice %arg5[%parallel_loop3A_263, %parallel_loop3A_264, %parallel_loop3A_265, %parallel_loop3A_266] : memref<2x4x8x261xf32, #tpu.memory_space<vmem>> -> memref<1x4x8x261xf32, #tpu.memory_space<vmem>>
        %parallel_loop3A_268 = tpu.memref_squeeze %parallel_loop3A_267 : memref<1x4x8x261xf32, #tpu.memory_space<vmem>> -> memref<4x8x261xf32, #tpu.memory_space<vmem>>
        %parallel_loop3A_269 = tpu.vector_load_idx %parallel_loop3A_268[%shift_right_arithmetic3A_7, %and3A_4, %parallel_loop3A_262] : memref<4x8x261xf32, #tpu.memory_space<vmem>>[vector<16xi32>, vector<16xi32>, vector<16xi32>], vector<16xf32>,
        %parallel_loop3A_270 = arith.constant 0 : i32
        %parallel_loop3A_271 = arith.constant 0 : i32
        %parallel_loop3A_272 = arith.constant 0 : i32
        %parallel_loop3A_273 = arith.constant 0 : i32
        %parallel_loop3A_274 = tpu.memref_slice %arg5[%parallel_loop3A_270, %parallel_loop3A_271, %parallel_loop3A_272, %parallel_loop3A_273] : memref<2x4x8x261xf32, #tpu.memory_space<vmem>> -> memref<1x4x8x261xf32, #tpu.memory_space<vmem>>
        %parallel_loop3A_275 = tpu.memref_squeeze %parallel_loop3A_274 : memref<1x4x8x261xf32, #tpu.memory_space<vmem>> -> memref<4x8x261xf32, #tpu.memory_space<vmem>>
        %parallel_loop3A_276 = tpu.vector_load_idx %parallel_loop3A_275[%add3A_10, %and3A_4, %parallel_loop3A_262] : memref<4x8x261xf32, #tpu.memory_space<vmem>>[vector<16xi32>, vector<16xi32>, vector<16xi32>], vector<16xf32>,
        %parallel_loop3A_277 = arith.constant 32 : i32
        %parallel_loop3A_278 = arith.muli %parallel_loop3A_261, %parallel_loop3A_277 : i32
        %parallel_loop3A_279 = arith.index_cast %parallel_loop3A_278 : i32 to index
        %parallel_loop3A_280 = tpu.vector_load %arg6[%parallel_loop3A_279] {strides = array<i32>} : memref<8192xf32, #tpu.memory_space<vmem>>, vector<16xf32>,
        tpu.vector_store %arg6[%parallel_loop3A_279], %parallel_loop3A_269 {strides = array<i32>} : memref<8192xf32, #tpu.memory_space<vmem>>, vector<16xf32>,
        %parallel_loop3A_281 = arith.constant 32 : i32
        %parallel_loop3A_282 = arith.muli %parallel_loop3A_261, %parallel_loop3A_281 : i32
        %parallel_loop3A_283 = arith.constant 16 : i32
        %parallel_loop3A_284 = arith.addi %parallel_loop3A_282, %parallel_loop3A_283 : i32
        %parallel_loop3A_285 = arith.index_cast %parallel_loop3A_284 : i32 to index
        %parallel_loop3A_286 = tpu.vector_load %arg6[%parallel_loop3A_285] {strides = array<i32>} : memref<8192xf32, #tpu.memory_space<vmem>>, vector<16xf32>,
        tpu.vector_store %arg6[%parallel_loop3A_285], %parallel_loop3A_276 {strides = array<i32>} : memref<8192xf32, #tpu.memory_space<vmem>>, vector<16xf32>,
        %parallel_loop3A_287 = arith.constant 1 : i32
        %parallel_loop3A_288 = vector.broadcast %parallel_loop3A_287 : i32 to vector<16xi32>
        %parallel_loop3A_289 = arith.addi %parallel_loop3A_262, %parallel_loop3A_288 : vector<16xi32>
        scf.yield %parallel_loop3A_289 : vector<16xi32>
      } {sc.loop_unroll_factor = 16 : i64, sc.parallel_access}
      %add3A_167 = arith.addi %mul3A_2, %add3A_89 : i32
      %mul3A_168 = arith.constant 8192 : i32
      %mul3A_169 = arith.muli %add3A_167, %mul3A_168 : i32
      %dma_start3A_170 = tpu.memref_slice %arg4[%mul3A_169] : memref<32000000xf32, #tpu.memory_space<hbm>> -> memref<8192xf32, #tpu.memory_space<hbm>>
      %dma_start3A_171 = tpu.memref_slice %arg4[%mul3A_169] : memref<32000000xf32, #tpu.memory_space<hbm>> -> memref<8192xf32, #tpu.memory_space<hbm>>
      tpu.enqueue_dma source(%arg6 : memref<8192xf32, #tpu.memory_space<vmem>>) target(%dma_start3A_171 : memref<8192xf32, #tpu.memory_space<hbm>>) target_semaphore(%arg9 : memref<!tpu.dma_semaphore, #tpu.memory_space<semaphore_mem>>)
      %mul3A_172 = arith.constant 2 : i32
      %mul3A_173 = arith.muli %add3A_85, %mul3A_172 : i32
      %add3A_174 = arith.constant 1 : i32
      %add3A_175 = arith.addi %mul3A_173, %add3A_174 : i32
      %dma_wait3A_176 = arith.constant 1 : i32
      %dma_wait3A_177 = arith.constant 0 : i32
      %dma_wait3A_178 = arith.constant 0 : i32
      %dma_wait3A_179 = arith.constant 0 : i32
      %dma_wait3A_180 = tpu.memref_slice %arg5[%dma_wait3A_176, %dma_wait3A_177, %dma_wait3A_178, %dma_wait3A_179] : memref<2x4x8x261xf32, #tpu.memory_space<vmem>> -> memref<1x1x8x256xf32, #tpu.memory_space<vmem>>
      %dma_wait3A_181 = tpu.memref_squeeze %dma_wait3A_180 : memref<1x1x8x256xf32, #tpu.memory_space<vmem>> -> memref<8x256xf32, #tpu.memory_space<vmem>>
      %dma_wait3A_182 = arith.constant 0 : i32
      %dma_wait3A_183 = arith.constant 0 : i32
      %dma_wait3A_184 = tpu.memref_slice %arg2[%dma_wait3A_182, %dma_wait3A_183] : memref<32x1000000xf32, #tpu.memory_space<hbm>> -> memref<8x256xf32, #tpu.memory_space<hbm>>
      %dma_wait3A_185 = arith.constant 0 : i32
      %dma_wait3A_186 = arith.constant 0 : i32
      %dma_wait3A_187 = tpu.memref_slice %arg5[%dma_wait3A_176, %dma_wait3A_177, %dma_wait3A_185, %dma_wait3A_186] : memref<2x4x8x261xf32, #tpu.memory_space<vmem>> -> memref<1x1x8x256xf32, #tpu.memory_space<vmem>>
      %dma_wait3A_188 = tpu.memref_squeeze %dma_wait3A_187 : memref<1x1x8x256xf32, #tpu.memory_space<vmem>> -> memref<8x256xf32, #tpu.memory_space<vmem>>
      %dma_wait3A_189 = arith.constant 0 : i32
      %dma_wait3A_190 = arith.constant 0 : i32
      %dma_wait3A_191 = tpu.memref_slice %arg2[%dma_wait3A_189, %dma_wait3A_190] : memref<32x1000000xf32, #tpu.memory_space<hbm>> -> memref<8x256xf32, #tpu.memory_space<hbm>>
      tpu.wait_dma2 semaphore(%arg8 : memref<!tpu.dma_semaphore, #tpu.memory_space<semaphore_mem>>) src(%dma_wait3A_191 : memref<8x256xf32, #tpu.memory_space<hbm>>) dst(%dma_wait3A_188 : memref<8x256xf32, #tpu.memory_space<vmem>>)
      %dma_wait3A_192 = arith.constant 1 : i32
      %dma_wait3A_193 = arith.constant 1 : i32
      %dma_wait3A_194 = arith.constant 0 : i32
      %dma_wait3A_195 = arith.constant 0 : i32
      %dma_wait3A_196 = tpu.memref_slice %arg5[%dma_wait3A_192, %dma_wait3A_193, %dma_wait3A_194, %dma_wait3A_195] : memref<2x4x8x261xf32, #tpu.memory_space<vmem>> -> memref<1x1x8x256xf32, #tpu.memory_space<vmem>>
      %dma_wait3A_197 = tpu.memref_squeeze %dma_wait3A_196 : memref<1x1x8x256xf32, #tpu.memory_space<vmem>> -> memref<8x256xf32, #tpu.memory_space<vmem>>
      %dma_wait3A_198 = arith.constant 0 : i32
      %dma_wait3A_199 = arith.constant 0 : i32
      %dma_wait3A_200 = tpu.memref_slice %arg2[%dma_wait3A_198, %dma_wait3A_199] : memref<32x1000000xf32, #tpu.memory_space<hbm>> -> memref<8x256xf32, #tpu.memory_space<hbm>>
      %dma_wait3A_201 = arith.constant 0 : i32
      %dma_wait3A_202 = arith.constant 0 : i32
      %dma_wait3A_203 = tpu.memref_slice %arg5[%dma_wait3A_192, %dma_wait3A_193, %dma_wait3A_201, %dma_wait3A_202] : memref<2x4x8x261xf32, #tpu.memory_space<vmem>> -> memref<1x1x8x256xf32, #tpu.memory_space<vmem>>
      %dma_wait3A_204 = tpu.memref_squeeze %dma_wait3A_203 : memref<1x1x8x256xf32, #tpu.memory_space<vmem>> -> memref<8x256xf32, #tpu.memory_space<vmem>>
      %dma_wait3A_205 = arith.constant 0 : i32
      %dma_wait3A_206 = arith.constant 0 : i32
      %dma_wait3A_207 = tpu.memref_slice %arg2[%dma_wait3A_205, %dma_wait3A_206] : memref<32x1000000xf32, #tpu.memory_space<hbm>> -> memref<8x256xf32, #tpu.memory_space<hbm>>
      tpu.wait_dma2 semaphore(%arg8 : memref<!tpu.dma_semaphore, #tpu.memory_space<semaphore_mem>>) src(%dma_wait3A_207 : memref<8x256xf32, #tpu.memory_space<hbm>>) dst(%dma_wait3A_204 : memref<8x256xf32, #tpu.memory_space<vmem>>)
      %dma_wait3A_208 = arith.constant 1 : i32
      %dma_wait3A_209 = arith.constant 2 : i32
      %dma_wait3A_210 = arith.constant 0 : i32
      %dma_wait3A_211 = arith.constant 0 : i32
      %dma_wait3A_212 = tpu.memref_slice %arg5[%dma_wait3A_208, %dma_wait3A_209, %dma_wait3A_210, %dma_wait3A_211] : memref<2x4x8x261xf32, #tpu.memory_space<vmem>> -> memref<1x1x8x256xf32, #tpu.memory_space<vmem>>
      %dma_wait3A_213 = tpu.memref_squeeze %dma_wait3A_212 : memref<1x1x8x256xf32, #tpu.memory_space<vmem>> -> memref<8x256xf32, #tpu.memory_space<vmem>>
      %dma_wait3A_214 = arith.constant 0 : i32
      %dma_wait3A_215 = arith.constant 0 : i32
      %dma_wait3A_216 = tpu.memref_slice %arg2[%dma_wait3A_214, %dma_wait3A_215] : memref<32x1000000xf32, #tpu.memory_space<hbm>> -> memref<8x256xf32, #tpu.memory_space<hbm>>
      %dma_wait3A_217 = arith.constant 0 : i32
      %dma_wait3A_218 = arith.constant 0 : i32
      %dma_wait3A_219 = tpu.memref_slice %arg5[%dma_wait3A_208, %dma_wait3A_209, %dma_wait3A_217, %dma_wait3A_218] : memref<2x4x8x261xf32, #tpu.memory_space<vmem>> -> memref<1x1x8x256xf32, #tpu.memory_space<vmem>>
      %dma_wait3A_220 = tpu.memref_squeeze %dma_wait3A_219 : memref<1x1x8x256xf32, #tpu.memory_space<vmem>> -> memref<8x256xf32, #tpu.memory_space<vmem>>
      %dma_wait3A_221 = arith.constant 0 : i32
      %dma_wait3A_222 = arith.constant 0 : i32
      %dma_wait3A_223 = tpu.memref_slice %arg2[%dma_wait3A_221, %dma_wait3A_222] : memref<32x1000000xf32, #tpu.memory_space<hbm>> -> memref<8x256xf32, #tpu.memory_space<hbm>>
      tpu.wait_dma2 semaphore(%arg8 : memref<!tpu.dma_semaphore, #tpu.memory_space<semaphore_mem>>) src(%dma_wait3A_223 : memref<8x256xf32, #tpu.memory_space<hbm>>) dst(%dma_wait3A_220 : memref<8x256xf32, #tpu.memory_space<vmem>>)
      %dma_wait3A_224 = arith.constant 1 : i32
      %dma_wait3A_225 = arith.constant 3 : i32
      %dma_wait3A_226 = arith.constant 0 : i32
      %dma_wait3A_227 = arith.constant 0 : i32
      %dma_wait3A_228 = tpu.memref_slice %arg5[%dma_wait3A_224, %dma_wait3A_225, %dma_wait3A_226, %dma_wait3A_227] : memref<2x4x8x261xf32, #tpu.memory_space<vmem>> -> memref<1x1x8x256xf32, #tpu.memory_space<vmem>>
      %dma_wait3A_229 = tpu.memref_squeeze %dma_wait3A_228 : memref<1x1x8x256xf32, #tpu.memory_space<vmem>> -> memref<8x256xf32, #tpu.memory_space<vmem>>
      %dma_wait3A_230 = arith.constant 0 : i32
      %dma_wait3A_231 = arith.constant 0 : i32
      %dma_wait3A_232 = tpu.memref_slice %arg2[%dma_wait3A_230, %dma_wait3A_231] : memref<32x1000000xf32, #tpu.memory_space<hbm>> -> memref<8x256xf32, #tpu.memory_space<hbm>>
      %dma_wait3A_233 = arith.constant 0 : i32
      %dma_wait3A_234 = arith.constant 0 : i32
      %dma_wait3A_235 = tpu.memref_slice %arg5[%dma_wait3A_224, %dma_wait3A_225, %dma_wait3A_233, %dma_wait3A_234] : memref<2x4x8x261xf32, #tpu.memory_space<vmem>> -> memref<1x1x8x256xf32, #tpu.memory_space<vmem>>
      %dma_wait3A_236 = tpu.memref_squeeze %dma_wait3A_235 : memref<1x1x8x256xf32, #tpu.memory_space<vmem>> -> memref<8x256xf32, #tpu.memory_space<vmem>>
      %dma_wait3A_237 = arith.constant 0 : i32
      %dma_wait3A_238 = arith.constant 0 : i32
      %dma_wait3A_239 = tpu.memref_slice %arg2[%dma_wait3A_237, %dma_wait3A_238] : memref<32x1000000xf32, #tpu.memory_space<hbm>> -> memref<8x256xf32, #tpu.memory_space<hbm>>
      tpu.wait_dma2 semaphore(%arg8 : memref<!tpu.dma_semaphore, #tpu.memory_space<semaphore_mem>>) src(%dma_wait3A_239 : memref<8x256xf32, #tpu.memory_space<hbm>>) dst(%dma_wait3A_236 : memref<8x256xf32, #tpu.memory_space<vmem>>)
      %lt3A_240 = arith.constant 121 : i32
      %lt3A_241 = arith.cmpi slt, %add3A_175, %lt3A_240 : i32
      %convert_element_type3A_242 = arith.extui %lt3A_241 : i1 to i32
      %cond3A_243 = arith.constant 0 : i32
      %cond3A_244 = arith.cmpi ne, %convert_element_type3A_242, %cond3A_243 : i32
      scf.if %cond3A_244 {
        %add3A_261 = arith.addi %mul3A_2, %add3A_175 : i32
        %add3A_262 = arith.constant 1 : i32
        %add3A_263 = arith.addi %add3A_261, %add3A_262 : i32
        %mul3A_264 = arith.constant 256 : i32
        %mul3A_265 = arith.muli %add3A_263, %mul3A_264 : i32
        %multiple_of3A_266 = tpu.assume_multiple %mul3A_265, 128 : i32
        %dma_start3A_267 = arith.constant 0 : i32
        %dma_start3A_268 = arith.constant 0 : i32
        %dma_start3A_269 = arith.constant 0 : i32
        %dma_start3A_270 = arith.constant 0 : i32
        %dma_start3A_271 = tpu.memref_slice %arg5[%dma_start3A_267, %dma_start3A_268, %dma_start3A_269, %dma_start3A_270] : memref<2x4x8x261xf32, #tpu.memory_space<vmem>> -> memref<1x1x8x256xf32, #tpu.memory_space<vmem>>
        %dma_start3A_272 = tpu.memref_squeeze %dma_start3A_271 : memref<1x1x8x256xf32, #tpu.memory_space<vmem>> -> memref<8x256xf32, #tpu.memory_space<vmem>>
        %dma_start3A_273 = arith.constant 0 : i32
        %dma_start3A_274 = tpu.memref_slice %arg2[%dma_start3A_273, %multiple_of3A_266] : memref<32x1000000xf32, #tpu.memory_space<hbm>> -> memref<8x256xf32, #tpu.memory_space<hbm>>
        %dma_start3A_275 = arith.constant 0 : i32
        %dma_start3A_276 = arith.constant 0 : i32
        %dma_start3A_277 = tpu.memref_slice %arg5[%dma_start3A_267, %dma_start3A_268, %dma_start3A_275, %dma_start3A_276] : memref<2x4x8x261xf32, #tpu.memory_space<vmem>> -> memref<1x1x8x256xf32, #tpu.memory_space<vmem>>
        %dma_start3A_278 = tpu.memref_squeeze %dma_start3A_277 : memref<1x1x8x256xf32, #tpu.memory_space<vmem>> -> memref<8x256xf32, #tpu.memory_space<vmem>>
        %dma_start3A_279 = arith.constant 0 : i32
        %dma_start3A_280 = tpu.memref_slice %arg2[%dma_start3A_279, %multiple_of3A_266] : memref<32x1000000xf32, #tpu.memory_space<hbm>> -> memref<8x256xf32, #tpu.memory_space<hbm>>
        tpu.enqueue_dma source(%dma_start3A_280 : memref<8x256xf32, #tpu.memory_space<hbm>>) target(%dma_start3A_278 : memref<8x256xf32, #tpu.memory_space<vmem>>) target_semaphore(%arg8 : memref<!tpu.dma_semaphore, #tpu.memory_space<semaphore_mem>>)
        %dma_start3A_281 = arith.constant 0 : i32
        %dma_start3A_282 = arith.constant 1 : i32
        %dma_start3A_283 = arith.constant 0 : i32
        %dma_start3A_284 = arith.constant 0 : i32
        %dma_start3A_285 = tpu.memref_slice %arg5[%dma_start3A_281, %dma_start3A_282, %dma_start3A_283, %dma_start3A_284] : memref<2x4x8x261xf32, #tpu.memory_space<vmem>> -> memref<1x1x8x256xf32, #tpu.memory_space<vmem>>
        %dma_start3A_286 = tpu.memref_squeeze %dma_start3A_285 : memref<1x1x8x256xf32, #tpu.memory_space<vmem>> -> memref<8x256xf32, #tpu.memory_space<vmem>>
        %dma_start3A_287 = arith.constant 8 : i32
        %dma_start3A_288 = tpu.memref_slice %arg2[%dma_start3A_287, %multiple_of3A_266] : memref<32x1000000xf32, #tpu.memory_space<hbm>> -> memref<8x256xf32, #tpu.memory_space<hbm>>
        %dma_start3A_289 = arith.constant 0 : i32
        %dma_start3A_290 = arith.constant 0 : i32
        %dma_start3A_291 = tpu.memref_slice %arg5[%dma_start3A_281, %dma_start3A_282, %dma_start3A_289, %dma_start3A_290] : memref<2x4x8x261xf32, #tpu.memory_space<vmem>> -> memref<1x1x8x256xf32, #tpu.memory_space<vmem>>
        %dma_start3A_292 = tpu.memref_squeeze %dma_start3A_291 : memref<1x1x8x256xf32, #tpu.memory_space<vmem>> -> memref<8x256xf32, #tpu.memory_space<vmem>>
        %dma_start3A_293 = arith.constant 8 : i32
        %dma_start3A_294 = tpu.memref_slice %arg2[%dma_start3A_293, %multiple_of3A_266] : memref<32x1000000xf32, #tpu.memory_space<hbm>> -> memref<8x256xf32, #tpu.memory_space<hbm>>
        tpu.enqueue_dma source(%dma_start3A_294 : memref<8x256xf32, #tpu.memory_space<hbm>>) target(%dma_start3A_292 : memref<8x256xf32, #tpu.memory_space<vmem>>) target_semaphore(%arg8 : memref<!tpu.dma_semaphore, #tpu.memory_space<semaphore_mem>>)
        %dma_start3A_295 = arith.constant 0 : i32
        %dma_start3A_296 = arith.constant 2 : i32
        %dma_start3A_297 = arith.constant 0 : i32
        %dma_start3A_298 = arith.constant 0 : i32
        %dma_start3A_299 = tpu.memref_slice %arg5[%dma_start3A_295, %dma_start3A_296, %dma_start3A_297, %dma_start3A_298] : memref<2x4x8x261xf32, #tpu.memory_space<vmem>> -> memref<1x1x8x256xf32, #tpu.memory_space<vmem>>
        %dma_start3A_300 = tpu.memref_squeeze %dma_start3A_299 : memref<1x1x8x256xf32, #tpu.memory_space<vmem>> -> memref<8x256xf32, #tpu.memory_space<vmem>>
        %dma_start3A_301 = arith.constant 16 : i32
        %dma_start3A_302 = tpu.memref_slice %arg2[%dma_start3A_301, %multiple_of3A_266] : memref<32x1000000xf32, #tpu.memory_space<hbm>> -> memref<8x256xf32, #tpu.memory_space<hbm>>
        %dma_start3A_303 = arith.constant 0 : i32
        %dma_start3A_304 = arith.constant 0 : i32
        %dma_start3A_305 = tpu.memref_slice %arg5[%dma_start3A_295, %dma_start3A_296, %dma_start3A_303, %dma_start3A_304] : memref<2x4x8x261xf32, #tpu.memory_space<vmem>> -> memref<1x1x8x256xf32, #tpu.memory_space<vmem>>
        %dma_start3A_306 = tpu.memref_squeeze %dma_start3A_305 : memref<1x1x8x256xf32, #tpu.memory_space<vmem>> -> memref<8x256xf32, #tpu.memory_space<vmem>>
        %dma_start3A_307 = arith.constant 16 : i32
        %dma_start3A_308 = tpu.memref_slice %arg2[%dma_start3A_307, %multiple_of3A_266] : memref<32x1000000xf32, #tpu.memory_space<hbm>> -> memref<8x256xf32, #tpu.memory_space<hbm>>
        tpu.enqueue_dma source(%dma_start3A_308 : memref<8x256xf32, #tpu.memory_space<hbm>>) target(%dma_start3A_306 : memref<8x256xf32, #tpu.memory_space<vmem>>) target_semaphore(%arg8 : memref<!tpu.dma_semaphore, #tpu.memory_space<semaphore_mem>>)
        %dma_start3A_309 = arith.constant 0 : i32
        %dma_start3A_310 = arith.constant 3 : i32
        %dma_start3A_311 = arith.constant 0 : i32
        %dma_start3A_312 = arith.constant 0 : i32
        %dma_start3A_313 = tpu.memref_slice %arg5[%dma_start3A_309, %dma_start3A_310, %dma_start3A_311, %dma_start3A_312] : memref<2x4x8x261xf32, #tpu.memory_space<vmem>> -> memref<1x1x8x256xf32, #tpu.memory_space<vmem>>
        %dma_start3A_314 = tpu.memref_squeeze %dma_start3A_313 : memref<1x1x8x256xf32, #tpu.memory_space<vmem>> -> memref<8x256xf32, #tpu.memory_space<vmem>>
        %dma_start3A_315 = arith.constant 24 : i32
        %dma_start3A_316 = tpu.memref_slice %arg2[%dma_start3A_315, %multiple_of3A_266] : memref<32x1000000xf32, #tpu.memory_space<hbm>> -> memref<8x256xf32, #tpu.memory_space<hbm>>
        %dma_start3A_317 = arith.constant 0 : i32
        %dma_start3A_318 = arith.constant 0 : i32
        %dma_start3A_319 = tpu.memref_slice %arg5[%dma_start3A_309, %dma_start3A_310, %dma_start3A_317, %dma_start3A_318] : memref<2x4x8x261xf32, #tpu.memory_space<vmem>> -> memref<1x1x8x256xf32, #tpu.memory_space<vmem>>
        %dma_start3A_320 = tpu.memref_squeeze %dma_start3A_319 : memref<1x1x8x256xf32, #tpu.memory_space<vmem>> -> memref<8x256xf32, #tpu.memory_space<vmem>>
        %dma_start3A_321 = arith.constant 24 : i32
        %dma_start3A_322 = tpu.memref_slice %arg2[%dma_start3A_321, %multiple_of3A_266] : memref<32x1000000xf32, #tpu.memory_space<hbm>> -> memref<8x256xf32, #tpu.memory_space<hbm>>
        tpu.enqueue_dma source(%dma_start3A_322 : memref<8x256xf32, #tpu.memory_space<hbm>>) target(%dma_start3A_320 : memref<8x256xf32, #tpu.memory_space<vmem>>) target_semaphore(%arg8 : memref<!tpu.dma_semaphore, #tpu.memory_space<semaphore_mem>>)
      } else {
      }
      %gt3A_245 = arith.constant 0 : i32
      %gt3A_246 = arith.cmpi sgt, %add3A_175, %gt3A_245 : i32
      %convert_element_type3A_247 = arith.extui %gt3A_246 : i1 to i32
      %cond3A_248 = arith.constant 0 : i32
      %cond3A_249 = arith.cmpi ne, %convert_element_type3A_247, %cond3A_248 : i32
      scf.if %cond3A_249 {
        %dma_wait3A_261 = arith.constant 0 : i32
        %dma_wait3A_262 = tpu.memref_slice %arg4[%dma_wait3A_261] : memref<32000000xf32, #tpu.memory_space<hbm>> -> memref<8192xf32, #tpu.memory_space<hbm>>
        %dma_wait3A_263 = arith.constant 0 : i32
        %dma_wait3A_264 = tpu.memref_slice %arg4[%dma_wait3A_263] : memref<32000000xf32, #tpu.memory_space<hbm>> -> memref<8192xf32, #tpu.memory_space<hbm>>
        tpu.wait_dma2 semaphore(%arg9 : memref<!tpu.dma_semaphore, #tpu.memory_space<semaphore_mem>>) src(%arg6 : memref<8192xf32, #tpu.memory_space<vmem>>) dst(%dma_wait3A_264 : memref<8192xf32, #tpu.memory_space<hbm>>)
      } else {
      }
      %broadcast_in_dim3A_250 = arith.constant 0 : i32
      %broadcast_in_dim3A_251 = vector.broadcast %broadcast_in_dim3A_250 : i32 to vector<16xi32>
      %parallel_loop3A_252 = arith.constant 0 : i32
      %parallel_loop3A_253 = arith.constant 256 : i32
      %parallel_loop3A_254 = arith.constant 1 : i32
      %parallel_loop3A_255 = scf.for %parallel_loop3A_261 = %parallel_loop3A_252 to %parallel_loop3A_253 step %parallel_loop3A_254 iter_args(%parallel_loop3A_262 = %broadcast_in_dim3A_251) -> (vector<16xi32>)  : i32 {
        %parallel_loop3A_263 = arith.constant 1 : i32
        %parallel_loop3A_264 = arith.constant 0 : i32
        %parallel_loop3A_265 = arith.constant 0 : i32
        %parallel_loop3A_266 = arith.constant 0 : i32
        %parallel_loop3A_267 = tpu.memref_slice %arg5[%parallel_loop3A_263, %parallel_loop3A_264, %parallel_loop3A_265, %parallel_loop3A_266] : memref<2x4x8x261xf32, #tpu.memory_space<vmem>> -> memref<1x4x8x261xf32, #tpu.memory_space<vmem>>
        %parallel_loop3A_268 = tpu.memref_squeeze %parallel_loop3A_267 : memref<1x4x8x261xf32, #tpu.memory_space<vmem>> -> memref<4x8x261xf32, #tpu.memory_space<vmem>>
        %parallel_loop3A_269 = tpu.vector_load_idx %parallel_loop3A_268[%shift_right_arithmetic3A_7, %and3A_4, %parallel_loop3A_262] : memref<4x8x261xf32, #tpu.memory_space<vmem>>[vector<16xi32>, vector<16xi32>, vector<16xi32>], vector<16xf32>,
        %parallel_loop3A_270 = arith.constant 1 : i32
        %parallel_loop3A_271 = arith.constant 0 : i32
        %parallel_loop3A_272 = arith.constant 0 : i32
        %parallel_loop3A_273 = arith.constant 0 : i32
        %parallel_loop3A_274 = tpu.memref_slice %arg5[%parallel_loop3A_270, %parallel_loop3A_271, %parallel_loop3A_272, %parallel_loop3A_273] : memref<2x4x8x261xf32, #tpu.memory_space<vmem>> -> memref<1x4x8x261xf32, #tpu.memory_space<vmem>>
        %parallel_loop3A_275 = tpu.memref_squeeze %parallel_loop3A_274 : memref<1x4x8x261xf32, #tpu.memory_space<vmem>> -> memref<4x8x261xf32, #tpu.memory_space<vmem>>
        %parallel_loop3A_276 = tpu.vector_load_idx %parallel_loop3A_275[%add3A_10, %and3A_4, %parallel_loop3A_262] : memref<4x8x261xf32, #tpu.memory_space<vmem>>[vector<16xi32>, vector<16xi32>, vector<16xi32>], vector<16xf32>,
        %parallel_loop3A_277 = arith.constant 32 : i32
        %parallel_loop3A_278 = arith.muli %parallel_loop3A_261, %parallel_loop3A_277 : i32
        %parallel_loop3A_279 = arith.index_cast %parallel_loop3A_278 : i32 to index
        %parallel_loop3A_280 = tpu.vector_load %arg6[%parallel_loop3A_279] {strides = array<i32>} : memref<8192xf32, #tpu.memory_space<vmem>>, vector<16xf32>,
        tpu.vector_store %arg6[%parallel_loop3A_279], %parallel_loop3A_269 {strides = array<i32>} : memref<8192xf32, #tpu.memory_space<vmem>>, vector<16xf32>,
        %parallel_loop3A_281 = arith.constant 32 : i32
        %parallel_loop3A_282 = arith.muli %parallel_loop3A_261, %parallel_loop3A_281 : i32
        %parallel_loop3A_283 = arith.constant 16 : i32
        %parallel_loop3A_284 = arith.addi %parallel_loop3A_282, %parallel_loop3A_283 : i32
        %parallel_loop3A_285 = arith.index_cast %parallel_loop3A_284 : i32 to index
        %parallel_loop3A_286 = tpu.vector_load %arg6[%parallel_loop3A_285] {strides = array<i32>} : memref<8192xf32, #tpu.memory_space<vmem>>, vector<16xf32>,
        tpu.vector_store %arg6[%parallel_loop3A_285], %parallel_loop3A_276 {strides = array<i32>} : memref<8192xf32, #tpu.memory_space<vmem>>, vector<16xf32>,
        %parallel_loop3A_287 = arith.constant 1 : i32
        %parallel_loop3A_288 = vector.broadcast %parallel_loop3A_287 : i32 to vector<16xi32>
        %parallel_loop3A_289 = arith.addi %parallel_loop3A_262, %parallel_loop3A_288 : vector<16xi32>
        scf.yield %parallel_loop3A_289 : vector<16xi32>
      } {sc.loop_unroll_factor = 16 : i64, sc.parallel_access}
      %add3A_256 = arith.addi %mul3A_2, %add3A_175 : i32
      %mul3A_257 = arith.constant 8192 : i32
      %mul3A_258 = arith.muli %add3A_256, %mul3A_257 : i32
      %dma_start3A_259 = tpu.memref_slice %arg4[%mul3A_258] : memref<32000000xf32, #tpu.memory_space<hbm>> -> memref<8192xf32, #tpu.memory_space<hbm>>
      %dma_start3A_260 = tpu.memref_slice %arg4[%mul3A_258] : memref<32000000xf32, #tpu.memory_space<hbm>> -> memref<8192xf32, #tpu.memory_space<hbm>>
      tpu.enqueue_dma source(%arg6 : memref<8192xf32, #tpu.memory_space<vmem>>) target(%dma_start3A_260 : memref<8192xf32, #tpu.memory_space<hbm>>) target_semaphore(%arg9 : memref<!tpu.dma_semaphore, #tpu.memory_space<semaphore_mem>>)
    }
    %scan3A_71 = arith.constant 61 : i32
    %dma_wait3A = arith.constant 0 : i32
    %dma_wait3A_72 = tpu.memref_slice %arg4[%dma_wait3A] : memref<32000000xf32, #tpu.memory_space<hbm>> -> memref<8192xf32, #tpu.memory_space<hbm>>
    %dma_wait3A_73 = arith.constant 0 : i32
    %dma_wait3A_74 = tpu.memref_slice %arg4[%dma_wait3A_73] : memref<32000000xf32, #tpu.memory_space<hbm>> -> memref<8192xf32, #tpu.memory_space<hbm>>
    tpu.wait_dma2 semaphore(%arg9 : memref<!tpu.dma_semaphore, #tpu.memory_space<semaphore_mem>>) src(%arg6 : memref<8192xf32, #tpu.memory_space<vmem>>) dst(%dma_wait3A_74 : memref<8192xf32, #tpu.memory_space<hbm>>)
    %lt3A = arith.constant 2 : i32
    %lt3A_75 = arith.cmpi slt, %add3A, %lt3A : i32
    %convert_element_type3A = arith.extui %lt3A_75 : i1 to i32
    %cond3A = arith.constant 0 : i32
    %cond3A_76 = arith.cmpi ne, %convert_element_type3A, %cond3A : i32
    scf.if %cond3A_76 {
      %add3A_81 = arith.constant 3904 : i32
      %add3A_82 = arith.addi %add3A_81, %add3A : i32
      %mul3A_83 = arith.constant 256 : i32
      %mul3A_84 = arith.muli %add3A_82, %mul3A_83 : i32
      %multiple_of3A_85 = tpu.assume_multiple %mul3A_84, 128 : i32
      %dma_start3A_86 = arith.constant 0 : i32
      %dma_start3A_87 = arith.constant 0 : i32
      %dma_start3A_88 = arith.constant 0 : i32
      %dma_start3A_89 = arith.constant 0 : i32
      %dma_start3A_90 = tpu.memref_slice %arg5[%dma_start3A_86, %dma_start3A_87, %dma_start3A_88, %dma_start3A_89] : memref<2x4x8x261xf32, #tpu.memory_space<vmem>> -> memref<1x1x8x256xf32, #tpu.memory_space<vmem>>
      %dma_start3A_91 = tpu.memref_squeeze %dma_start3A_90 : memref<1x1x8x256xf32, #tpu.memory_space<vmem>> -> memref<8x256xf32, #tpu.memory_space<vmem>>
      %dma_start3A_92 = arith.constant 0 : i32
      %dma_start3A_93 = tpu.memref_slice %arg2[%dma_start3A_92, %multiple_of3A_85] : memref<32x1000000xf32, #tpu.memory_space<hbm>> -> memref<8x256xf32, #tpu.memory_space<hbm>>
      %dma_start3A_94 = arith.constant 0 : i32
      %dma_start3A_95 = arith.constant 0 : i32
      %dma_start3A_96 = tpu.memref_slice %arg5[%dma_start3A_86, %dma_start3A_87, %dma_start3A_94, %dma_start3A_95] : memref<2x4x8x261xf32, #tpu.memory_space<vmem>> -> memref<1x1x8x256xf32, #tpu.memory_space<vmem>>
      %dma_start3A_97 = tpu.memref_squeeze %dma_start3A_96 : memref<1x1x8x256xf32, #tpu.memory_space<vmem>> -> memref<8x256xf32, #tpu.memory_space<vmem>>
      %dma_start3A_98 = arith.constant 0 : i32
      %dma_start3A_99 = tpu.memref_slice %arg2[%dma_start3A_98, %multiple_of3A_85] : memref<32x1000000xf32, #tpu.memory_space<hbm>> -> memref<8x256xf32, #tpu.memory_space<hbm>>
      tpu.enqueue_dma source(%dma_start3A_99 : memref<8x256xf32, #tpu.memory_space<hbm>>) target(%dma_start3A_97 : memref<8x256xf32, #tpu.memory_space<vmem>>) target_semaphore(%arg8 : memref<!tpu.dma_semaphore, #tpu.memory_space<semaphore_mem>>)
      %dma_start3A_100 = arith.constant 0 : i32
      %dma_start3A_101 = arith.constant 1 : i32
      %dma_start3A_102 = arith.constant 0 : i32
      %dma_start3A_103 = arith.constant 0 : i32
      %dma_start3A_104 = tpu.memref_slice %arg5[%dma_start3A_100, %dma_start3A_101, %dma_start3A_102, %dma_start3A_103] : memref<2x4x8x261xf32, #tpu.memory_space<vmem>> -> memref<1x1x8x256xf32, #tpu.memory_space<vmem>>
      %dma_start3A_105 = tpu.memref_squeeze %dma_start3A_104 : memref<1x1x8x256xf32, #tpu.memory_space<vmem>> -> memref<8x256xf32, #tpu.memory_space<vmem>>
      %dma_start3A_106 = arith.constant 8 : i32
      %dma_start3A_107 = tpu.memref_slice %arg2[%dma_start3A_106, %multiple_of3A_85] : memref<32x1000000xf32, #tpu.memory_space<hbm>> -> memref<8x256xf32, #tpu.memory_space<hbm>>
      %dma_start3A_108 = arith.constant 0 : i32
      %dma_start3A_109 = arith.constant 0 : i32
      %dma_start3A_110 = tpu.memref_slice %arg5[%dma_start3A_100, %dma_start3A_101, %dma_start3A_108, %dma_start3A_109] : memref<2x4x8x261xf32, #tpu.memory_space<vmem>> -> memref<1x1x8x256xf32, #tpu.memory_space<vmem>>
      %dma_start3A_111 = tpu.memref_squeeze %dma_start3A_110 : memref<1x1x8x256xf32, #tpu.memory_space<vmem>> -> memref<8x256xf32, #tpu.memory_space<vmem>>
      %dma_start3A_112 = arith.constant 8 : i32
      %dma_start3A_113 = tpu.memref_slice %arg2[%dma_start3A_112, %multiple_of3A_85] : memref<32x1000000xf32, #tpu.memory_space<hbm>> -> memref<8x256xf32, #tpu.memory_space<hbm>>
      tpu.enqueue_dma source(%dma_start3A_113 : memref<8x256xf32, #tpu.memory_space<hbm>>) target(%dma_start3A_111 : memref<8x256xf32, #tpu.memory_space<vmem>>) target_semaphore(%arg8 : memref<!tpu.dma_semaphore, #tpu.memory_space<semaphore_mem>>)
      %dma_start3A_114 = arith.constant 0 : i32
      %dma_start3A_115 = arith.constant 2 : i32
      %dma_start3A_116 = arith.constant 0 : i32
      %dma_start3A_117 = arith.constant 0 : i32
      %dma_start3A_118 = tpu.memref_slice %arg5[%dma_start3A_114, %dma_start3A_115, %dma_start3A_116, %dma_start3A_117] : memref<2x4x8x261xf32, #tpu.memory_space<vmem>> -> memref<1x1x8x256xf32, #tpu.memory_space<vmem>>
      %dma_start3A_119 = tpu.memref_squeeze %dma_start3A_118 : memref<1x1x8x256xf32, #tpu.memory_space<vmem>> -> memref<8x256xf32, #tpu.memory_space<vmem>>
      %dma_start3A_120 = arith.constant 16 : i32
      %dma_start3A_121 = tpu.memref_slice %arg2[%dma_start3A_120, %multiple_of3A_85] : memref<32x1000000xf32, #tpu.memory_space<hbm>> -> memref<8x256xf32, #tpu.memory_space<hbm>>
      %dma_start3A_122 = arith.constant 0 : i32
      %dma_start3A_123 = arith.constant 0 : i32
      %dma_start3A_124 = tpu.memref_slice %arg5[%dma_start3A_114, %dma_start3A_115, %dma_start3A_122, %dma_start3A_123] : memref<2x4x8x261xf32, #tpu.memory_space<vmem>> -> memref<1x1x8x256xf32, #tpu.memory_space<vmem>>
      %dma_start3A_125 = tpu.memref_squeeze %dma_start3A_124 : memref<1x1x8x256xf32, #tpu.memory_space<vmem>> -> memref<8x256xf32, #tpu.memory_space<vmem>>
      %dma_start3A_126 = arith.constant 16 : i32
      %dma_start3A_127 = tpu.memref_slice %arg2[%dma_start3A_126, %multiple_of3A_85] : memref<32x1000000xf32, #tpu.memory_space<hbm>> -> memref<8x256xf32, #tpu.memory_space<hbm>>
      tpu.enqueue_dma source(%dma_start3A_127 : memref<8x256xf32, #tpu.memory_space<hbm>>) target(%dma_start3A_125 : memref<8x256xf32, #tpu.memory_space<vmem>>) target_semaphore(%arg8 : memref<!tpu.dma_semaphore, #tpu.memory_space<semaphore_mem>>)
      %dma_start3A_128 = arith.constant 0 : i32
      %dma_start3A_129 = arith.constant 3 : i32
      %dma_start3A_130 = arith.constant 0 : i32
      %dma_start3A_131 = arith.constant 0 : i32
      %dma_start3A_132 = tpu.memref_slice %arg5[%dma_start3A_128, %dma_start3A_129, %dma_start3A_130, %dma_start3A_131] : memref<2x4x8x261xf32, #tpu.memory_space<vmem>> -> memref<1x1x8x256xf32, #tpu.memory_space<vmem>>
      %dma_start3A_133 = tpu.memref_squeeze %dma_start3A_132 : memref<1x1x8x256xf32, #tpu.memory_space<vmem>> -> memref<8x256xf32, #tpu.memory_space<vmem>>
      %dma_start3A_134 = arith.constant 24 : i32
      %dma_start3A_135 = tpu.memref_slice %arg2[%dma_start3A_134, %multiple_of3A_85] : memref<32x1000000xf32, #tpu.memory_space<hbm>> -> memref<8x256xf32, #tpu.memory_space<hbm>>
      %dma_start3A_136 = arith.constant 0 : i32
      %dma_start3A_137 = arith.constant 0 : i32
      %dma_start3A_138 = tpu.memref_slice %arg5[%dma_start3A_128, %dma_start3A_129, %dma_start3A_136, %dma_start3A_137] : memref<2x4x8x261xf32, #tpu.memory_space<vmem>> -> memref<1x1x8x256xf32, #tpu.memory_space<vmem>>
      %dma_start3A_139 = tpu.memref_squeeze %dma_start3A_138 : memref<1x1x8x256xf32, #tpu.memory_space<vmem>> -> memref<8x256xf32, #tpu.memory_space<vmem>>
      %dma_start3A_140 = arith.constant 24 : i32
      %dma_start3A_141 = tpu.memref_slice %arg2[%dma_start3A_140, %multiple_of3A_85] : memref<32x1000000xf32, #tpu.memory_space<hbm>> -> memref<8x256xf32, #tpu.memory_space<hbm>>
      tpu.enqueue_dma source(%dma_start3A_141 : memref<8x256xf32, #tpu.memory_space<hbm>>) target(%dma_start3A_139 : memref<8x256xf32, #tpu.memory_space<vmem>>) target_semaphore(%arg8 : memref<!tpu.dma_semaphore, #tpu.memory_space<semaphore_mem>>)
      %dma_wait3A_142 = arith.constant 0 : i32
      %dma_wait3A_143 = arith.constant 0 : i32
      %dma_wait3A_144 = arith.constant 0 : i32
      %dma_wait3A_145 = arith.constant 0 : i32
      %dma_wait3A_146 = tpu.memref_slice %arg5[%dma_wait3A_142, %dma_wait3A_143, %dma_wait3A_144, %dma_wait3A_145] : memref<2x4x8x261xf32, #tpu.memory_space<vmem>> -> memref<1x1x8x256xf32, #tpu.memory_space<vmem>>
      %dma_wait3A_147 = tpu.memref_squeeze %dma_wait3A_146 : memref<1x1x8x256xf32, #tpu.memory_space<vmem>> -> memref<8x256xf32, #tpu.memory_space<vmem>>
      %dma_wait3A_148 = arith.constant 0 : i32
      %dma_wait3A_149 = arith.constant 0 : i32
      %dma_wait3A_150 = tpu.memref_slice %arg2[%dma_wait3A_148, %dma_wait3A_149] : memref<32x1000000xf32, #tpu.memory_space<hbm>> -> memref<8x256xf32, #tpu.memory_space<hbm>>
      %dma_wait3A_151 = arith.constant 0 : i32
      %dma_wait3A_152 = arith.constant 0 : i32
      %dma_wait3A_153 = tpu.memref_slice %arg5[%dma_wait3A_142, %dma_wait3A_143, %dma_wait3A_151, %dma_wait3A_152] : memref<2x4x8x261xf32, #tpu.memory_space<vmem>> -> memref<1x1x8x256xf32, #tpu.memory_space<vmem>>
      %dma_wait3A_154 = tpu.memref_squeeze %dma_wait3A_153 : memref<1x1x8x256xf32, #tpu.memory_space<vmem>> -> memref<8x256xf32, #tpu.memory_space<vmem>>
      %dma_wait3A_155 = arith.constant 0 : i32
      %dma_wait3A_156 = arith.constant 0 : i32
      %dma_wait3A_157 = tpu.memref_slice %arg2[%dma_wait3A_155, %dma_wait3A_156] : memref<32x1000000xf32, #tpu.memory_space<hbm>> -> memref<8x256xf32, #tpu.memory_space<hbm>>
      tpu.wait_dma2 semaphore(%arg8 : memref<!tpu.dma_semaphore, #tpu.memory_space<semaphore_mem>>) src(%dma_wait3A_157 : memref<8x256xf32, #tpu.memory_space<hbm>>) dst(%dma_wait3A_154 : memref<8x256xf32, #tpu.memory_space<vmem>>)
      %dma_wait3A_158 = arith.constant 0 : i32
      %dma_wait3A_159 = arith.constant 1 : i32
      %dma_wait3A_160 = arith.constant 0 : i32
      %dma_wait3A_161 = arith.constant 0 : i32
      %dma_wait3A_162 = tpu.memref_slice %arg5[%dma_wait3A_158, %dma_wait3A_159, %dma_wait3A_160, %dma_wait3A_161] : memref<2x4x8x261xf32, #tpu.memory_space<vmem>> -> memref<1x1x8x256xf32, #tpu.memory_space<vmem>>
      %dma_wait3A_163 = tpu.memref_squeeze %dma_wait3A_162 : memref<1x1x8x256xf32, #tpu.memory_space<vmem>> -> memref<8x256xf32, #tpu.memory_space<vmem>>
      %dma_wait3A_164 = arith.constant 0 : i32
      %dma_wait3A_165 = arith.constant 0 : i32
      %dma_wait3A_166 = tpu.memref_slice %arg2[%dma_wait3A_164, %dma_wait3A_165] : memref<32x1000000xf32, #tpu.memory_space<hbm>> -> memref<8x256xf32, #tpu.memory_space<hbm>>
      %dma_wait3A_167 = arith.constant 0 : i32
      %dma_wait3A_168 = arith.constant 0 : i32
      %dma_wait3A_169 = tpu.memref_slice %arg5[%dma_wait3A_158, %dma_wait3A_159, %dma_wait3A_167, %dma_wait3A_168] : memref<2x4x8x261xf32, #tpu.memory_space<vmem>> -> memref<1x1x8x256xf32, #tpu.memory_space<vmem>>
      %dma_wait3A_170 = tpu.memref_squeeze %dma_wait3A_169 : memref<1x1x8x256xf32, #tpu.memory_space<vmem>> -> memref<8x256xf32, #tpu.memory_space<vmem>>
      %dma_wait3A_171 = arith.constant 0 : i32
      %dma_wait3A_172 = arith.constant 0 : i32
      %dma_wait3A_173 = tpu.memref_slice %arg2[%dma_wait3A_171, %dma_wait3A_172] : memref<32x1000000xf32, #tpu.memory_space<hbm>> -> memref<8x256xf32, #tpu.memory_space<hbm>>
      tpu.wait_dma2 semaphore(%arg8 : memref<!tpu.dma_semaphore, #tpu.memory_space<semaphore_mem>>) src(%dma_wait3A_173 : memref<8x256xf32, #tpu.memory_space<hbm>>) dst(%dma_wait3A_170 : memref<8x256xf32, #tpu.memory_space<vmem>>)
      %dma_wait3A_174 = arith.constant 0 : i32
      %dma_wait3A_175 = arith.constant 2 : i32
      %dma_wait3A_176 = arith.constant 0 : i32
      %dma_wait3A_177 = arith.constant 0 : i32
      %dma_wait3A_178 = tpu.memref_slice %arg5[%dma_wait3A_174, %dma_wait3A_175, %dma_wait3A_176, %dma_wait3A_177] : memref<2x4x8x261xf32, #tpu.memory_space<vmem>> -> memref<1x1x8x256xf32, #tpu.memory_space<vmem>>
      %dma_wait3A_179 = tpu.memref_squeeze %dma_wait3A_178 : memref<1x1x8x256xf32, #tpu.memory_space<vmem>> -> memref<8x256xf32, #tpu.memory_space<vmem>>
      %dma_wait3A_180 = arith.constant 0 : i32
      %dma_wait3A_181 = arith.constant 0 : i32
      %dma_wait3A_182 = tpu.memref_slice %arg2[%dma_wait3A_180, %dma_wait3A_181] : memref<32x1000000xf32, #tpu.memory_space<hbm>> -> memref<8x256xf32, #tpu.memory_space<hbm>>
      %dma_wait3A_183 = arith.constant 0 : i32
      %dma_wait3A_184 = arith.constant 0 : i32
      %dma_wait3A_185 = tpu.memref_slice %arg5[%dma_wait3A_174, %dma_wait3A_175, %dma_wait3A_183, %dma_wait3A_184] : memref<2x4x8x261xf32, #tpu.memory_space<vmem>> -> memref<1x1x8x256xf32, #tpu.memory_space<vmem>>
      %dma_wait3A_186 = tpu.memref_squeeze %dma_wait3A_185 : memref<1x1x8x256xf32, #tpu.memory_space<vmem>> -> memref<8x256xf32, #tpu.memory_space<vmem>>
      %dma_wait3A_187 = arith.constant 0 : i32
      %dma_wait3A_188 = arith.constant 0 : i32
      %dma_wait3A_189 = tpu.memref_slice %arg2[%dma_wait3A_187, %dma_wait3A_188] : memref<32x1000000xf32, #tpu.memory_space<hbm>> -> memref<8x256xf32, #tpu.memory_space<hbm>>
      tpu.wait_dma2 semaphore(%arg8 : memref<!tpu.dma_semaphore, #tpu.memory_space<semaphore_mem>>) src(%dma_wait3A_189 : memref<8x256xf32, #tpu.memory_space<hbm>>) dst(%dma_wait3A_186 : memref<8x256xf32, #tpu.memory_space<vmem>>)
      %dma_wait3A_190 = arith.constant 0 : i32
      %dma_wait3A_191 = arith.constant 3 : i32
      %dma_wait3A_192 = arith.constant 0 : i32
      %dma_wait3A_193 = arith.constant 0 : i32
      %dma_wait3A_194 = tpu.memref_slice %arg5[%dma_wait3A_190, %dma_wait3A_191, %dma_wait3A_192, %dma_wait3A_193] : memref<2x4x8x261xf32, #tpu.memory_space<vmem>> -> memref<1x1x8x256xf32, #tpu.memory_space<vmem>>
      %dma_wait3A_195 = tpu.memref_squeeze %dma_wait3A_194 : memref<1x1x8x256xf32, #tpu.memory_space<vmem>> -> memref<8x256xf32, #tpu.memory_space<vmem>>
      %dma_wait3A_196 = arith.constant 0 : i32
      %dma_wait3A_197 = arith.constant 0 : i32
      %dma_wait3A_198 = tpu.memref_slice %arg2[%dma_wait3A_196, %dma_wait3A_197] : memref<32x1000000xf32, #tpu.memory_space<hbm>> -> memref<8x256xf32, #tpu.memory_space<hbm>>
      %dma_wait3A_199 = arith.constant 0 : i32
      %dma_wait3A_200 = arith.constant 0 : i32
      %dma_wait3A_201 = tpu.memref_slice %arg5[%dma_wait3A_190, %dma_wait3A_191, %dma_wait3A_199, %dma_wait3A_200] : memref<2x4x8x261xf32, #tpu.memory_space<vmem>> -> memref<1x1x8x256xf32, #tpu.memory_space<vmem>>
      %dma_wait3A_202 = tpu.memref_squeeze %dma_wait3A_201 : memref<1x1x8x256xf32, #tpu.memory_space<vmem>> -> memref<8x256xf32, #tpu.memory_space<vmem>>
      %dma_wait3A_203 = arith.constant 0 : i32
      %dma_wait3A_204 = arith.constant 0 : i32
      %dma_wait3A_205 = tpu.memref_slice %arg2[%dma_wait3A_203, %dma_wait3A_204] : memref<32x1000000xf32, #tpu.memory_space<hbm>> -> memref<8x256xf32, #tpu.memory_space<hbm>>
      tpu.wait_dma2 semaphore(%arg8 : memref<!tpu.dma_semaphore, #tpu.memory_space<semaphore_mem>>) src(%dma_wait3A_205 : memref<8x256xf32, #tpu.memory_space<hbm>>) dst(%dma_wait3A_202 : memref<8x256xf32, #tpu.memory_space<vmem>>)
      %broadcast_in_dim3A = arith.constant 0 : i32
      %broadcast_in_dim3A_206 = vector.broadcast %broadcast_in_dim3A : i32 to vector<16xi32>
      %parallel_loop3A = arith.constant 0 : i32
      %parallel_loop3A_207 = arith.constant 256 : i32
      %parallel_loop3A_208 = arith.constant 1 : i32
      %parallel_loop3A_209 = scf.for %parallel_loop3A_218 = %parallel_loop3A to %parallel_loop3A_207 step %parallel_loop3A_208 iter_args(%parallel_loop3A_219 = %broadcast_in_dim3A_206) -> (vector<16xi32>)  : i32 {
        %parallel_loop3A_220 = arith.constant 0 : i32
        %parallel_loop3A_221 = arith.constant 0 : i32
        %parallel_loop3A_222 = arith.constant 0 : i32
        %parallel_loop3A_223 = arith.constant 0 : i32
        %parallel_loop3A_224 = tpu.memref_slice %arg5[%parallel_loop3A_220, %parallel_loop3A_221, %parallel_loop3A_222, %parallel_loop3A_223] : memref<2x4x8x261xf32, #tpu.memory_space<vmem>> -> memref<1x4x8x261xf32, #tpu.memory_space<vmem>>
        %parallel_loop3A_225 = tpu.memref_squeeze %parallel_loop3A_224 : memref<1x4x8x261xf32, #tpu.memory_space<vmem>> -> memref<4x8x261xf32, #tpu.memory_space<vmem>>
        %parallel_loop3A_226 = tpu.vector_load_idx %parallel_loop3A_225[%shift_right_arithmetic3A_7, %and3A_4, %parallel_loop3A_219] : memref<4x8x261xf32, #tpu.memory_space<vmem>>[vector<16xi32>, vector<16xi32>, vector<16xi32>], vector<16xf32>,
        %parallel_loop3A_227 = arith.constant 0 : i32
        %parallel_loop3A_228 = arith.constant 0 : i32
        %parallel_loop3A_229 = arith.constant 0 : i32
        %parallel_loop3A_230 = arith.constant 0 : i32
        %parallel_loop3A_231 = tpu.memref_slice %arg5[%parallel_loop3A_227, %parallel_loop3A_228, %parallel_loop3A_229, %parallel_loop3A_230] : memref<2x4x8x261xf32, #tpu.memory_space<vmem>> -> memref<1x4x8x261xf32, #tpu.memory_space<vmem>>
        %parallel_loop3A_232 = tpu.memref_squeeze %parallel_loop3A_231 : memref<1x4x8x261xf32, #tpu.memory_space<vmem>> -> memref<4x8x261xf32, #tpu.memory_space<vmem>>
        %parallel_loop3A_233 = tpu.vector_load_idx %parallel_loop3A_232[%add3A_10, %and3A_4, %parallel_loop3A_219] : memref<4x8x261xf32, #tpu.memory_space<vmem>>[vector<16xi32>, vector<16xi32>, vector<16xi32>], vector<16xf32>,
        %parallel_loop3A_234 = arith.constant 32 : i32
        %parallel_loop3A_235 = arith.muli %parallel_loop3A_218, %parallel_loop3A_234 : i32
        %parallel_loop3A_236 = arith.index_cast %parallel_loop3A_235 : i32 to index
        %parallel_loop3A_237 = tpu.vector_load %arg6[%parallel_loop3A_236] {strides = array<i32>} : memref<8192xf32, #tpu.memory_space<vmem>>, vector<16xf32>,
        tpu.vector_store %arg6[%parallel_loop3A_236], %parallel_loop3A_226 {strides = array<i32>} : memref<8192xf32, #tpu.memory_space<vmem>>, vector<16xf32>,
        %parallel_loop3A_238 = arith.constant 32 : i32
        %parallel_loop3A_239 = arith.muli %parallel_loop3A_218, %parallel_loop3A_238 : i32
        %parallel_loop3A_240 = arith.constant 16 : i32
        %parallel_loop3A_241 = arith.addi %parallel_loop3A_239, %parallel_loop3A_240 : i32
        %parallel_loop3A_242 = arith.index_cast %parallel_loop3A_241 : i32 to index
        %parallel_loop3A_243 = tpu.vector_load %arg6[%parallel_loop3A_242] {strides = array<i32>} : memref<8192xf32, #tpu.memory_space<vmem>>, vector<16xf32>,
        tpu.vector_store %arg6[%parallel_loop3A_242], %parallel_loop3A_233 {strides = array<i32>} : memref<8192xf32, #tpu.memory_space<vmem>>, vector<16xf32>,
        %parallel_loop3A_244 = arith.constant 1 : i32
        %parallel_loop3A_245 = vector.broadcast %parallel_loop3A_244 : i32 to vector<16xi32>
        %parallel_loop3A_246 = arith.addi %parallel_loop3A_219, %parallel_loop3A_245 : vector<16xi32>
        scf.yield %parallel_loop3A_246 : vector<16xi32>
      } {sc.loop_unroll_factor = 16 : i64, sc.parallel_access}
      %mul3A_210 = arith.constant 8192 : i32
      %mul3A_211 = arith.muli %add3A_82, %mul3A_210 : i32
      %dma_start3A_212 = tpu.memref_slice %arg4[%mul3A_211] : memref<32000000xf32, #tpu.memory_space<hbm>> -> memref<8192xf32, #tpu.memory_space<hbm>>
      %dma_start3A_213 = tpu.memref_slice %arg4[%mul3A_211] : memref<32000000xf32, #tpu.memory_space<hbm>> -> memref<8192xf32, #tpu.memory_space<hbm>>
      tpu.enqueue_dma source(%arg6 : memref<8192xf32, #tpu.memory_space<vmem>>) target(%dma_start3A_213 : memref<8192xf32, #tpu.memory_space<hbm>>) target_semaphore(%arg9 : memref<!tpu.dma_semaphore, #tpu.memory_space<semaphore_mem>>)
      %dma_wait3A_214 = arith.constant 0 : i32
      %dma_wait3A_215 = tpu.memref_slice %arg4[%dma_wait3A_214] : memref<32000000xf32, #tpu.memory_space<hbm>> -> memref<8192xf32, #tpu.memory_space<hbm>>
      %dma_wait3A_216 = arith.constant 0 : i32
      %dma_wait3A_217 = tpu.memref_slice %arg4[%dma_wait3A_216] : memref<32000000xf32, #tpu.memory_space<hbm>> -> memref<8192xf32, #tpu.memory_space<hbm>>
      tpu.wait_dma2 semaphore(%arg9 : memref<!tpu.dma_semaphore, #tpu.memory_space<semaphore_mem>>) src(%arg6 : memref<8192xf32, #tpu.memory_space<vmem>>) dst(%dma_wait3A_217 : memref<8192xf32, #tpu.memory_space<hbm>>)
    } else {
    }
    %eq3A = arith.constant 31 : i32
    %eq3A_77 = arith.cmpi eq, %add3A, %eq3A : i32
    %convert_element_type3A_78 = arith.extui %eq3A_77 : i1 to i32
    %cond3A_79 = arith.constant 0 : i32
    %cond3A_80 = arith.cmpi ne, %convert_element_type3A_78, %cond3A_79 : i32
    scf.if %cond3A_80 {
      "tpu.region"() ({
        %run_scoped3A = tpu.sem_alloc : memref<!tpu.dma_semaphore, #tpu.memory_space<semaphore_mem>>
        tpu.enqueue_dma source(%arg3 : memref<2048xf32, #tpu.memory_space<hbm>>) target(%arg7 : memref<2048xf32, #tpu.memory_space<vmem>>) target_semaphore(%run_scoped3A : memref<!tpu.dma_semaphore, #tpu.memory_space<semaphore_mem>>)
        tpu.wait_dma2 semaphore(%run_scoped3A : memref<!tpu.dma_semaphore, #tpu.memory_space<semaphore_mem>>) src(%arg3 : memref<2048xf32, #tpu.memory_space<hbm>>) dst(%arg7 : memref<2048xf32, #tpu.memory_space<vmem>>)
        tpu.yield
      }) : () -> ()
      "tpu.region"() ({
        %run_scoped3A = tpu.sem_alloc : memref<!tpu.dma_semaphore, #tpu.memory_space<semaphore_mem>>
        %dma_start3A_81 = arith.constant 31997952 : i32
        %dma_start3A_82 = tpu.memref_slice %arg4[%dma_start3A_81] : memref<32000000xf32, #tpu.memory_space<hbm>> -> memref<2048xf32, #tpu.memory_space<hbm>>
        %dma_start3A_83 = arith.constant 31997952 : i32
        %dma_start3A_84 = tpu.memref_slice %arg4[%dma_start3A_83] : memref<32000000xf32, #tpu.memory_space<hbm>> -> memref<2048xf32, #tpu.memory_space<hbm>>
        tpu.enqueue_dma source(%arg7 : memref<2048xf32, #tpu.memory_space<vmem>>) target(%dma_start3A_84 : memref<2048xf32, #tpu.memory_space<hbm>>) target_semaphore(%run_scoped3A : memref<!tpu.dma_semaphore, #tpu.memory_space<semaphore_mem>>)
        %dma_wait3A_85 = arith.constant 31997952 : i32
        %dma_wait3A_86 = tpu.memref_slice %arg4[%dma_wait3A_85] : memref<32000000xf32, #tpu.memory_space<hbm>> -> memref<2048xf32, #tpu.memory_space<hbm>>
        %dma_wait3A_87 = arith.constant 31997952 : i32
        %dma_wait3A_88 = tpu.memref_slice %arg4[%dma_wait3A_87] : memref<32000000xf32, #tpu.memory_space<hbm>> -> memref<2048xf32, #tpu.memory_space<hbm>>
        tpu.wait_dma2 semaphore(%run_scoped3A : memref<!tpu.dma_semaphore, #tpu.memory_space<semaphore_mem>>) src(%arg7 : memref<2048xf32, #tpu.memory_space<vmem>>) dst(%dma_wait3A_88 : memref<2048xf32, #tpu.memory_space<hbm>>)
        tpu.yield
      }) : () -> ()
    } else {
    }
    return
  }
}

</mosaic_0001>

<sc_bundles>
// kernel: kernel.4.cloned.1.call-start
scs
__scs_entry_jumppad:
0x0: {  	(pc) =	sbr.rel $0x88, $3  }
0x1: {  	(tag) =	ssettag $0x0;
	lr =	simm.s32 $0x1  }
0x2: {  	[smem:$0x3F9F] =	sst lr;
	_ =	strace $0xD0000000  }
0x3: {  	_ = 	snop  }
0x4: {  	_ = 	snop  }
0x5: {  	_ = 	snop  }
0x6: {  	_ = 	snop  }
0x7: {  	_ = 	snop  }
__scs_overlays_trampoline_lowered:
0x8: {  	[smem:$0x3FAE] =	sst s0  }
0x9: {  	[smem:$0x3FAF] =	sst s1  }
0xa: {  	[smem:$0x3FB0] =	sst s2  }
0xb: {  	[smem:$0x3FB1] =	sst s3  }
0xc: {  	[smem:$0x3FB2] =	sst s4  }
0xd: {  	[smem:$0x3FB3] =	sst s5  }
0xe: {  	[smem:$0x3FB4] =	sst s6  }
0xf: {  	[smem:$0x3FB5] =	sst s7  }
0x10: {  	[smem:$0x3FB6] =	sst s8  }
0x11: {  	[smem:$0x3FB7] =	sst s9;
	s0 =	simm.s32 @!p0 $0x0  }
0x12: {  	s1 =	sld [smem:$0x3F9D];
	s0 =	simm.s32 @p0 $0x1  }
0x13: {  	[smem:$0x3FB8] =	sst s0;
	s0 =	simm.s32 @!p1 $0x0  }
0x14: {  	s2 =	sld [smem:$0x3F9C];
	s0 =	simm.s32 @p1 $0x1  }
0x15: {  	[smem:$0x3FB9] =	sst s0;
	s0 =	simm.s32 @!p2 $0x0  }
0x16: {  	s3 =	sld [smem:$0x3FDB];
	s0 =	simm.s32 @p2 $0x1  }
0x17: {  	s4 =	simm.s32 $0x1BF5;
	[smem:$0x3FBB] =	sst s0  }
0x18: {  	s0 =	sld [smem:$0x3F9E];
	_ =	swait.ge [sflag:s4], $0x0  }
0x19: {  	s7 =	sld [smem:$0x3F9F]  }
0x1a: {  	s8 =	sadd.s32 $0xFFFFE003, lr  }
0x1b: {  	s9 =	sadd.s32 $0xFFFFFEF7, lr;
	s5 =	simm.s32 $0xFFFFFFFF;
	p2 =	slt.u32 s8, $0xFFFFF086  }
0x1c: {  	p1 =	slt.u32 s9, $0xF7A;
	s5 =	simm.s32 @!p2 $0x0  }
0x1d: {  	s5 =	simm.s32 @p1 $0x1;
	p0 =	seq.s32 s7, s2  }
0x1e: {  	s7 =	smul.u32 @!p0 $0xF7A, s2;
	p2 =	seq.s32 @!p0 s5, $0x0  }
0x1f: {  	s9 =	smul.u32 $0xF7A, s1;
	s8 =	simm.s32 @!p0 $0x1BF5;
	p2 =	por !p2, p0  }
0x20: {  	[sflag:s8] =	ssyncset.s32 @!p0 $0xFFFFF086;
	s6 =	sadd.s32 @!p0 s3, s7;
	s7 =	simm.s32 @!p0 $0x108  }
0x21: {  	s3 =	sadd.s32 s3, s9;
	s6 =	sadd.s32 @!p0 $0x88, s6;
	s7 =	simm.s32 @p2 $0x1082  }
0x22: {  	[simem:s7], [sflag:s8] =	dma.local @!p0 [hbm:s6], $0xF7A  }
0x23: {  	s9 =	sor.u32 $0xD0000000, s2;
	s6 =	simm.s32 $0x108;
	_ =	swait.ge @!p0 [sflag:s8], $0x0  }
0x24: {  	s3 =	sadd.s32 $0x88, s3;
	s6 =	simm.s32 @!p1 $0x1082;
	[sflag:s4] =	ssyncset.s32 $0xFFFFF086  }
0x25: {  	[simem:s6], [sflag:s4] =	dma.local [hbm:s3], $0xF7A  }
0x26: {  	[smem:$0x3F9F] =	sst s1;
	(tag) =	ssettag s2;
	_ =	strace s9  }
0x27: {  	s1 =	sld [smem:$0x3FAF]  }
0x28: {  	s2 =	sld [smem:$0x3FB0]  }
0x29: {  	s4 =	sld [smem:$0x3FB2]  }
0x2a: {  	p0 =	seq.s32 s5, $0x0;
	s5 =	sld [smem:$0x3FB3]  }
0x2b: {  	s6 =	sld [smem:$0x3FB4]  }
0x2c: {  	s7 =	sld [smem:$0x3FB5]  }
0x2d: {  	s3 =	simm.s32 $0x108;
	s8 =	sld [smem:$0x3FB6]  }
0x2e: {  	s3 =	simm.s32 @!p0 $0x1082;
	s9 =	sld [smem:$0x3FB7]  }
0x2f: {  	lr =	sadd.s32 s0, s3;
	s0 =	sld [smem:$0x3FAE]  }
0x30: {  	s3 =	sld [smem:$0x3FB1]  }
0x31: {  	[smem:$0x3FBA] =	sst s10  }
0x32: {  	s10 =	sld [smem:$0x3FB8];
	_ =	sdelay $0x3  }
0x33: {  	p0 =	seq.s32 s10, $0x1;
	s10 =	sld [smem:$0x3FBA];
	_ =	sdelay $0x3  }
0x34: {  	[smem:$0x3FBA] =	sst s10  }
0x35: {  	s10 =	sld [smem:$0x3FB9];
	_ =	sdelay $0x3  }
0x36: {  	p1 =	seq.s32 s10, $0x1;
	s10 =	sld [smem:$0x3FBA];
	_ =	sdelay $0x3  }
0x37: {  	[smem:$0x3FBA] =	sst s10  }
0x38: {  	s10 =	sld [smem:$0x3FBB]  }
0x39: {  	_ = 	snop;
	(pc) =	sbr.ind lr, $3  }
0x3a: {  	_ = 	snop  }
0x3b: {  	_ = 	snop  }
0x3c: {  	p2 =	seq.s32 s10, $0x1;
	s10 =	sld [smem:$0x3FBA]  }
0x3d: {  	_ =	shalt  }
0x3e: {  	_ =	shalt  }
0x3f: {  	_ =	shalt  }
0x40: {  	_ =	shalt  }
0x41: {  	_ =	shalt  }
0x42: {  	_ =	shalt  }
0x43: {  	_ =	shalt  }
0x44: {  	_ =	shalt  }
0x45: {  	_ =	shalt  }
0x46: {  	_ =	shalt  }
0x47: {  	_ =	shalt  }
0x48: {  	_ =	shalt  }
0x49: {  	_ =	shalt  }
0x4a: {  	_ =	shalt  }
0x4b: {  	_ =	shalt  }
0x4c: {  	_ =	shalt  }
0x4d: {  	_ =	shalt  }
0x4e: {  	_ =	shalt  }
0x4f: {  	_ =	shalt  }
0x50: {  	_ =	shalt  }
0x51: {  	_ =	shalt  }
0x52: {  	_ =	shalt  }
0x53: {  	_ =	shalt  }
0x54: {  	_ =	shalt  }
0x55: {  	_ =	shalt  }
0x56: {  	_ =	shalt  }
0x57: {  	_ =	shalt  }
0x58: {  	_ =	shalt  }
0x59: {  	_ =	shalt  }
0x5a: {  	_ =	shalt  }
0x5b: {  	_ =	shalt  }
0x5c: {  	_ =	shalt  }
0x5d: {  	_ =	shalt  }
0x5e: {  	_ =	shalt  }
0x5f: {  	_ =	shalt  }
0x60: {  	_ =	shalt  }
0x61: {  	_ =	shalt  }
0x62: {  	_ =	shalt  }
0x63: {  	_ =	shalt  }
0x64: {  	_ =	shalt  }
0x65: {  	_ =	shalt  }
0x66: {  	_ =	shalt  }
0x67: {  	_ =	shalt  }
0x68: {  	_ =	shalt  }
0x69: {  	_ =	shalt  }
0x6a: {  	_ =	shalt  }
0x6b: {  	_ =	shalt  }
0x6c: {  	_ =	shalt  }
0x6d: {  	_ =	shalt  }
0x6e: {  	_ =	shalt  }
0x6f: {  	_ =	shalt  }
0x70: {  	_ =	shalt  }
0x71: {  	_ =	shalt  }
0x72: {  	_ =	shalt  }
0x73: {  	_ =	shalt  }
0x74: {  	_ =	shalt  }
0x75: {  	_ =	shalt  }
0x76: {  	_ =	shalt  }
0x77: {  	_ =	shalt  }
0x78: {  	_ =	shalt  }
0x79: {  	_ =	shalt  }
0x7a: {  	_ =	shalt  }
0x7b: {  	_ =	shalt  }
0x7c: {  	_ =	shalt  }
0x7d: {  	_ =	shalt  }
0x7e: {  	_ =	shalt  }
0x7f: {  	_ =	shalt  }
0x80: {  	_ =	shalt  }
0x81: {  	_ =	shalt  }
0x82: {  	_ =	shalt  }
0x83: {  	_ =	shalt  }
0x84: {  	_ =	shalt  }
0x85: {  	_ =	shalt  }
0x86: {  	_ =	shalt  }
0x87: {  	_ =	shalt  }
.Lfunc_end0:
.L_simem_size_0:
called_computation_lowered:
.L_overlay_start_0:
0x88: {  	s2 =	sld [smem:$0x3FD9]  }
0x89: {  	s3 =	sld [smem:$0x3FFE];
	_ =	sdelay $0x1  }
0x8a: {  	s1 =	srdreg.scid  }
0x8b: {  	s0 =	sand.u32 $0x1, s1  }
0x8c: {  	s17 =	sshll.u32 s0, $0xA;
	s2 =	sadd.s32 s3, s2  }
0x8d: {  	s2 =	sadd.s32 s2, s17  }
0x8e: {  	[smem:$0x3FC6] =	sst s2  }
0x8f: {  	_ = 	snop  }
0x90: {  	s2 =	sld [smem:$0x3FC8];
	(tm) =	ssettm $0x1  }
0x91: {  	s18 =	sld [smem:$0x3FFB];
	_ =	sdelay $0x3  }
0x92: {  	_ =	strace s18  }
0x93: {  	s3 =	sld [smem:$0x3FFC];
	_ =	sdelay $0x3  }
0x94: {  	_ =	strace s3  }
0x95: {  	s3 =	sld [smem:$0x3FFD];
	_ =	sdelay $0x3  }
0x96: {  	_ =	strace s3  }
0x97: {  	_ =	strace $0x8FFFFFFF  }
0x98: {  	s19 =	sld [smem:$0x3FDB];
	_ =	sdelay $0x1  }
0x99: {  	s4 =	simm.s32 $_scs_section_size  }
0x9a: {  	s5 =	simm.s32 $_size__tile_overlayer_lowered;
	s6 =	simm.s32 $_tile_overlayer_lowered  }
0x9b: {  	s22 =	simm.s32 $0x1BFF;
	s21 =	sshll.u32 s6, $0x1;
	s3 =	sadd.s32 s4, s19  }
0x9c: {  	s7 =	simm.s32 $0x0;
	s20 =	sshll.u32 s5, $0x1;
	s5 =	sadd.s32 s21, s3  }
0x9d: {  	[timem:s7], [sflag:s22] =	dma.local [hbm:s5], s20  }
0x9e: {  	_ =	swait.ge [sflag:s22], s20  }
0x9f: {  	s4 =	ssub.s32 $0x0, s20;
	[sflag:s22] =	ssyncset.done $0x0  }
0xa0: {  	[sflag:s22] =	ssyncadd.s32 s4;
	_ =	sdelay $0x1  }
0xa1: {  	s23 =	simm.s32 $0x1B8B  }
0xa2: {  	_ =	swait.ge [sflag:s23], $0x1  }
0xa3: {  	[sflag:s23] =	ssyncset.done $0x0  }
0xa4: {  	s25 =	simm.s32 $0x1B8E;
	s24 =	sld [smem:$0x3FFE];
	[sflag:s23] =	ssyncadd.s32 $0xFFFFFFFF  }
0xa5: {  	s26 =	simm.s32 $execute0_lowered;
	[smem:$0x3FD2] =	sst s25  }
0xa6: {  	s5 =	sshll.u32 s26, $0x1;
	_ =	strace $0x80000046;
	[dreg:$0x1] =	wrdreg $0xFFFFFFFF  }
0xa7: {  	s28 =	simm.s32 $_size_execute0_lowered;
	s3 =	sadd.s32 s3, s5;
	[dreg:$0x0] =	wrdreg $0x0  }
0xa8: {  	s5 =	sshll.u32 s28, $0x1;
	[dreg:$0x2] =	wrdreg s3  }
0xa9: {  	[dreg:$0x3] =	wrdreg s5  }
0xaa: {  	[dreg:$0x4] =	wrdreg $0xC0  }
0xab: {  	_ =	task [dreg:s7], $0x5FFFF  }
0xac: {  	[dreg:$0x1] =	wrdreg $0xFFFFFFFF  }
0xad: {  	[dreg:$0x0] =	wrdreg $0x60  }
0xae: {  	[dreg:$0x2] =	wrdreg s2  }
0xaf: {  	[dreg:$0x3] =	wrdreg s24  }
0xb0: {  	[dreg:$0x4] =	wrdreg $0x9  }
0xb1: {  	_ =	task.clear_ibuf [dreg:s7], $0x5FFFF;
	_ =	strace $0x90000046  }
0xb2: {  	s29 =	simm.s32 $0x9;
	_ =	strace $0x80000048  }
0xb3: {  	_ =	swait.ge [sflag:s29], $0x1  }
0xb4: {  	[sflag:s29] =	ssyncadd.s32 $0xFFFFFFFF  }
0xb5: {  	_ =	strace $0x90000048  }
0xb6: {  	_ =	sfence  }
0xb7: {  	s30 =	sld [smem:$0x0];
	_ =	sdelay $0x2  }
0xb8: {  	s31 =	sshll.u32 s1, $0xD;
	s1 =	sshrl.u32 s1, $0x2  }
0xb9: {  	s3 =	sand.u32 $0x4000, s31;
	s1 =	sadd.s32 s1, s30  }
0xba: {  	s0 =	sor.u32 s3, s0;
	s1 =	sshll.u32 s1, $0x11  }
0xbb: {  	s0 =	sor.u32 s1, s0  }
0xbc: {  	s0 =	sadd.s32 $0x8F2B, s0  }
0xbd: {  	[sflag:s0] =	ssyncadd.remote.s32 $0x1  }
0xbe: {  	_ =	sfence.sel $0xFFFF  }
0xbf: {  	[dreg:$0x0] =	wrdreg $0xFFFFFFFF;
	(pc) =	sbr.abs _section_cstart, $3  }
0xc0: {  	[dreg:$0x1] =	wrdreg $0xFFFFFFFF  }
0xc1: {  	_ =	task.clear_ibuf [dreg:s7], $0x2FFFF;
	_ =	strace $0x9FFFFFFF  }
0xc2: {  	(tm) =	ssettm $0x7FFFFFFF  }
0xc3: {  	_ =	shalt  }
tec
execute0_lowered:
.L_overlay_start_1:
0x0: {  	(tag) =	ssettag $0x1  }
0x1: {  	s0 =	rddreg [dreg:$0x0];
	s2 =	srdreg.scid;
	v0 =	vimm.s32 $0xF80  }
0x2: {  	s1 =	stileid.u32;
	vm0 =	vcmask $0x300;
	v1 =	vimm.s32 $0x2780;
	s13 =	rddreg [dreg:$0x1];
	vm1 =	vcmask $0x704;
	s18 =	simm.s32 $0xC00  }
0x3: {  	vm15 =	vcmask $0xB08;
	s19 =	simm.s32 $0x1800;
	s20 =	simm.s32 $0x2400;
	s21 =	simm.s32 $0x1;
	v0 =	vsel vm0, $0x0, v0;
	v1 =	vsel vm0, $0x1800, v1  }
0x4: {  	vm4 =	vcmask $0xF0C;
	s22 =	simm.s32 $0x3000;
	s23 =	simm.s32 $0x3C00;
	s24 =	simm.s32 $0x4800;
	v0 =	vsel vm1, $0x80, v0;
	v1 =	vsel vm1, $0x1880, v1  }
0x5: {  	vm5 =	vcmask $0x1310;
	s25 =	simm.s32 $0x5400;
	s26 =	simm.s32 $0x6000;
	s28 =	simm.s32 $0x2;
	v0 =	vsel vm15, $0x100, v0;
	v1 =	vsel vm15, $0x1900, v1  }
0x6: {  	vm6 =	vcmask $0x1714;
	s29 =	simm.s32 $0x0;
	s6 =	sand.u32 $0x1, s2;
	s3 =	sshll.u32 s1, $0x1;
	v0 =	vsel vm4, $0x180, v0;
	v1 =	vsel vm4, $0x1980, v1  }
0x7: {  	vm7 =	vcmask $0x1B18;
	s2 =	simm.s32 $0x0;
	s4 =	sadd.s32 $0xC00, s13;
	s11 =	sadd.s32 $0x100, s0;
	v0 =	vsel vm5, $0x200, v0;
	v1 =	vsel vm5, $0x1A00, v1  }
0x8: {  	vm8 =	vcmask $0x1F1C;
	p0 =	sne.s32 s1, $0x0;
	s12 =	sor.u32 s6, s3;
	[smem:$0x7FF] =	sst s2;
	v0 =	vsel vm6, $0x280, v0;
	v1 =	vsel vm6, $0x1A80, v1  }
0x9: {  	vm9 =	vcmask $0x2320;
	s3 =	sadd.s32 $0xA00, s13;
	s7 =	ssub.s32 $0x2, s6;
	s15 =	sor.u32 $0xF40, s6;
	v0 =	vsel vm7, $0x300, v0;
	v1 =	vsel vm7, $0x1B00, v1  }
0xa: {  	vm10 =	vcmask $0x2724;
	s5 =	smul.u32 $0x3D000, s12;
	_ =	strace $0x80000047;
	s8 =	sshrl.u32 s7, $0x1;
	v0 =	vsel vm8, $0x380, v0;
	v1 =	vsel vm8, $0x1B80, v1  }
0xb: {  	vm11 =	vcmask $0x2B28;
	s6 =	smul.u32 $0x7A, s12;
	s10 =	sshll.u32 s15, $0x8;
	s15 =	sshll.u32 s15, $0xA;
	v0 =	vsel vm9, $0xC00, v0;
	v1 =	vsel vm9, $0x2400, v1  }
0xc: {  	vm12 =	vcmask $0x2F2C;
	p1 =	sne.s32 s12, $0x1F;
	s14 =	ssub.s32 s7, s8;
	s10 =	sadd.s32 s0, s10;
	v0 =	vsel vm10, $0xC80, v0;
	v1 =	vsel vm10, $0x2480, v1  }
.Ltmp0:
0xd: {  	vm13 =	vcmask $0x3330;
	s15 =	sadd.s32 s4, s15;
	s16 =	sadd.s32 $0x1E8500, s10;
	v0 =	vsel vm11, $0xD00, v0;
	v1 =	vsel vm11, $0x2500, v1;
	(pc) =	sbr.rel .LBB2_1-.Ltmp0, $4  }
0xe: {  	vm14 =	vcmask $0x3734;
	s5 =	sshrl.u32 s5, $0x3;
	s30 =	sadd.s32 $0xF4280, s10;
	s31 =	sadd.s32 $0x2DC780, s10;
	v0 =	vsel vm12, $0xD80, v0;
	v1 =	vsel vm12, $0x2580, v1  }
0xf: {  	vm15 =	vcmask $0x3B38;
	s17 =	smax.u32 s14, $0x1;
	s5 =	sadd.s32 s0, s5;
	[dreg:$0x3] =	wrdreg s16;
	v0 =	vsel vm13, $0xE00, v0;
	v1 =	vsel vm13, $0x2600, v1  }
0x10: {  	[dreg:$0x4] =	wrdreg s30;
	s16 =	sadd.s32 $0x3D1400, s13;
	s7 =	sadd.s32 $0x1E8500, s5;
	v0 =	vsel vm14, $0xE80, v0;
	v1 =	vsel vm14, $0x2680, v1  }
0x11: {  	[dreg:$0x5] =	wrdreg s31;
	s8 =	sadd.s32 $0xF4280, s5;
	s9 =	sadd.s32 $0x2DC780, s5;
	v0 =	vsel vm15, $0xF00, v0;
	v1 =	vsel vm15, $0x2700, v1  }
.LBB2_11:
0x12: {  	s1 =	simm.s32 @!p1 $0x0;
	s12 =	simm.s32 @!p1 $0x8000;
	s13 =	simm.s32 @!p1 $0x3  }
0x13: {  	[tilespmem:s12], [sflag:$0x3] =	stream.linear.gather @!p1 [hbm4b:s3+s1], $0x800, $0x38;
	[tilespmem:$0x8800] =	vst v63  }
0x14: {  	s29 =	sadd.s32 $0x1, s29;
	_ =	swait.ge @!p1 [sflag:s13], $0x800  }
0x15: {  	p2 =	sne.s32 s29, s17;
	[sflag:s13] =	ssyncset.done @!p1 $0x0  }
.Ltmp1:
0x16: {  	[sflag:s13] =	ssyncadd.s32 @!p1 $0xFFFFF800;
	(pc) =	sbr.rel @!p2 .LBB2_12-.Ltmp1, $4  }
0x17: {  	[hbm4b:s16+s1] =	stream.linear.scatter @!p1 [tilespmem:s12], [sflag:$0x3], $0x800, $0x38;
	[tilespmem:$0x8800] =	vst v63  }
0x18: {  	_ =	swait.ge @!p1 [sflag:s13], $0x800  }
0x19: {  	[sflag:s13] =	ssyncset.done @!p1 $0x0  }
0x1a: {  	[sflag:s13] =	ssyncadd.s32 @!p1 $0xFFFFF800  }
.LBB2_1:
0x1b: {  	[tilespmem:s2], [sflag:$0x1] =	stream.linear.gather [hbm4b:s5+s2], $0x800, $0x38;
	[tilespmem:$0x8800] =	vst v63  }
0x1c: {  	_ = 	snop  }
0x1d: {  	[tilespmem:s18], [sflag:$0x1] =	stream.linear.gather [hbm4b:s8+s2], $0x800, $0x38;
	[tilespmem:$0x8800] =	vst v63  }
0x1e: {  	_ = 	snop  }
0x1f: {  	[tilespmem:s19], [sflag:$0x1] =	stream.linear.gather [hbm4b:s7+s2], $0x800, $0x38;
	[tilespmem:$0x8800] =	vst v63  }
0x20: {  	s30 =	simm.s32 $0x0  }
0x21: {  	[tilespmem:s20], [sflag:$0x1] =	stream.linear.gather [hbm4b:s9+s2], $0x800, $0x38;
	[tilespmem:$0x8800] =	vst v63  }
.LBB2_2:
0x22: {  	_ =	swait.ge [sflag:s21], $0x800  }
0x23: {  	[sflag:s21] =	ssyncset.done $0x0  }
0x24: {  	[sflag:s21] =	ssyncadd.s32 $0xFFFFF800  }
0x25: {  	_ =	swait.ge [sflag:s21], $0x800  }
0x26: {  	[sflag:s21] =	ssyncset.done $0x0  }
0x27: {  	[sflag:s21] =	ssyncadd.s32 $0xFFFFF800  }
0x28: {  	_ =	swait.ge [sflag:s21], $0x800  }
0x29: {  	s31 =	sshll.u32 s30, $0x1;
	[sflag:s21] =	ssyncset.done $0x0  }
0x2a: {  	s1 =	sadd.s32 s6, s31;
	[sflag:s21] =	ssyncadd.s32 $0xFFFFF800  }
0x2b: {  	s12 =	sshll.u32 s1, $0x8;
	_ =	swait.ge [sflag:s21], $0x800  }
0x2c: {  	s13 =	sadd.s32 s12, s11;
	s12 =	sand.u32 $0x1FFFFF00, s12;
	[sflag:s21] =	ssyncset.done $0x0  }
0x2d: {  	s12 =	sadd.s32 s0, s12;
	[sflag:s21] =	ssyncadd.s32 $0xFFFFF800  }
0x2e: {  	[tilespmem:s22], [sflag:$0x1] =	stream.linear.gather [hbm4b:s13+s2], $0x800, $0x38;
	[tilespmem:$0x8800] =	vst v63  }
0x2f: {  	s14 =	sadd.s32 $0xF4380, s12  }
0x30: {  	v8 =	vimm.s32 $0x0;
	[tilespmem:s23], [sflag:$0x1] =	stream.linear.gather [hbm4b:s14+s2], $0x800, $0x38;
	[tilespmem:$0x8800] =	vst v63  }
0x31: {  	v2 =	vshll.u32 v8, $0x3;
	s14 =	sadd.s32 $0x1E8600, s12  }
0x32: {  	v10 =	vand.u32 $0x70, v8;
	v2 =	vand.u32 $0xFFFFFC00, v2;
	[tilespmem:s24], [sflag:$0x1] =	stream.linear.gather [hbm4b:s14+s2], $0x800, $0x38;
	[tilespmem:$0x8800] =	vst v63  }
0x33: {  	p2 =	seq.s32 s30, $0x0;
	v12 =	vor.u32 $0x3, v10;
	v17 =	vadd.s32 v1, v2;
	s12 =	sadd.s32 $0x2DC880, s12  }
0x34: {  	v4 =	vor.u32 $0xC, v10;
	v3 =	vor.u32 v12, v17;
	[tilespmem:s25], [sflag:$0x1] =	stream.linear.gather [hbm4b:s12+s2], $0x800, $0x38;
	[tilespmem:$0x8800] =	vst v63  }
0x35: {  	v5 =	vor.u32 $0x1, v10;
	v14 =	vadd.s32 v0, v2;
	v6 =	vor.u32 v4, v17;
	s12 =	simm.s32 @!p2 $0x2  }
0x36: {  	v7 =	vor.u32 v5, v14;
	_ =	swait.ge @!p2 [sflag:s12], $0x2000  }
0x37: {  	v9 =	vor.u32 v10, v17;
	[sflag:s12] =	ssyncset.done @!p2 $0x0  }
0x38: {  	v22 =	vor.u32 $0x4, v10;
	v11 =	vor.u32 v10, v14;
	[sflag:s12] =	ssyncadd.s32 @!p2 $0xFFFFE000  }
0x39: {  	v32 =	vor.u32 $0x9, v10;
	v15 =	vor.u32 v22, v17;
	v2 =	vld.idx.msk [tilespmem:v3+s2+$0x0], $0xffff  }
0x3a: {  	v33 =	vor.u32 v32, v14;
	v32 =	vor.u32 v32, v17;
	v24 =	vld.idx.msk [tilespmem:v6+s2+$0x0], $0xffff  }
0x3b: {  	v13 =	vor.u32 $0xF, v10;
	v5 =	vor.u32 v5, v17;
	v25 =	vld.idx.msk [tilespmem:v7+s2+$0x0], $0xffff  }
0x3c: {  	v18 =	vor.u32 $0x2, v10;
	v3 =	vor.u32 v13, v14;
	v19 =	vld.idx.msk [tilespmem:v9+s2+$0x0], $0xffff  }
0x3d: {  	v26 =	vor.u32 $0xE, v10;
	v6 =	vor.u32 v18, v14;
	v11 =	vld.idx.msk [tilespmem:v11+s2+$0x0], $0xffff  }
0x3e: {  	v20 =	vor.u32 $0xD, v10;
	v16 =	vor.u32 v26, v17;
	v9 =	vld.idx.msk [tilespmem:v15+s2+$0x0], $0xffff  }
0x3f: {  	v29 =	vor.u32 $0x7, v10;
	v21 =	vor.u32 v20, v14;
	v63 =	vor.u32 v20, v17;
	v20 =	vld.idx.msk [tilespmem:v32+s2+$0x0], $0xffff  }
0x40: {  	v30 =	vor.u32 v29, v14;
	v7 =	vor.u32 $0x5, v10;
	v5 =	vld.idx.msk [tilespmem:v5+s2+$0x0], $0xffff  }
0x41: {  	v15 =	vor.u32 v7, v14;
	v23 =	vor.u32 v7, v17;
	v7 =	vld.idx.msk [tilespmem:v3+s2+$0x0], $0xffff  }
0x42: {  	v27 =	vor.u32 $0x6, v10;
	v28 =	vld.idx.msk [tilespmem:v6+s2+$0x0], $0xffff  }
0x43: {  	v6 =	vor.u32 v27, v14;
	v3 =	vld.idx.msk [tilespmem:v16+s2+$0x0], $0xffff  }
0x44: {  	s12 =	simm.s32 $0x6100;
	v27 =	vor.u32 v27, v17;
	v16 =	vld.idx.msk [tilespmem:v21+s2+$0x0], $0xffff  }
0x45: {  	v21 =	vor.u32 v29, v17;
	[tilespmem:s12+$0xFFFFFF00] =	vst v11;
	v11 =	vld.idx.msk [tilespmem:v30+s2+$0x0], $0xffff  }
0x46: {  	v15 =	vld.idx.msk [tilespmem:v15+s2+$0x0], $0xffff  }
0x47: {  	v60 =	vor.u32 $0x8, v10;
	v18 =	vor.u32 v18, v17;
	v31 =	vld.idx.msk [tilespmem:v23+s2+$0x0], $0xffff  }
0x48: {  	[tilespmem:s12+$0xFFFFFF10] =	vst v19;
	v23 =	vor.u32 v60, v14;
	v6 =	vld.idx.msk [tilespmem:v6+s2+$0x0], $0xffff  }
0x49: {  	v29 =	vor.u32 v60, v17;
	[tilespmem:s12+$0xFFFFFF20] =	vst v25;
	v27 =	vld.idx.msk [tilespmem:v27+s2+$0x0], $0xffff  }
0x4a: {  	v34 =	vor.u32 $0xA, v10;
	v62 =	vor.u32 v4, v14;
	v61 =	vld.idx.msk [tilespmem:v21+s2+$0x0], $0xffff;
	[tilespmem:s12+$0xFFFFFFE0] =	vst v11  }
0x4b: {  	v19 =	vld.idx.msk [tilespmem:v33+s2+$0x0], $0xffff;
	[tilespmem:s12+$0xFFFFFFA0] =	vst v15;
	v15 =	vor.u32 v34, v17  }
0x4c: {  	v4 =	vld.idx.msk [tilespmem:v18+s2+$0x0], $0xffff;
	[tilespmem:s12+$0xFFFFFF40] =	vst v28  }
0x4d: {  	v22 =	vor.u32 v22, v14;
	v23 =	vld.idx.msk [tilespmem:v23+s2+$0x0], $0xffff;
	[tilespmem:s12+$0xFFFFFFB0] =	vst v31  }
0x4e: {  	v21 =	vld.idx.msk [tilespmem:v29+s2+$0x0], $0xffff;
	v11 =	vor.u32 v34, v14;
	[tilespmem:s12+$0xFFFFFFC0] =	vst v6  }
0x4f: {  	v10 =	vor.u32 $0xB, v10;
	[tilespmem:s12+$0xFFFFFFD0] =	vst v27;
	v6 =	vor.u32 v13, v17;
	v13 =	vor.u32 v12, v14;
	v12 =	vld.idx.msk [tilespmem:v62+s2+$0x0], $0xffff  }
0x50: {  	[tilespmem:s12+$0xFFFFFFF0] =	vst v61;
	v17 =	vor.u32 v10, v17;
	v18 =	vld.idx.msk [tilespmem:v15+s2+$0x0], $0xffff  }
0x51: {  	v8 =	vadd.s32 $0x10, v8;
	s13 =	simm.s32 $0x0;
	s14 =	simm.s32 $0x6100;
	[tilespmem:s12+$0x90] =	vst v24;
	v15 =	vor.u32 v26, v14;
	v14 =	vor.u32 v10, v14;
	v10 =	vld.idx.msk [tilespmem:v63+s2+$0x0], $0xffff  }
.LBB2_3:
0x52: {  	v24 =	vand.u32 $0x70, v8;
	v25 =	vshll.u32 v8, $0x3;
	s13 =	sadd.s32 $0x10, s13;
	v22 =	vld.idx.msk [tilespmem:v22+s2+$0x0], $0xffff;
	[tilespmem:s12+$0x0] =	vst v23;
	s14 =	sadd.s32 $0x200, s14  }
0x53: {  	v23 =	vand.u32 $0xFFFFFC00, v25;
	v25 =	vor.u32 $0x3, v24;
	v26 =	vor.u32 $0xF, v24;
	p2 =	slt.u32 s13, $0xF0;
	[tilespmem:s12+$0xFFFFFF90] =	vst v9;
	v27 =	vld.idx.msk [tilespmem:v11+s2+$0x0], $0xffff  }
0x54: {  	v9 =	vor.u32 $0xC, v24;
	v28 =	vadd.s32 v0, v23;
	v23 =	vadd.s32 v1, v23;
	[tilespmem:s12+$0xA0] =	vst v16;
	v16 =	vld.idx.msk [tilespmem:v6+s2+$0x0], $0xffff  }
0x55: {  	v30 =	vor.u32 $0xD, v24;
	v29 =	vor.u32 v24, v23;
	v11 =	vor.u32 v25, v23;
	v31 =	vld.idx.msk [tilespmem:v13+s2+$0x0], $0xffff;
	[tilespmem:s12+$0xE0] =	vst v7  }
0x56: {  	v32 =	vor.u32 $0x4, v24;
	v7 =	vor.u32 $0x1, v24;
	v33 =	vor.u32 v9, v23;
	[tilespmem:s12+$0xFFFFFF70] =	vst v2;
	v34 =	vld.idx.msk [tilespmem:v15+s2+$0x0], $0xffff  }
0x57: {  	v35 =	vor.u32 $0xA, v24;
	v6 =	vor.u32 v26, v23;
	v15 =	vor.u32 v7, v28;
	[tilespmem:s12+$0x10] =	vst v21;
	v21 =	vld.idx.msk [tilespmem:v14+s2+$0x0], $0xffff  }
0x58: {  	v36 =	vor.u32 v7, v23;
	v2 =	vor.u32 $0x2, v24;
	v7 =	vor.u32 v32, v23;
	v17 =	vld.idx.msk [tilespmem:v17+s2+$0x0], $0xffff;
	[tilespmem:s12+$0xD0] =	vst v3  }
0x59: {  	v38 =	vor.u32 v30, v23;
	v37 =	vor.u32 v2, v28;
	v3 =	vor.u32 v24, v28;
	[tilespmem:s12+$0x30] =	vst v20  }
0x5a: {  	v39 =	vor.u32 v2, v23;
	v2 =	vld.idx.msk [tilespmem:v11+s2+$0x0], $0xffff;
	v11 =	vor.u32 v35, v28;
	[tilespmem:s12+$0x20] =	vst v19  }
0x5b: {  	v13 =	vor.u32 v25, v28;
	v20 =	vor.u32 v26, v28;
	v19 =	vor.u32 v30, v28;
	v25 =	vld.idx.msk [tilespmem:v33+s2+$0x0], $0xffff  }
0x5c: {  	v30 =	vor.u32 v35, v23;
	v33 =	vor.u32 v9, v28;
	v9 =	vor.u32 $0xE, v24;
	v26 =	vld.idx.msk [tilespmem:v15+s2+$0x0], $0xffff;
	[tilespmem:s12+$0xFFFFFF60] =	vst v31  }
0x5d: {  	v31 =	vor.u32 $0xB, v24;
	v15 =	vor.u32 v9, v28;
	v35 =	vor.u32 v9, v23;
	v29 =	vld.idx.msk [tilespmem:v29+s2+$0x0], $0xffff;
	[tilespmem:s12+$0xFFFFFF80] =	vst v22  }
0x5e: {  	v22 =	vor.u32 v32, v28;
	v14 =	vor.u32 v31, v28;
	v40 =	vld.idx.msk [tilespmem:v3+s2+$0x0], $0xffff;
	v3 =	vor.u32 $0x5, v24;
	[tilespmem:s12+$0x70] =	vst v17  }
0x5f: {  	v9 =	vld.idx.msk [tilespmem:v7+s2+$0x0], $0xffff;
	v32 =	vor.u32 v3, v28;
	v41 =	vor.u32 v3, v23;
	[tilespmem:s12+$0xC0] =	vst v34  }
0x60: {  	v17 =	vor.u32 v31, v23;
	v3 =	vor.u32 $0x6, v24;
	v7 =	vld.idx.msk [tilespmem:v20+s2+$0x0], $0xffff;
	[tilespmem:s12+$0x50] =	vst v18  }
0x61: {  	v20 =	vor.u32 v3, v28;
	v31 =	vor.u32 v3, v23;
	v18 =	vld.idx.msk [tilespmem:v37+s2+$0x0], $0xffff;
	[tilespmem:s12+$0xF0] =	vst v16  }
0x62: {  	v16 =	vor.u32 $0x7, v24;
	v3 =	vld.idx.msk [tilespmem:v35+s2+$0x0], $0xffff;
	[tilespmem:s12+$0x60] =	vst v21  }
0x63: {  	v21 =	vor.u32 v16, v28;
	v34 =	vor.u32 v16, v23;
	v16 =	vld.idx.msk [tilespmem:v19+s2+$0x0], $0xffff;
	[tilespmem:s12+$0x40] =	vst v27  }
0x64: {  	v27 =	vor.u32 $0x8, v24;
	v19 =	vld.idx.msk [tilespmem:v32+s2+$0x0], $0xffff;
	[tilespmem:s12+$0xFFFFFF30] =	vst v5  }
0x65: {  	v32 =	vor.u32 v27, v28;
	v27 =	vor.u32 v27, v23;
	v5 =	vld.idx.msk [tilespmem:v41+s2+$0x0], $0xffff;
	[tilespmem:s12+$0x80] =	vst v12  }
0x66: {  	v12 =	vld.idx.msk [tilespmem:v20+s2+$0x0], $0xffff;
	v20 =	vor.u32 $0x9, v24;
	[tilespmem:s12+$0xFFFFFF50] =	vst v4  }
0x67: {  	v4 =	vld.idx.msk [tilespmem:v31+s2+$0x0], $0xffff;
	v24 =	vor.u32 v20, v28;
	v20 =	vor.u32 v20, v23;
	[tilespmem:s12+$0xB0] =	vst v10;
	s12 =	smov.u32 s14  }
0x68: {  	[tilespmem:s14+$0xFFFFFF00] =	vst v40;
	v10 =	vld.idx.msk [tilespmem:v21+s2+$0x0], $0xffff  }
0x69: {  	[tilespmem:s14+$0xFFFFFF10] =	vst v29;
	v28 =	vld.idx.msk [tilespmem:v34+s2+$0x0], $0xffff  }
0x6a: {  	[tilespmem:s14+$0xFFFFFFA0] =	vst v19;
	v23 =	vld.idx.msk [tilespmem:v32+s2+$0x0], $0xffff  }
0x6b: {  	[tilespmem:s14+$0xFFFFFFB0] =	vst v5;
	v21 =	vld.idx.msk [tilespmem:v27+s2+$0x0], $0xffff  }
0x6c: {  	[tilespmem:s14+$0xFFFFFFC0] =	vst v12;
	v19 =	vld.idx.msk [tilespmem:v24+s2+$0x0], $0xffff  }
0x6d: {  	[tilespmem:s14+$0xFFFFFFD0] =	vst v4;
	v20 =	vld.idx.msk [tilespmem:v20+s2+$0x0], $0xffff  }
.Ltmp2:
0x6e: {  	v5 =	vld.idx.msk [tilespmem:v36+s2+$0x0], $0xffff;
	[tilespmem:s14+$0xFFFFFFE0] =	vst v10;
	(pc) =	sbr.rel @p2 .LBB2_3-.Ltmp2, $4  }
0x6f: {  	[tilespmem:s14+$0xFFFFFF20] =	vst v26;
	v4 =	vld.idx.msk [tilespmem:v39+s2+$0x0], $0xffff  }
0x70: {  	[tilespmem:s14+$0xFFFFFF40] =	vst v18;
	v18 =	vld.idx.msk [tilespmem:v30+s2+$0x0], $0xffff  }
0x71: {  	[tilespmem:s14+$0xFFFFFFF0] =	vst v28;
	v12 =	vld.idx.msk [tilespmem:v33+s2+$0x0], $0xffff  }
0x72: {  	v8 =	vadd.s32 $0x10, v8;
	[tilespmem:s14+$0x90] =	vst v25;
	v10 =	vld.idx.msk [tilespmem:v38+s2+$0x0], $0xffff  }
0x73: {  	_ =	sdelay $0x2  }
0x74: {  	[tilespmem:s12+$0x0] =	vst v23  }
0x75: {  	v8 =	vld.idx.msk [tilespmem:v22+s2+$0x0], $0xffff;
	[tilespmem:s12+$0xFFFFFF90] =	vst v9  }
0x76: {  	[tilespmem:s12+$0xA0] =	vst v16  }
0x77: {  	v6 =	vld.idx.msk [tilespmem:v6+s2+$0x0], $0xffff;
	[tilespmem:s12+$0xE0] =	vst v7  }
0x78: {  	v9 =	vld.idx.msk [tilespmem:v13+s2+$0x0], $0xffff;
	[tilespmem:s12+$0xFFFFFF70] =	vst v2  }
0x79: {  	[tilespmem:s12+$0x10] =	vst v21  }
0x7a: {  	v2 =	vld.idx.msk [tilespmem:v15+s2+$0x0], $0xffff;
	[tilespmem:s12+$0xD0] =	vst v3  }
0x7b: {  	[tilespmem:s12+$0x30] =	vst v20  }
0x7c: {  	[tilespmem:s12+$0x20] =	vst v19  }
0x7d: {  	[tilespmem:s12+$0xFFFFFF30] =	vst v5  }
0x7e: {  	v7 =	vld.idx.msk [tilespmem:v17+s2+$0x0], $0xffff;
	[tilespmem:s12+$0xFFFFFF50] =	vst v4  }
0x7f: {  	[tilespmem:s12+$0x80] =	vst v12  }
0x80: {  	[tilespmem:s12+$0xB0] =	vst v10  }
0x81: {  	[tilespmem:s12+$0xFFFFFF60] =	vst v9  }
0x82: {  	v3 =	vld.idx.msk [tilespmem:v14+s2+$0x0], $0xffff;
	[tilespmem:s12+$0xFFFFFF80] =	vst v8  }
0x83: {  	v8 =	vld.idx.msk [tilespmem:v11+s2+$0x0], $0xffff;
	[tilespmem:s12+$0x70] =	vst v7  }
0x84: {  	[tilespmem:s12+$0xC0] =	vst v2  }
0x85: {  	[tilespmem:s12+$0x50] =	vst v18  }
0x86: {  	[tilespmem:s12+$0xF0] =	vst v6  }
0x87: {  	s1 =	sshll.u32 s1, $0xA;
	[tilespmem:s12+$0x60] =	vst v3  }
0x88: {  	s1 =	sadd.s32 s4, s1;
	[tilespmem:s12+$0x40] =	vst v8  }
0x89: {  	[hbm4b:s1+s2] =	stream.linear.scatter [tilespmem:s26], [sflag:$0x2], $0x2000, $0x38;
	[tilespmem:$0x8800] =	vst v63  }
0x8a: {  	_ =	swait.ge [sflag:s21], $0x800  }
0x8b: {  	[sflag:s21] =	ssyncset.done $0x0  }
0x8c: {  	[sflag:s21] =	ssyncadd.s32 $0xFFFFF800  }
0x8d: {  	_ =	swait.ge [sflag:s21], $0x800  }
0x8e: {  	[sflag:s21] =	ssyncset.done $0x0  }
0x8f: {  	s31 =	sor.u32 $0x1, s31;
	[sflag:s21] =	ssyncadd.s32 $0xFFFFF800  }
0x90: {  	p2 =	sgt.u32 s31, $0x78;
	_ =	swait.ge [sflag:s21], $0x800  }
0x91: {  	s1 =	sadd.s32 @!p2 s6, s31;
	[sflag:s21] =	ssyncset.done $0x0  }
0x92: {  	s1 =	sshll.u32 @!p2 s1, $0x8;
	[sflag:s21] =	ssyncadd.s32 $0xFFFFF800  }
0x93: {  	s1 =	sand.u32 @!p2 $0x1FFFFF00, s1;
	_ =	swait.ge [sflag:s21], $0x800  }
0x94: {  	s1 =	sadd.s32 @!p2 s0, s1;
	[sflag:s21] =	ssyncset.done $0x0  }
0x95: {  	s13 =	simm.s32 @!p2 $0x0;
	s12 =	sadd.s32 @!p2 $0x100, s1;
	[sflag:s21] =	ssyncadd.s32 $0xFFFFF800  }
0x96: {  	[tilespmem:s13], [sflag:$0x1] =	stream.linear.gather @!p2 [hbm4b:s12+s13], $0x800, $0x38;
	[tilespmem:$0x8800] =	vst v63  }
0x97: {  	s14 =	simm.s32 @!p2 $0xC00;
	v8 =	vimm.s32 $0x0;
	s12 =	sadd.s32 @!p2 $0xF4380, s1  }
0x98: {  	v2 =	vshll.u32 v8, $0x3;
	[tilespmem:s14], [sflag:$0x1] =	stream.linear.gather @!p2 [hbm4b:s12+s13], $0x800, $0x38;
	[tilespmem:$0x8800] =	vst v63  }
0x99: {  	v10 =	vand.u32 $0x70, v8;
	v2 =	vand.u32 $0xFFFFFC00, v2;
	s12 =	sadd.s32 @!p2 $0x1E8600, s1;
	s14 =	simm.s32 @!p2 $0x1800  }
0x9a: {  	v12 =	vor.u32 $0x3, v10;
	v17 =	vadd.s32 v1, v2;
	[tilespmem:s14], [sflag:$0x1] =	stream.linear.gather @!p2 [hbm4b:s12+s13], $0x800, $0x38;
	[tilespmem:$0x8800] =	vst v63  }
0x9b: {  	v3 =	vor.u32 $0xC, v10;
	v4 =	vor.u32 v12, v17;
	s1 =	sadd.s32 @!p2 $0x2DC880, s1;
	s12 =	simm.s32 @!p2 $0x2400  }
0x9c: {  	v5 =	vor.u32 $0x1, v10;
	v14 =	vadd.s32 v0, v2;
	v6 =	vor.u32 v3, v17;
	[tilespmem:s12], [sflag:$0x1] =	stream.linear.gather @!p2 [hbm4b:s1+s13], $0x800, $0x38;
	[tilespmem:$0x8800] =	vst v63  }
0x9d: {  	v7 =	vor.u32 v5, v14;
	_ =	swait.ge [sflag:s28], $0x2000  }
0x9e: {  	v9 =	vor.u32 v10, v17;
	[sflag:s28] =	ssyncset.done $0x0  }
0x9f: {  	v22 =	vor.u32 $0x4, v10;
	v11 =	vor.u32 v10, v14;
	[sflag:s28] =	ssyncadd.s32 $0xFFFFE000  }
0xa0: {  	v32 =	vor.u32 $0x9, v10;
	v15 =	vor.u32 v22, v17;
	v2 =	vld.idx.msk [tilespmem:v4+s22+$0x0], $0xffff  }
0xa1: {  	v33 =	vor.u32 v32, v14;
	v32 =	vor.u32 v32, v17;
	v24 =	vld.idx.msk [tilespmem:v6+s22+$0x0], $0xffff  }
0xa2: {  	v13 =	vor.u32 $0xF, v10;
	v5 =	vor.u32 v5, v17;
	v25 =	vld.idx.msk [tilespmem:v7+s22+$0x0], $0xffff  }
0xa3: {  	v18 =	vor.u32 $0x2, v10;
	v4 =	vor.u32 v13, v14;
	v19 =	vld.idx.msk [tilespmem:v9+s22+$0x0], $0xffff  }
0xa4: {  	v26 =	vor.u32 $0xE, v10;
	v6 =	vor.u32 v18, v14;
	v11 =	vld.idx.msk [tilespmem:v11+s22+$0x0], $0xffff  }
0xa5: {  	v20 =	vor.u32 $0xD, v10;
	v16 =	vor.u32 v26, v17;
	v9 =	vld.idx.msk [tilespmem:v15+s22+$0x0], $0xffff  }
0xa6: {  	v29 =	vor.u32 $0x7, v10;
	v21 =	vor.u32 v20, v14;
	v63 =	vor.u32 v20, v17;
	v20 =	vld.idx.msk [tilespmem:v32+s22+$0x0], $0xffff  }
0xa7: {  	v30 =	vor.u32 v29, v14;
	v7 =	vor.u32 $0x5, v10;
	v5 =	vld.idx.msk [tilespmem:v5+s22+$0x0], $0xffff  }
0xa8: {  	v15 =	vor.u32 v7, v14;
	v23 =	vor.u32 v7, v17;
	v7 =	vld.idx.msk [tilespmem:v4+s22+$0x0], $0xffff  }
0xa9: {  	v27 =	vor.u32 $0x6, v10;
	v28 =	vld.idx.msk [tilespmem:v6+s22+$0x0], $0xffff  }
0xaa: {  	v6 =	vor.u32 v27, v14;
	v4 =	vld.idx.msk [tilespmem:v16+s22+$0x0], $0xffff  }
0xab: {  	s1 =	simm.s32 $0x6100;
	v27 =	vor.u32 v27, v17;
	v16 =	vld.idx.msk [tilespmem:v21+s22+$0x0], $0xffff  }
0xac: {  	v21 =	vor.u32 v29, v17;
	[tilespmem:s1+$0xFFFFFF00] =	vst v11;
	v11 =	vld.idx.msk [tilespmem:v30+s22+$0x0], $0xffff  }
0xad: {  	v15 =	vld.idx.msk [tilespmem:v15+s22+$0x0], $0xffff  }
0xae: {  	v60 =	vor.u32 $0x8, v10;
	v18 =	vor.u32 v18, v17;
	v31 =	vld.idx.msk [tilespmem:v23+s22+$0x0], $0xffff  }
0xaf: {  	[tilespmem:s1+$0xFFFFFF10] =	vst v19;
	v23 =	vor.u32 v60, v14;
	v6 =	vld.idx.msk [tilespmem:v6+s22+$0x0], $0xffff  }
0xb0: {  	v29 =	vor.u32 v60, v17;
	[tilespmem:s1+$0xFFFFFF20] =	vst v25;
	v27 =	vld.idx.msk [tilespmem:v27+s22+$0x0], $0xffff  }
0xb1: {  	v34 =	vor.u32 $0xA, v10;
	v62 =	vor.u32 v3, v14;
	v61 =	vld.idx.msk [tilespmem:v21+s22+$0x0], $0xffff;
	[tilespmem:s1+$0xFFFFFFE0] =	vst v11  }
0xb2: {  	v19 =	vld.idx.msk [tilespmem:v33+s22+$0x0], $0xffff;
	[tilespmem:s1+$0xFFFFFFA0] =	vst v15;
	v15 =	vor.u32 v34, v17  }
0xb3: {  	v3 =	vld.idx.msk [tilespmem:v18+s22+$0x0], $0xffff;
	[tilespmem:s1+$0xFFFFFF40] =	vst v28  }
0xb4: {  	v22 =	vor.u32 v22, v14;
	v23 =	vld.idx.msk [tilespmem:v23+s22+$0x0], $0xffff;
	[tilespmem:s1+$0xFFFFFFB0] =	vst v31  }
0xb5: {  	v21 =	vld.idx.msk [tilespmem:v29+s22+$0x0], $0xffff;
	v11 =	vor.u32 v34, v14;
	[tilespmem:s1+$0xFFFFFFC0] =	vst v6  }
0xb6: {  	v10 =	vor.u32 $0xB, v10;
	[tilespmem:s1+$0xFFFFFFD0] =	vst v27;
	v6 =	vor.u32 v13, v17;
	v13 =	vor.u32 v12, v14;
	v12 =	vld.idx.msk [tilespmem:v62+s22+$0x0], $0xffff  }
0xb7: {  	[tilespmem:s1+$0xFFFFFFF0] =	vst v61;
	v17 =	vor.u32 v10, v17;
	v18 =	vld.idx.msk [tilespmem:v15+s22+$0x0], $0xffff  }
0xb8: {  	v8 =	vadd.s32 $0x10, v8;
	s12 =	simm.s32 $0x0;
	s13 =	simm.s32 $0x6100;
	[tilespmem:s1+$0x90] =	vst v24;
	v15 =	vor.u32 v26, v14;
	v14 =	vor.u32 v10, v14;
	v10 =	vld.idx.msk [tilespmem:v63+s22+$0x0], $0xffff  }
.LBB2_5:
0xb9: {  	v24 =	vand.u32 $0x70, v8;
	v25 =	vshll.u32 v8, $0x3;
	s12 =	sadd.s32 $0x10, s12;
	v22 =	vld.idx.msk [tilespmem:v22+s22+$0x0], $0xffff;
	[tilespmem:s1+$0x0] =	vst v23;
	s13 =	sadd.s32 $0x200, s13  }
0xba: {  	v23 =	vand.u32 $0xFFFFFC00, v25;
	v25 =	vor.u32 $0x3, v24;
	v26 =	vor.u32 $0xF, v24;
	p2 =	slt.u32 s12, $0xF0;
	[tilespmem:s1+$0xFFFFFF90] =	vst v9;
	v27 =	vld.idx.msk [tilespmem:v11+s22+$0x0], $0xffff  }
0xbb: {  	v9 =	vor.u32 $0xC, v24;
	v28 =	vadd.s32 v0, v23;
	v23 =	vadd.s32 v1, v23;
	[tilespmem:s1+$0xA0] =	vst v16;
	v16 =	vld.idx.msk [tilespmem:v6+s22+$0x0], $0xffff  }
0xbc: {  	v30 =	vor.u32 $0xD, v24;
	v29 =	vor.u32 v24, v23;
	v11 =	vor.u32 v25, v23;
	v31 =	vld.idx.msk [tilespmem:v13+s22+$0x0], $0xffff;
	[tilespmem:s1+$0xE0] =	vst v7  }
0xbd: {  	v32 =	vor.u32 $0x4, v24;
	v7 =	vor.u32 $0x1, v24;
	v33 =	vor.u32 v9, v23;
	[tilespmem:s1+$0xFFFFFF70] =	vst v2;
	v34 =	vld.idx.msk [tilespmem:v15+s22+$0x0], $0xffff  }
0xbe: {  	v35 =	vor.u32 $0xA, v24;
	v6 =	vor.u32 v26, v23;
	v15 =	vor.u32 v7, v28;
	[tilespmem:s1+$0x10] =	vst v21;
	v21 =	vld.idx.msk [tilespmem:v14+s22+$0x0], $0xffff  }
0xbf: {  	v36 =	vor.u32 v7, v23;
	v2 =	vor.u32 $0x2, v24;
	v7 =	vor.u32 v32, v23;
	v17 =	vld.idx.msk [tilespmem:v17+s22+$0x0], $0xffff;
	[tilespmem:s1+$0xD0] =	vst v4  }
0xc0: {  	v38 =	vor.u32 v30, v23;
	v37 =	vor.u32 v2, v28;
	v4 =	vor.u32 v24, v28;
	[tilespmem:s1+$0x30] =	vst v20  }
0xc1: {  	v39 =	vor.u32 v2, v23;
	v2 =	vld.idx.msk [tilespmem:v11+s22+$0x0], $0xffff;
	v11 =	vor.u32 v35, v28;
	[tilespmem:s1+$0x20] =	vst v19  }
0xc2: {  	v13 =	vor.u32 v25, v28;
	v20 =	vor.u32 v26, v28;
	v19 =	vor.u32 v30, v28;
	v25 =	vld.idx.msk [tilespmem:v33+s22+$0x0], $0xffff  }
0xc3: {  	v30 =	vor.u32 v35, v23;
	v33 =	vor.u32 v9, v28;
	v9 =	vor.u32 $0xE, v24;
	v26 =	vld.idx.msk [tilespmem:v15+s22+$0x0], $0xffff;
	[tilespmem:s1+$0xFFFFFF60] =	vst v31  }
0xc4: {  	v31 =	vor.u32 $0xB, v24;
	v15 =	vor.u32 v9, v28;
	v35 =	vor.u32 v9, v23;
	v29 =	vld.idx.msk [tilespmem:v29+s22+$0x0], $0xffff;
	[tilespmem:s1+$0xFFFFFF80] =	vst v22  }
0xc5: {  	v22 =	vor.u32 v32, v28;
	v14 =	vor.u32 v31, v28;
	v40 =	vld.idx.msk [tilespmem:v4+s22+$0x0], $0xffff;
	v4 =	vor.u32 $0x5, v24;
	[tilespmem:s1+$0x70] =	vst v17  }
0xc6: {  	v9 =	vld.idx.msk [tilespmem:v7+s22+$0x0], $0xffff;
	v32 =	vor.u32 v4, v28;
	v41 =	vor.u32 v4, v23;
	[tilespmem:s1+$0xC0] =	vst v34  }
0xc7: {  	v17 =	vor.u32 v31, v23;
	v4 =	vor.u32 $0x6, v24;
	v7 =	vld.idx.msk [tilespmem:v20+s22+$0x0], $0xffff;
	[tilespmem:s1+$0x50] =	vst v18  }
0xc8: {  	v20 =	vor.u32 v4, v28;
	v31 =	vor.u32 v4, v23;
	v18 =	vld.idx.msk [tilespmem:v37+s22+$0x0], $0xffff;
	[tilespmem:s1+$0xF0] =	vst v16  }
0xc9: {  	v16 =	vor.u32 $0x7, v24;
	v4 =	vld.idx.msk [tilespmem:v35+s22+$0x0], $0xffff;
	[tilespmem:s1+$0x60] =	vst v21  }
0xca: {  	v21 =	vor.u32 v16, v28;
	v34 =	vor.u32 v16, v23;
	v16 =	vld.idx.msk [tilespmem:v19+s22+$0x0], $0xffff;
	[tilespmem:s1+$0x40] =	vst v27  }
0xcb: {  	v27 =	vor.u32 $0x8, v24;
	v19 =	vld.idx.msk [tilespmem:v32+s22+$0x0], $0xffff;
	[tilespmem:s1+$0xFFFFFF30] =	vst v5  }
0xcc: {  	v32 =	vor.u32 v27, v28;
	v27 =	vor.u32 v27, v23;
	v5 =	vld.idx.msk [tilespmem:v41+s22+$0x0], $0xffff;
	[tilespmem:s1+$0x80] =	vst v12  }
0xcd: {  	v12 =	vld.idx.msk [tilespmem:v20+s22+$0x0], $0xffff;
	v20 =	vor.u32 $0x9, v24;
	[tilespmem:s1+$0xFFFFFF50] =	vst v3  }
0xce: {  	v3 =	vld.idx.msk [tilespmem:v31+s22+$0x0], $0xffff;
	v24 =	vor.u32 v20, v28;
	v20 =	vor.u32 v20, v23;
	[tilespmem:s1+$0xB0] =	vst v10;
	s1 =	smov.u32 s13  }
0xcf: {  	[tilespmem:s13+$0xFFFFFF00] =	vst v40;
	v10 =	vld.idx.msk [tilespmem:v21+s22+$0x0], $0xffff  }
0xd0: {  	[tilespmem:s13+$0xFFFFFF10] =	vst v29;
	v28 =	vld.idx.msk [tilespmem:v34+s22+$0x0], $0xffff  }
0xd1: {  	[tilespmem:s13+$0xFFFFFFA0] =	vst v19;
	v23 =	vld.idx.msk [tilespmem:v32+s22+$0x0], $0xffff  }
0xd2: {  	[tilespmem:s13+$0xFFFFFFB0] =	vst v5;
	v21 =	vld.idx.msk [tilespmem:v27+s22+$0x0], $0xffff  }
0xd3: {  	[tilespmem:s13+$0xFFFFFFC0] =	vst v12;
	v19 =	vld.idx.msk [tilespmem:v24+s22+$0x0], $0xffff  }
0xd4: {  	[tilespmem:s13+$0xFFFFFFD0] =	vst v3;
	v20 =	vld.idx.msk [tilespmem:v20+s22+$0x0], $0xffff  }
.Ltmp3:
0xd5: {  	v5 =	vld.idx.msk [tilespmem:v36+s22+$0x0], $0xffff;
	[tilespmem:s13+$0xFFFFFFE0] =	vst v10;
	(pc) =	sbr.rel @p2 .LBB2_5-.Ltmp3, $4  }
0xd6: {  	[tilespmem:s13+$0xFFFFFF20] =	vst v26;
	v3 =	vld.idx.msk [tilespmem:v39+s22+$0x0], $0xffff  }
0xd7: {  	[tilespmem:s13+$0xFFFFFF40] =	vst v18;
	v18 =	vld.idx.msk [tilespmem:v30+s22+$0x0], $0xffff  }
0xd8: {  	[tilespmem:s13+$0xFFFFFFF0] =	vst v28;
	v12 =	vld.idx.msk [tilespmem:v33+s22+$0x0], $0xffff  }
0xd9: {  	v8 =	vadd.s32 $0x10, v8;
	[tilespmem:s13+$0x90] =	vst v25;
	v10 =	vld.idx.msk [tilespmem:v38+s22+$0x0], $0xffff  }
0xda: {  	_ =	sdelay $0x2  }
0xdb: {  	[tilespmem:s1+$0x0] =	vst v23  }
0xdc: {  	v8 =	vld.idx.msk [tilespmem:v22+s22+$0x0], $0xffff;
	[tilespmem:s1+$0xFFFFFF90] =	vst v9  }
0xdd: {  	[tilespmem:s1+$0xA0] =	vst v16  }
0xde: {  	v6 =	vld.idx.msk [tilespmem:v6+s22+$0x0], $0xffff;
	[tilespmem:s1+$0xE0] =	vst v7  }
0xdf: {  	v60 =	vld.idx.msk [tilespmem:v13+s22+$0x0], $0xffff;
	[tilespmem:s1+$0xFFFFFF70] =	vst v2  }
0xe0: {  	[tilespmem:s1+$0x10] =	vst v21  }
0xe1: {  	v2 =	vld.idx.msk [tilespmem:v15+s22+$0x0], $0xffff;
	[tilespmem:s1+$0xD0] =	vst v4  }
0xe2: {  	[tilespmem:s1+$0x30] =	vst v20  }
0xe3: {  	[tilespmem:s1+$0x20] =	vst v19  }
0xe4: {  	[tilespmem:s1+$0xFFFFFF30] =	vst v5  }
0xe5: {  	v61 =	vld.idx.msk [tilespmem:v17+s22+$0x0], $0xffff;
	[tilespmem:s1+$0xFFFFFF50] =	vst v3  }
0xe6: {  	v63 =	vld.idx.msk [tilespmem:v11+s22+$0x0], $0xffff;
	[tilespmem:s1+$0x50] =	vst v18  }
0xe7: {  	[tilespmem:s1+$0x80] =	vst v12  }
0xe8: {  	[tilespmem:s1+$0xB0] =	vst v10  }
0xe9: {  	v62 =	vld.idx.msk [tilespmem:v14+s22+$0x0], $0xffff;
	[tilespmem:s1+$0xFFFFFF60] =	vst v60  }
0xea: {  	s30 =	sadd.s32 $0x1, s30;
	[tilespmem:s1+$0xFFFFFF80] =	vst v8  }
0xeb: {  	p2 =	sne.s32 s30, $0x3D;
	[tilespmem:s1+$0x70] =	vst v61  }
.Ltmp4:
0xec: {  	s12 =	sadd.s32 s6, s31;
	[tilespmem:s1+$0xC0] =	vst v2;
	(pc) =	sbr.rel @p2 .LBB2_2-.Ltmp4, $4  }
0xed: {  	s12 =	sshll.u32 s12, $0xA;
	[tilespmem:s1+$0xF0] =	vst v6  }
0xee: {  	s12 =	sand.u32 $0x1FFFFC00, s12;
	[tilespmem:s1+$0x60] =	vst v62  }
0xef: {  	s31 =	sadd.s32 s4, s12;
	[tilespmem:s1+$0x40] =	vst v63  }
0xf0: {  	[hbm4b:s31+s2] =	stream.linear.scatter [tilespmem:s26], [sflag:$0x2], $0x2000, $0x38;
	[tilespmem:$0x8800] =	vst v63  }
.Ltmp5:
0xf1: {  	(pc) =	sbr.rel @p0 .LBB2_11-.Ltmp5, $4  }
0xf2: {  	_ = 	snop  }
0xf3: {  	_ =	swait.ge [sflag:s28], $0x2000  }
0xf4: {  	[sflag:s28] =	ssyncset.done $0x0  }
0xf5: {  	[sflag:s28] =	ssyncadd.s32 $0xFFFFE000  }
0xf6: {  	[tilespmem:s2], [sflag:$0x1] =	stream.linear.gather [hbm4b:s10+s2], $0x800, $0x38;
	[tilespmem:$0x8800] =	vst v63  }
0xf7: {  	s1 =	rddreg [dreg:$0x4]  }
0xf8: {  	[tilespmem:s18], [sflag:$0x1] =	stream.linear.gather [hbm4b:s1+s2], $0x800, $0x38;
	[tilespmem:$0x8800] =	vst v63  }
0xf9: {  	s30 =	rddreg [dreg:$0x3]  }
0xfa: {  	[tilespmem:s19], [sflag:$0x1] =	stream.linear.gather [hbm4b:s30+s2], $0x800, $0x38;
	[tilespmem:$0x8800] =	vst v63  }
0xfb: {  	s31 =	rddreg [dreg:$0x5]  }
0xfc: {  	[tilespmem:s20], [sflag:$0x1] =	stream.linear.gather [hbm4b:s31+s2], $0x800, $0x38;
	[tilespmem:$0x8800] =	vst v63  }
0xfd: {  	_ =	swait.ge [sflag:s21], $0x800  }
0xfe: {  	[sflag:s21] =	ssyncset.done $0x0  }
0xff: {  	[sflag:s21] =	ssyncadd.s32 $0xFFFFF800  }
0x100: {  	v8 =	vimm.s32 $0x0;
	_ =	swait.ge [sflag:s21], $0x800  }
0x101: {  	v2 =	vshll.u32 v8, $0x3;
	[sflag:s21] =	ssyncset.done $0x0  }
0x102: {  	v10 =	vand.u32 $0x70, v8;
	v2 =	vand.u32 $0xFFFFFC00, v2;
	[sflag:s21] =	ssyncadd.s32 $0xFFFFF800  }
0x103: {  	v12 =	vor.u32 $0x3, v10;
	v17 =	vadd.s32 v1, v2;
	_ =	swait.ge [sflag:s21], $0x800  }
0x104: {  	v4 =	vor.u32 $0xC, v10;
	v3 =	vor.u32 v12, v17;
	[sflag:s21] =	ssyncset.done $0x0  }
0x105: {  	v5 =	vor.u32 $0x1, v10;
	v14 =	vadd.s32 v0, v2;
	v6 =	vor.u32 v4, v17;
	[sflag:s21] =	ssyncadd.s32 $0xFFFFF800  }
0x106: {  	v7 =	vor.u32 v5, v14;
	_ =	swait.ge [sflag:s21], $0x800  }
0x107: {  	v9 =	vor.u32 v10, v17;
	[sflag:s21] =	ssyncset.done $0x0  }
0x108: {  	v22 =	vor.u32 $0x4, v10;
	v11 =	vor.u32 v10, v14;
	[sflag:s21] =	ssyncadd.s32 $0xFFFFF800  }
0x109: {  	v32 =	vor.u32 $0x9, v10;
	v15 =	vor.u32 v22, v17;
	v2 =	vld.idx.msk [tilespmem:v3+s2+$0x0], $0xffff  }
0x10a: {  	v33 =	vor.u32 v32, v14;
	v32 =	vor.u32 v32, v17;
	v24 =	vld.idx.msk [tilespmem:v6+s2+$0x0], $0xffff  }
0x10b: {  	v13 =	vor.u32 $0xF, v10;
	v5 =	vor.u32 v5, v17;
	v25 =	vld.idx.msk [tilespmem:v7+s2+$0x0], $0xffff  }
0x10c: {  	v18 =	vor.u32 $0x2, v10;
	v3 =	vor.u32 v13, v14;
	v19 =	vld.idx.msk [tilespmem:v9+s2+$0x0], $0xffff  }
0x10d: {  	v26 =	vor.u32 $0xE, v10;
	v6 =	vor.u32 v18, v14;
	v11 =	vld.idx.msk [tilespmem:v11+s2+$0x0], $0xffff  }
0x10e: {  	v20 =	vor.u32 $0xD, v10;
	v16 =	vor.u32 v26, v17;
	v9 =	vld.idx.msk [tilespmem:v15+s2+$0x0], $0xffff  }
0x10f: {  	v29 =	vor.u32 $0x7, v10;
	v21 =	vor.u32 v20, v14;
	v63 =	vor.u32 v20, v17;
	v20 =	vld.idx.msk [tilespmem:v32+s2+$0x0], $0xffff  }
0x110: {  	v30 =	vor.u32 v29, v14;
	v7 =	vor.u32 $0x5, v10;
	v5 =	vld.idx.msk [tilespmem:v5+s2+$0x0], $0xffff  }
0x111: {  	v15 =	vor.u32 v7, v14;
	v23 =	vor.u32 v7, v17;
	v7 =	vld.idx.msk [tilespmem:v3+s2+$0x0], $0xffff  }
0x112: {  	v27 =	vor.u32 $0x6, v10;
	v28 =	vld.idx.msk [tilespmem:v6+s2+$0x0], $0xffff  }
0x113: {  	v6 =	vor.u32 v27, v14;
	v3 =	vld.idx.msk [tilespmem:v16+s2+$0x0], $0xffff  }
0x114: {  	s1 =	simm.s32 $0x6100;
	v27 =	vor.u32 v27, v17;
	v16 =	vld.idx.msk [tilespmem:v21+s2+$0x0], $0xffff  }
0x115: {  	v21 =	vor.u32 v29, v17;
	[tilespmem:s1+$0xFFFFFF00] =	vst v11;
	v11 =	vld.idx.msk [tilespmem:v30+s2+$0x0], $0xffff  }
0x116: {  	v15 =	vld.idx.msk [tilespmem:v15+s2+$0x0], $0xffff  }
0x117: {  	v60 =	vor.u32 $0x8, v10;
	v18 =	vor.u32 v18, v17;
	v31 =	vld.idx.msk [tilespmem:v23+s2+$0x0], $0xffff  }
0x118: {  	[tilespmem:s1+$0xFFFFFF10] =	vst v19;
	v23 =	vor.u32 v60, v14;
	v6 =	vld.idx.msk [tilespmem:v6+s2+$0x0], $0xffff  }
0x119: {  	v29 =	vor.u32 v60, v17;
	[tilespmem:s1+$0xFFFFFF20] =	vst v25;
	v27 =	vld.idx.msk [tilespmem:v27+s2+$0x0], $0xffff  }
0x11a: {  	v34 =	vor.u32 $0xA, v10;
	v62 =	vor.u32 v4, v14;
	v61 =	vld.idx.msk [tilespmem:v21+s2+$0x0], $0xffff;
	[tilespmem:s1+$0xFFFFFFE0] =	vst v11  }
0x11b: {  	v19 =	vld.idx.msk [tilespmem:v33+s2+$0x0], $0xffff;
	[tilespmem:s1+$0xFFFFFFA0] =	vst v15;
	v15 =	vor.u32 v34, v17  }
0x11c: {  	v4 =	vld.idx.msk [tilespmem:v18+s2+$0x0], $0xffff;
	[tilespmem:s1+$0xFFFFFF40] =	vst v28  }
0x11d: {  	v22 =	vor.u32 v22, v14;
	v23 =	vld.idx.msk [tilespmem:v23+s2+$0x0], $0xffff;
	[tilespmem:s1+$0xFFFFFFB0] =	vst v31  }
0x11e: {  	v21 =	vld.idx.msk [tilespmem:v29+s2+$0x0], $0xffff;
	v11 =	vor.u32 v34, v14;
	[tilespmem:s1+$0xFFFFFFC0] =	vst v6  }
0x11f: {  	v10 =	vor.u32 $0xB, v10;
	[tilespmem:s1+$0xFFFFFFD0] =	vst v27;
	v6 =	vor.u32 v13, v17;
	v13 =	vor.u32 v12, v14;
	v12 =	vld.idx.msk [tilespmem:v62+s2+$0x0], $0xffff  }
0x120: {  	[tilespmem:s1+$0xFFFFFFF0] =	vst v61;
	v17 =	vor.u32 v10, v17;
	v18 =	vld.idx.msk [tilespmem:v15+s2+$0x0], $0xffff  }
0x121: {  	s12 =	simm.s32 $0x0;
	s13 =	simm.s32 $0x6100;
	v8 =	vadd.s32 $0x10, v8;
	[tilespmem:s1+$0x90] =	vst v24;
	v15 =	vor.u32 v26, v14;
	v14 =	vor.u32 v10, v14;
	v10 =	vld.idx.msk [tilespmem:v63+s2+$0x0], $0xffff  }
.LBB2_9:
0x122: {  	v24 =	vand.u32 $0x70, v8;
	v25 =	vshll.u32 v8, $0x3;
	s12 =	sadd.s32 $0x10, s12;
	v22 =	vld.idx.msk [tilespmem:v22+s2+$0x0], $0xffff;
	[tilespmem:s1+$0x0] =	vst v23;
	s13 =	sadd.s32 $0x200, s13  }
0x123: {  	v23 =	vand.u32 $0xFFFFFC00, v25;
	v25 =	vor.u32 $0x3, v24;
	v26 =	vor.u32 $0xF, v24;
	p2 =	slt.u32 s12, $0xF0;
	[tilespmem:s1+$0xFFFFFF90] =	vst v9;
	v27 =	vld.idx.msk [tilespmem:v11+s2+$0x0], $0xffff  }
0x124: {  	v9 =	vor.u32 $0xC, v24;
	v28 =	vadd.s32 v0, v23;
	v23 =	vadd.s32 v1, v23;
	[tilespmem:s1+$0xA0] =	vst v16;
	v16 =	vld.idx.msk [tilespmem:v6+s2+$0x0], $0xffff  }
0x125: {  	v30 =	vor.u32 $0xD, v24;
	v29 =	vor.u32 v24, v23;
	v11 =	vor.u32 v25, v23;
	v31 =	vld.idx.msk [tilespmem:v13+s2+$0x0], $0xffff;
	[tilespmem:s1+$0xE0] =	vst v7  }
0x126: {  	v32 =	vor.u32 $0x4, v24;
	v7 =	vor.u32 $0x1, v24;
	v33 =	vor.u32 v9, v23;
	[tilespmem:s1+$0xFFFFFF70] =	vst v2;
	v34 =	vld.idx.msk [tilespmem:v15+s2+$0x0], $0xffff  }
0x127: {  	v35 =	vor.u32 $0xA, v24;
	v6 =	vor.u32 v26, v23;
	v15 =	vor.u32 v7, v28;
	[tilespmem:s1+$0x10] =	vst v21;
	v21 =	vld.idx.msk [tilespmem:v14+s2+$0x0], $0xffff  }
0x128: {  	v36 =	vor.u32 v7, v23;
	v2 =	vor.u32 $0x2, v24;
	v7 =	vor.u32 v32, v23;
	v17 =	vld.idx.msk [tilespmem:v17+s2+$0x0], $0xffff;
	[tilespmem:s1+$0xD0] =	vst v3  }
0x129: {  	v38 =	vor.u32 v30, v23;
	v37 =	vor.u32 v2, v28;
	v3 =	vor.u32 v24, v28;
	[tilespmem:s1+$0x30] =	vst v20  }
0x12a: {  	v39 =	vor.u32 v2, v23;
	v2 =	vld.idx.msk [tilespmem:v11+s2+$0x0], $0xffff;
	v11 =	vor.u32 v35, v28;
	[tilespmem:s1+$0x20] =	vst v19  }
0x12b: {  	v13 =	vor.u32 v25, v28;
	v20 =	vor.u32 v26, v28;
	v19 =	vor.u32 v30, v28;
	v25 =	vld.idx.msk [tilespmem:v33+s2+$0x0], $0xffff  }
0x12c: {  	v30 =	vor.u32 v35, v23;
	v33 =	vor.u32 v9, v28;
	v9 =	vor.u32 $0xE, v24;
	v26 =	vld.idx.msk [tilespmem:v15+s2+$0x0], $0xffff;
	[tilespmem:s1+$0xFFFFFF60] =	vst v31  }
0x12d: {  	v31 =	vor.u32 $0xB, v24;
	v15 =	vor.u32 v9, v28;
	v35 =	vor.u32 v9, v23;
	v29 =	vld.idx.msk [tilespmem:v29+s2+$0x0], $0xffff;
	[tilespmem:s1+$0xFFFFFF80] =	vst v22  }
0x12e: {  	v22 =	vor.u32 v32, v28;
	v14 =	vor.u32 v31, v28;
	v40 =	vld.idx.msk [tilespmem:v3+s2+$0x0], $0xffff;
	v3 =	vor.u32 $0x5, v24;
	[tilespmem:s1+$0x70] =	vst v17  }
0x12f: {  	v9 =	vld.idx.msk [tilespmem:v7+s2+$0x0], $0xffff;
	v32 =	vor.u32 v3, v28;
	v41 =	vor.u32 v3, v23;
	[tilespmem:s1+$0xC0] =	vst v34  }
0x130: {  	v17 =	vor.u32 v31, v23;
	v3 =	vor.u32 $0x6, v24;
	v7 =	vld.idx.msk [tilespmem:v20+s2+$0x0], $0xffff;
	[tilespmem:s1+$0x50] =	vst v18  }
0x131: {  	v20 =	vor.u32 v3, v28;
	v31 =	vor.u32 v3, v23;
	v18 =	vld.idx.msk [tilespmem:v37+s2+$0x0], $0xffff;
	[tilespmem:s1+$0xF0] =	vst v16  }
0x132: {  	v16 =	vor.u32 $0x7, v24;
	v3 =	vld.idx.msk [tilespmem:v35+s2+$0x0], $0xffff;
	[tilespmem:s1+$0x60] =	vst v21  }
0x133: {  	v21 =	vor.u32 v16, v28;
	v34 =	vor.u32 v16, v23;
	v16 =	vld.idx.msk [tilespmem:v19+s2+$0x0], $0xffff;
	[tilespmem:s1+$0x40] =	vst v27  }
0x134: {  	v27 =	vor.u32 $0x8, v24;
	v19 =	vld.idx.msk [tilespmem:v32+s2+$0x0], $0xffff;
	[tilespmem:s1+$0xFFFFFF30] =	vst v5  }
0x135: {  	v32 =	vor.u32 v27, v28;
	v27 =	vor.u32 v27, v23;
	v5 =	vld.idx.msk [tilespmem:v41+s2+$0x0], $0xffff;
	[tilespmem:s1+$0x80] =	vst v12  }
0x136: {  	v12 =	vld.idx.msk [tilespmem:v20+s2+$0x0], $0xffff;
	v20 =	vor.u32 $0x9, v24;
	[tilespmem:s1+$0xFFFFFF50] =	vst v4  }
0x137: {  	v4 =	vld.idx.msk [tilespmem:v31+s2+$0x0], $0xffff;
	v24 =	vor.u32 v20, v28;
	v20 =	vor.u32 v20, v23;
	[tilespmem:s1+$0xB0] =	vst v10;
	s1 =	smov.u32 s13  }
0x138: {  	[tilespmem:s13+$0xFFFFFF00] =	vst v40;
	v10 =	vld.idx.msk [tilespmem:v21+s2+$0x0], $0xffff  }
0x139: {  	[tilespmem:s13+$0xFFFFFF10] =	vst v29;
	v28 =	vld.idx.msk [tilespmem:v34+s2+$0x0], $0xffff  }
0x13a: {  	[tilespmem:s13+$0xFFFFFFA0] =	vst v19;
	v23 =	vld.idx.msk [tilespmem:v32+s2+$0x0], $0xffff  }
0x13b: {  	[tilespmem:s13+$0xFFFFFFB0] =	vst v5;
	v21 =	vld.idx.msk [tilespmem:v27+s2+$0x0], $0xffff  }
0x13c: {  	[tilespmem:s13+$0xFFFFFFC0] =	vst v12;
	v19 =	vld.idx.msk [tilespmem:v24+s2+$0x0], $0xffff  }
0x13d: {  	[tilespmem:s13+$0xFFFFFFD0] =	vst v4;
	v20 =	vld.idx.msk [tilespmem:v20+s2+$0x0], $0xffff  }
.Ltmp6:
0x13e: {  	v5 =	vld.idx.msk [tilespmem:v36+s2+$0x0], $0xffff;
	[tilespmem:s13+$0xFFFFFFE0] =	vst v10;
	(pc) =	sbr.rel @p2 .LBB2_9-.Ltmp6, $4  }
0x13f: {  	[tilespmem:s13+$0xFFFFFF20] =	vst v26;
	v4 =	vld.idx.msk [tilespmem:v39+s2+$0x0], $0xffff  }
0x140: {  	[tilespmem:s13+$0xFFFFFF40] =	vst v18;
	v18 =	vld.idx.msk [tilespmem:v30+s2+$0x0], $0xffff  }
0x141: {  	[tilespmem:s13+$0xFFFFFFF0] =	vst v28;
	v12 =	vld.idx.msk [tilespmem:v33+s2+$0x0], $0xffff  }
0x142: {  	v8 =	vadd.s32 $0x10, v8;
	[tilespmem:s13+$0x90] =	vst v25;
	v10 =	vld.idx.msk [tilespmem:v38+s2+$0x0], $0xffff  }
0x143: {  	_ =	sdelay $0x2  }
0x144: {  	[tilespmem:s1+$0x0] =	vst v23  }
0x145: {  	v8 =	vld.idx.msk [tilespmem:v22+s2+$0x0], $0xffff;
	[tilespmem:s1+$0xFFFFFF90] =	vst v9  }
0x146: {  	[tilespmem:s1+$0xA0] =	vst v16  }
0x147: {  	v6 =	vld.idx.msk [tilespmem:v6+s2+$0x0], $0xffff;
	[tilespmem:s1+$0xE0] =	vst v7  }
0x148: {  	v61 =	vld.idx.msk [tilespmem:v13+s2+$0x0], $0xffff;
	[tilespmem:s1+$0xFFFFFF70] =	vst v2  }
0x149: {  	[tilespmem:s1+$0x10] =	vst v21  }
0x14a: {  	v2 =	vld.idx.msk [tilespmem:v15+s2+$0x0], $0xffff;
	[tilespmem:s1+$0xD0] =	vst v3  }
0x14b: {  	[tilespmem:s1+$0x30] =	vst v20  }
0x14c: {  	[tilespmem:s1+$0x20] =	vst v19  }
0x14d: {  	[tilespmem:s1+$0xFFFFFF30] =	vst v5  }
0x14e: {  	v62 =	vld.idx.msk [tilespmem:v17+s2+$0x0], $0xffff;
	[tilespmem:s1+$0xFFFFFF50] =	vst v4  }
0x14f: {  	v63 =	vld.idx.msk [tilespmem:v11+s2+$0x0], $0xffff;
	[tilespmem:s1+$0x50] =	vst v18  }
0x150: {  	[tilespmem:s1+$0x80] =	vst v12  }
0x151: {  	[tilespmem:s1+$0xB0] =	vst v10  }
0x152: {  	v3 =	vld.idx.msk [tilespmem:v14+s2+$0x0], $0xffff;
	[tilespmem:s1+$0xFFFFFF60] =	vst v61  }
0x153: {  	[tilespmem:s1+$0xFFFFFF80] =	vst v8  }
0x154: {  	[tilespmem:s1+$0x70] =	vst v62  }
0x155: {  	[tilespmem:s1+$0xC0] =	vst v2  }
0x156: {  	[tilespmem:s1+$0xF0] =	vst v6  }
0x157: {  	[tilespmem:s1+$0x60] =	vst v3  }
.Ltmp7:
0x158: {  	[tilespmem:s1+$0x40] =	vst v63;
	(pc) =	sbr.rel .LBB2_11-.Ltmp7, $4  }
0x159: {  	[hbm4b:s15+s2] =	stream.linear.scatter [tilespmem:s26], [sflag:$0x2], $0x2000, $0x38;
	[tilespmem:$0x8800] =	vst v63  }
0x15a: {  	_ =	swait.ge [sflag:s28], $0x2000  }
0x15b: {  	[sflag:s28] =	ssyncset.done $0x0  }
0x15c: {  	[sflag:s28] =	ssyncadd.s32 $0xFFFFE000  }
.LBB2_12:
0x15d: {  	_ =	sfence.sel $0x180000  }
0x15e: {  	[bflag:$0x0] =	sbarrier.arrive $0xFFFF  }
0x15f: {  	_ =	strace $0x90000047  }
0x160: {  	[bflag:$0x2] =	sbarrier.arrive $0xFFFF  }
0x161: {  	s0 =	rddreg [dreg:$0x2]  }
0x162: {  	s0 =	sadd.s32 @!p0 $0x100000, s0  }
0x163: {  	[sflag:s0] =	ssyncadd.tile.s32 @!p0 $0x1;
	_ =	shalt  }
.Lfunc_end2:
_tile_overlayer_lowered:
.L_overlay_start_2:
0x164: {  	(tag) =	ssettag $0x2  }
0x165: {  	s0 =	rddreg [dreg:$0x0];
	s2 =	stileid.u32  }
0x166: {  	s1 =	rddreg [dreg:$0x1];
	p0 =	sne.s32 s2, $0x0  }
0x167: {  	s3 =	rddreg [dreg:$0x2];
	[bflag:$0x3] =	sbarrier.arrive $0xFFFF;
	s2 =	simm.s32 @!p0 $0x1C03  }
0x168: {  	[timem:s3], [sflag:s2] =	dma.local @!p0 [hbm:s0], s1  }
0x169: {  	s0 =	simm.s32 @!p0 $0x3  }
0x16a: {  	_ =	swait.ge @!p0 [sflag:s0], s1  }
0x16b: {  	s1 =	ssub.s32 @!p0 $0x0, s1;
	[sflag:s0] =	ssyncset.done @!p0 $0x0  }
0x16c: {  	[sflag:s0] =	ssyncadd.s32 @!p0 s1  }
0x16d: {  	[bflag:$0x3] =	sbarrier.arrive $0xFFFF  }
0x16e: {  	_ =	shalt  }

// kernel: kernel.7.cloned.1.call-start
scs
__scs_entry_jumppad:
0x0: {  	(pc) =	sbr.rel $0x88, $3  }
0x1: {  	(tag) =	ssettag $0x0;
	lr =	simm.s32 $0x1  }
0x2: {  	[smem:$0x3F9F] =	sst lr;
	_ =	strace $0xD0000000  }
0x3: {  	_ = 	snop  }
0x4: {  	_ = 	snop  }
0x5: {  	_ = 	snop  }
0x6: {  	_ = 	snop  }
0x7: {  	_ = 	snop  }
__scs_overlays_trampoline_lowered:
0x8: {  	[smem:$0x3FAE] =	sst s0  }
0x9: {  	[smem:$0x3FAF] =	sst s1  }
0xa: {  	[smem:$0x3FB0] =	sst s2  }
0xb: {  	[smem:$0x3FB1] =	sst s3  }
0xc: {  	[smem:$0x3FB2] =	sst s4  }
0xd: {  	[smem:$0x3FB3] =	sst s5  }
0xe: {  	[smem:$0x3FB4] =	sst s6  }
0xf: {  	[smem:$0x3FB5] =	sst s7  }
0x10: {  	[smem:$0x3FB6] =	sst s8  }
0x11: {  	[smem:$0x3FB7] =	sst s9;
	s0 =	simm.s32 @!p0 $0x0  }
0x12: {  	s1 =	sld [smem:$0x3F9D];
	s0 =	simm.s32 @p0 $0x1  }
0x13: {  	[smem:$0x3FB8] =	sst s0;
	s0 =	simm.s32 @!p1 $0x0  }
0x14: {  	s2 =	sld [smem:$0x3F9C];
	s0 =	simm.s32 @p1 $0x1  }
0x15: {  	[smem:$0x3FB9] =	sst s0;
	s0 =	simm.s32 @!p2 $0x0  }
0x16: {  	s3 =	sld [smem:$0x3FDB];
	s0 =	simm.s32 @p2 $0x1  }
0x17: {  	s4 =	simm.s32 $0x1BF5;
	[smem:$0x3FBB] =	sst s0  }
0x18: {  	s0 =	sld [smem:$0x3F9E];
	_ =	swait.ge [sflag:s4], $0x0  }
0x19: {  	s7 =	sld [smem:$0x3F9F]  }
0x1a: {  	s8 =	sadd.s32 $0xFFFFE003, lr  }
0x1b: {  	s9 =	sadd.s32 $0xFFFFFEF7, lr;
	s5 =	simm.s32 $0xFFFFFFFF;
	p2 =	slt.u32 s8, $0xFFFFF086  }
0x1c: {  	p1 =	slt.u32 s9, $0xF7A;
	s5 =	simm.s32 @!p2 $0x0  }
0x1d: {  	s5 =	simm.s32 @p1 $0x1;
	p0 =	seq.s32 s7, s2  }
0x1e: {  	s7 =	smul.u32 @!p0 $0xF7A, s2;
	p2 =	seq.s32 @!p0 s5, $0x0  }
0x1f: {  	s9 =	smul.u32 $0xF7A, s1;
	s8 =	simm.s32 @!p0 $0x1BF5;
	p2 =	por !p2, p0  }
0x20: {  	[sflag:s8] =	ssyncset.s32 @!p0 $0xFFFFF086;
	s6 =	sadd.s32 @!p0 s3, s7;
	s7 =	simm.s32 @!p0 $0x108  }
0x21: {  	s3 =	sadd.s32 s3, s9;
	s6 =	sadd.s32 @!p0 $0x88, s6;
	s7 =	simm.s32 @p2 $0x1082  }
0x22: {  	[simem:s7], [sflag:s8] =	dma.local @!p0 [hbm:s6], $0xF7A  }
0x23: {  	s9 =	sor.u32 $0xD0000000, s2;
	s6 =	simm.s32 $0x108;
	_ =	swait.ge @!p0 [sflag:s8], $0x0  }
0x24: {  	s3 =	sadd.s32 $0x88, s3;
	s6 =	simm.s32 @!p1 $0x1082;
	[sflag:s4] =	ssyncset.s32 $0xFFFFF086  }
0x25: {  	[simem:s6], [sflag:s4] =	dma.local [hbm:s3], $0xF7A  }
0x26: {  	[smem:$0x3F9F] =	sst s1;
	(tag) =	ssettag s2;
	_ =	strace s9  }
0x27: {  	s1 =	sld [smem:$0x3FAF]  }
0x28: {  	s2 =	sld [smem:$0x3FB0]  }
0x29: {  	s4 =	sld [smem:$0x3FB2]  }
0x2a: {  	p0 =	seq.s32 s5, $0x0;
	s5 =	sld [smem:$0x3FB3]  }
0x2b: {  	s6 =	sld [smem:$0x3FB4]  }
0x2c: {  	s7 =	sld [smem:$0x3FB5]  }
0x2d: {  	s3 =	simm.s32 $0x108;
	s8 =	sld [smem:$0x3FB6]  }
0x2e: {  	s3 =	simm.s32 @!p0 $0x1082;
	s9 =	sld [smem:$0x3FB7]  }
0x2f: {  	lr =	sadd.s32 s0, s3;
	s0 =	sld [smem:$0x3FAE]  }
0x30: {  	s3 =	sld [smem:$0x3FB1]  }
0x31: {  	[smem:$0x3FBA] =	sst s10  }
0x32: {  	s10 =	sld [smem:$0x3FB8];
	_ =	sdelay $0x3  }
0x33: {  	p0 =	seq.s32 s10, $0x1;
	s10 =	sld [smem:$0x3FBA];
	_ =	sdelay $0x3  }
0x34: {  	[smem:$0x3FBA] =	sst s10  }
0x35: {  	s10 =	sld [smem:$0x3FB9];
	_ =	sdelay $0x3  }
0x36: {  	p1 =	seq.s32 s10, $0x1;
	s10 =	sld [smem:$0x3FBA];
	_ =	sdelay $0x3  }
0x37: {  	[smem:$0x3FBA] =	sst s10  }
0x38: {  	s10 =	sld [smem:$0x3FBB]  }
0x39: {  	_ = 	snop;
	(pc) =	sbr.ind lr, $3  }
0x3a: {  	_ = 	snop  }
0x3b: {  	_ = 	snop  }
0x3c: {  	p2 =	seq.s32 s10, $0x1;
	s10 =	sld [smem:$0x3FBA]  }
0x3d: {  	_ =	shalt  }
0x3e: {  	_ =	shalt  }
0x3f: {  	_ =	shalt  }
0x40: {  	_ =	shalt  }
0x41: {  	_ =	shalt  }
0x42: {  	_ =	shalt  }
0x43: {  	_ =	shalt  }
0x44: {  	_ =	shalt  }
0x45: {  	_ =	shalt  }
0x46: {  	_ =	shalt  }
0x47: {  	_ =	shalt  }
0x48: {  	_ =	shalt  }
0x49: {  	_ =	shalt  }
0x4a: {  	_ =	shalt  }
0x4b: {  	_ =	shalt  }
0x4c: {  	_ =	shalt  }
0x4d: {  	_ =	shalt  }
0x4e: {  	_ =	shalt  }
0x4f: {  	_ =	shalt  }
0x50: {  	_ =	shalt  }
0x51: {  	_ =	shalt  }
0x52: {  	_ =	shalt  }
0x53: {  	_ =	shalt  }
0x54: {  	_ =	shalt  }
0x55: {  	_ =	shalt  }
0x56: {  	_ =	shalt  }
0x57: {  	_ =	shalt  }
0x58: {  	_ =	shalt  }
0x59: {  	_ =	shalt  }
0x5a: {  	_ =	shalt  }
0x5b: {  	_ =	shalt  }
0x5c: {  	_ =	shalt  }
0x5d: {  	_ =	shalt  }
0x5e: {  	_ =	shalt  }
0x5f: {  	_ =	shalt  }
0x60: {  	_ =	shalt  }
0x61: {  	_ =	shalt  }
0x62: {  	_ =	shalt  }
0x63: {  	_ =	shalt  }
0x64: {  	_ =	shalt  }
0x65: {  	_ =	shalt  }
0x66: {  	_ =	shalt  }
0x67: {  	_ =	shalt  }
0x68: {  	_ =	shalt  }
0x69: {  	_ =	shalt  }
0x6a: {  	_ =	shalt  }
0x6b: {  	_ =	shalt  }
0x6c: {  	_ =	shalt  }
0x6d: {  	_ =	shalt  }
0x6e: {  	_ =	shalt  }
0x6f: {  	_ =	shalt  }
0x70: {  	_ =	shalt  }
0x71: {  	_ =	shalt  }
0x72: {  	_ =	shalt  }
0x73: {  	_ =	shalt  }
0x74: {  	_ =	shalt  }
0x75: {  	_ =	shalt  }
0x76: {  	_ =	shalt  }
0x77: {  	_ =	shalt  }
0x78: {  	_ =	shalt  }
0x79: {  	_ =	shalt  }
0x7a: {  	_ =	shalt  }
0x7b: {  	_ =	shalt  }
0x7c: {  	_ =	shalt  }
0x7d: {  	_ =	shalt  }
0x7e: {  	_ =	shalt  }
0x7f: {  	_ =	shalt  }
0x80: {  	_ =	shalt  }
0x81: {  	_ =	shalt  }
0x82: {  	_ =	shalt  }
0x83: {  	_ =	shalt  }
0x84: {  	_ =	shalt  }
0x85: {  	_ =	shalt  }
0x86: {  	_ =	shalt  }
0x87: {  	_ =	shalt  }
.Lfunc_end0:
.L_simem_size_0:
called_computation.1_lowered:
.L_overlay_start_0:
0x88: {  	s2 =	sld [smem:$0x3FD9]  }
0x89: {  	s3 =	sld [smem:$0x3FFE];
	_ =	sdelay $0x1  }
0x8a: {  	s1 =	srdreg.scid  }
0x8b: {  	s0 =	sand.u32 $0x1, s1  }
0x8c: {  	s17 =	sshll.u32 s0, $0xA;
	s2 =	sadd.s32 s3, s2  }
0x8d: {  	s2 =	sadd.s32 s2, s17  }
0x8e: {  	[smem:$0x3FC6] =	sst s2  }
0x8f: {  	_ = 	snop  }
0x90: {  	s2 =	sld [smem:$0x3FD0];
	(tm) =	ssettm $0x1  }
0x91: {  	s18 =	sld [smem:$0x3FFB];
	_ =	sdelay $0x3  }
0x92: {  	_ =	strace s18  }
0x93: {  	s3 =	sld [smem:$0x3FFC];
	_ =	sdelay $0x3  }
0x94: {  	_ =	strace s3  }
0x95: {  	s3 =	sld [smem:$0x3FFD];
	_ =	sdelay $0x3  }
0x96: {  	_ =	strace s3  }
0x97: {  	_ =	strace $0x8FFFFFFF  }
0x98: {  	s19 =	sld [smem:$0x3FDB];
	_ =	sdelay $0x1  }
0x99: {  	s4 =	simm.s32 $_scs_section_size  }
0x9a: {  	s5 =	simm.s32 $_size__tile_overlayer_lowered;
	s6 =	simm.s32 $_tile_overlayer_lowered  }
0x9b: {  	s22 =	simm.s32 $0x1BFF;
	s21 =	sshll.u32 s6, $0x1;
	s3 =	sadd.s32 s4, s19  }
0x9c: {  	s7 =	simm.s32 $0x0;
	s20 =	sshll.u32 s5, $0x1;
	s5 =	sadd.s32 s21, s3  }
0x9d: {  	[timem:s7], [sflag:s22] =	dma.local [hbm:s5], s20  }
0x9e: {  	_ =	swait.ge [sflag:s22], s20  }
0x9f: {  	s4 =	ssub.s32 $0x0, s20;
	[sflag:s22] =	ssyncset.done $0x0  }
0xa0: {  	[sflag:s22] =	ssyncadd.s32 s4;
	_ =	sdelay $0x1  }
0xa1: {  	s23 =	simm.s32 $0x1B8B  }
0xa2: {  	_ =	swait.ge [sflag:s23], $0x1  }
0xa3: {  	[sflag:s23] =	ssyncset.done $0x0  }
0xa4: {  	s25 =	simm.s32 $0x1B8E;
	s24 =	sld [smem:$0x3FFE];
	[sflag:s23] =	ssyncadd.s32 $0xFFFFFFFF  }
0xa5: {  	s26 =	simm.s32 $execute0_lowered;
	[smem:$0x3FD2] =	sst s25  }
0xa6: {  	s5 =	sshll.u32 s26, $0x1;
	_ =	strace $0x80000049;
	[dreg:$0x1] =	wrdreg $0xFFFFFFFF  }
0xa7: {  	s28 =	simm.s32 $_size_execute0_lowered;
	s3 =	sadd.s32 s3, s5;
	[dreg:$0x0] =	wrdreg $0x0  }
0xa8: {  	s5 =	sshll.u32 s28, $0x1;
	[dreg:$0x2] =	wrdreg s3  }
0xa9: {  	[dreg:$0x3] =	wrdreg s5  }
0xaa: {  	[dreg:$0x4] =	wrdreg $0xC0  }
0xab: {  	_ =	task [dreg:s7], $0x5FFFF  }
0xac: {  	[dreg:$0x1] =	wrdreg $0xFFFFFFFF  }
0xad: {  	[dreg:$0x0] =	wrdreg $0x60  }
0xae: {  	[dreg:$0x2] =	wrdreg s2  }
0xaf: {  	[dreg:$0x3] =	wrdreg s24  }
0xb0: {  	[dreg:$0x4] =	wrdreg $0x9  }
0xb1: {  	_ =	task.clear_ibuf [dreg:s7], $0x5FFFF;
	_ =	strace $0x90000049  }
0xb2: {  	s29 =	simm.s32 $0x9;
	_ =	strace $0x8000004B  }
0xb3: {  	_ =	swait.ge [sflag:s29], $0x1  }
0xb4: {  	[sflag:s29] =	ssyncadd.s32 $0xFFFFFFFF  }
0xb5: {  	_ =	strace $0x9000004B  }
0xb6: {  	_ =	sfence  }
0xb7: {  	s30 =	sld [smem:$0x0];
	_ =	sdelay $0x2  }
0xb8: {  	s31 =	sshll.u32 s1, $0xD;
	s1 =	sshrl.u32 s1, $0x2  }
0xb9: {  	s3 =	sand.u32 $0x4000, s31;
	s1 =	sadd.s32 s1, s30  }
0xba: {  	s0 =	sor.u32 s3, s0;
	s1 =	sshll.u32 s1, $0x11  }
0xbb: {  	s0 =	sor.u32 s1, s0  }
0xbc: {  	s0 =	sadd.s32 $0x8F2B, s0  }
0xbd: {  	[sflag:s0] =	ssyncadd.remote.s32 $0x1  }
0xbe: {  	_ =	sfence.sel $0xFFFF  }
0xbf: {  	[dreg:$0x0] =	wrdreg $0xFFFFFFFF;
	(pc) =	sbr.abs _section_cstart, $3  }
0xc0: {  	[dreg:$0x1] =	wrdreg $0xFFFFFFFF  }
0xc1: {  	_ =	task.clear_ibuf [dreg:s7], $0x2FFFF;
	_ =	strace $0x9FFFFFFF  }
0xc2: {  	(tm) =	ssettm $0x7FFFFFFF  }
0xc3: {  	_ =	shalt  }
tec
execute0_lowered:
.L_overlay_start_1:
0x0: {  	(tag) =	ssettag $0x1  }
0x1: {  	s0 =	rddreg [dreg:$0x0];
	v0 =	vlaneseq.u32  }
0x2: {  	s1 =	rddreg [dreg:$0x1];
	v0 =	vmul.u32 $0x208, v0  }
0x3: {  	s3 =	srdreg.scid;
	s4 =	stileid.u32  }
0x4: {  	s2 =	simm.s32 $0x0;
	s10 =	simm.s32 $0x4;
	s11 =	simm.s32 $0x80;
	v1 =	vadd.s32 $0x2080, v0  }
0x5: {  	s17 =	simm.s32 $0x3400;
	s18 =	simm.s32 $0x200;
	s19 =	simm.s32 $0x2;
	v2 =	vor.u32 $0x1, v0;
	v3 =	vadd.s32 $0x2081, v0;
	v4 =	vor.u32 $0x2, v0  }
0x6: {  	s20 =	simm.s32 $0x1;
	s21 =	simm.s32 $0x4400;
	s22 =	simm.s32 $0x280;
	v5 =	vadd.s32 $0x2082, v0;
	v6 =	vor.u32 $0x3, v0;
	v7 =	vadd.s32 $0x2083, v0  }
0x7: {  	s23 =	simm.s32 $0x5400;
	s24 =	simm.s32 $0x300;
	s25 =	simm.s32 $0x6400;
	v8 =	vor.u32 $0x4, v0;
	v9 =	vadd.s32 $0x2084, v0;
	v10 =	vor.u32 $0x5, v0  }
0x8: {  	s28 =	simm.s32 $0x7400;
	s29 =	simm.s32 $0x8400;
	s30 =	simm.s32 $0x3;
	v11 =	vadd.s32 $0x2085, v0;
	v12 =	vor.u32 $0x6, v0;
	v13 =	vadd.s32 $0x2086, v0  }
0x9: {  	s31 =	simm.s32 $0x0;
	s3 =	sand.u32 $0x1, s3;
	s4 =	sshll.u32 s4, $0x1;
	v14 =	vor.u32 $0x7, v0;
	v15 =	vadd.s32 $0x2087, v0;
	v16 =	vadd.s32 $0x8, v0  }
0xa: {  	[smem:$0x7FF] =	sst s2;
	s8 =	sadd.s32 $0x80, s0;
	s5 =	sor.u32 s3, s4;
	v17 =	vadd.s32 $0x2088, v0;
	v18 =	vadd.s32 $0x9, v0;
	v19 =	vadd.s32 $0x2089, v0  }
0xb: {  	_ =	strace $0x8000004A;
	s6 =	ssub.s32 $0x2, s3;
	s7 =	smul.u32 $0xC80, s5;
	v20 =	vadd.s32 $0xA, v0;
	v21 =	vadd.s32 $0x208A, v0;
	v22 =	vadd.s32 $0xB, v0  }
0xc: {  	s3 =	sadd.s32 $0xC00, s1;
	s4 =	sadd.s32 $0x3D1600, s1;
	s26 =	sshrl.u32 s6, $0x1;
	v23 =	vadd.s32 $0x208B, v0;
	v24 =	vadd.s32 $0xC, v0;
	v25 =	vadd.s32 $0x208C, v0  }
0xd: {  	s5 =	smul.u32 $0x32, s5;
	v26 =	vadd.s32 $0xD, v0;
	v27 =	vadd.s32 $0x208D, v0;
	v28 =	vadd.s32 $0xE, v0;
	s1 =	ssub.s32 s6, s26;
	s6 =	sadd.s32 s0, s7  }
0xe: {  	v29 =	vadd.s32 $0x208E, v0;
	v30 =	vadd.s32 $0xF, v0;
	v31 =	vadd.s32 $0x208F, v0;
	s26 =	simm.s32 $0x380;
	s9 =	smax.u32 s1, $0x1;
	s7 =	sadd.s32 $0x40, s6  }
.LBB2_1:
0xf: {  	[tilespmem:s2], [sflag:$0x4] =	stream.linear.gather [hbm4b:s6+s2], $0x200, $0x38;
	[tilespmem:$0xC500] =	vst v63  }
0x10: {  	_ =	swait.ge [sflag:s10], $0x200  }
0x11: {  	[sflag:s10] =	ssyncset.done $0x0  }
0x12: {  	s0 =	simm.s32 $0x400;
	[sflag:s10] =	ssyncadd.s32 $0xFFFFFE00  }
0x13: {  	[tilespmem:s0], [sflag:$0x2] =	stream.indirect.gather [hbm4b:s3+s11], $0x20, s2, s11, $0xb8;
	[tilespmem:$0xC500] =	vst v63  }
0x14: {  	s14 =	simm.s32 $0x1400  }
0x15: {  	[tilespmem:s14], [sflag:$0x2] =	stream.indirect.gather [hbm4b:s3+s11], $0x20, s11, s11, $0xb8;
	[tilespmem:$0xC500] =	vst v63  }
0x16: {  	s15 =	simm.s32 $0x100;
	s1 =	simm.s32 $0x2400  }
0x17: {  	[tilespmem:s1], [sflag:$0x2] =	stream.indirect.gather [hbm4b:s3+s11], $0x20, s15, s11, $0xb8;
	[tilespmem:$0xC500] =	vst v63  }
0x18: {  	s16 =	simm.s32 $0x180  }
0x19: {  	[tilespmem:s17], [sflag:$0x2] =	stream.indirect.gather [hbm4b:s3+s11], $0x20, s16, s11, $0xb8;
	[tilespmem:$0xC500] =	vst v63  }
0x1a: {  	s0 =	simm.s32 $0x0  }
0x1b: {  	[tilespmem:s18], [sflag:$0x1] =	stream.linear.gather [hbm4b:s7+s2], $0x200, $0x38;
	[tilespmem:$0xC500] =	vst v63  }
.LBB2_2:
0x1c: {  	_ =	swait.ge [sflag:s19], $0x1000  }
0x1d: {  	[sflag:s19] =	ssyncset.done $0x0  }
0x1e: {  	[sflag:s19] =	ssyncadd.s32 $0xFFFFF000  }
0x1f: {  	_ =	swait.ge [sflag:s19], $0x1000  }
0x20: {  	[sflag:s19] =	ssyncset.done $0x0  }
0x21: {  	[sflag:s19] =	ssyncadd.s32 $0xFFFFF000  }
0x22: {  	_ =	swait.ge [sflag:s19], $0x1000  }
0x23: {  	[sflag:s19] =	ssyncset.done $0x0  }
0x24: {  	[sflag:s19] =	ssyncadd.s32 $0xFFFFF000  }
0x25: {  	_ =	swait.ge [sflag:s19], $0x1000  }
0x26: {  	[sflag:s19] =	ssyncset.done $0x0  }
0x27: {  	[sflag:s19] =	ssyncadd.s32 $0xFFFFF000  }
0x28: {  	_ =	swait.ge [sflag:s20], $0x200  }
0x29: {  	[sflag:s20] =	ssyncset.done $0x0  }
0x2a: {  	[sflag:s20] =	ssyncadd.s32 $0xFFFFFE00  }
0x2b: {  	[tilespmem:s21], [sflag:$0x2] =	stream.indirect.gather [hbm4b:s3+s11], $0x20, s18, s11, $0xb8;
	[tilespmem:$0xC500] =	vst v63  }
0x2c: {  	s1 =	sshll.u32 s0, $0x1  }
0x2d: {  	[tilespmem:s23], [sflag:$0x2] =	stream.indirect.gather [hbm4b:s3+s11], $0x20, s22, s11, $0xb8;
	[tilespmem:$0xC500] =	vst v63  }
0x2e: {  	p0 =	seq.s32 s0, $0x18;
	s12 =	sadd.s32 s5, s1  }
0x2f: {  	[tilespmem:s25], [sflag:$0x2] =	stream.indirect.gather [hbm4b:s3+s11], $0x20, s24, s11, $0xb8;
	[tilespmem:$0xC500] =	vst v63  }
0x30: {  	p1 =	seq.s32 @!p0 s0, $0x0;
	s13 =	sshll.u32 @!p0 s12, $0x6  }
0x31: {  	[tilespmem:s28], [sflag:$0x2] =	stream.indirect.gather [hbm4b:s3+s11], $0x20, s26, s11, $0xb8;
	[tilespmem:$0xC500] =	vst v63  }
0x32: {  	s14 =	simm.s32 @!p0 $0x0;
	p1 =	por p0, !p1;
	s13 =	sadd.s32 @!p0 s13, s8  }
0x33: {  	[tilespmem:s14], [sflag:$0x1] =	stream.linear.gather @!p0 [hbm4b:s13+s14], $0x200, $0x38;
	[tilespmem:$0xC500] =	vst v63  }
0x34: {  	_ =	swait.ge @p1 [sflag:s30], $0x4000  }
0x35: {  	[sflag:s30] =	ssyncset.done @p1 $0x0  }
0x36: {  	s15 =	simm.s32 $0x410;
	s16 =	simm.s32 $0x0;
	[sflag:s30] =	ssyncadd.s32 @p1 $0xFFFFC000  }
0x37: {  	s14 =	sand.u32 $0x3E00, s16;
	v34 =	vld [tilespmem:s15+$0xFFFFFFF0]  }
0x38: {  	v39 =	vld [tilespmem:s14+$0x530]  }
0x39: {  	v40 =	vld [tilespmem:s14+$0x4F0]  }
0x3a: {  	v35 =	vld [tilespmem:s14+$0x510]  }
0x3b: {  	v41 =	vld [tilespmem:s14+$0x420]  }
0x3c: {  	v37 =	vld [tilespmem:s14+$0x520]  }
0x3d: {  	v33 =	vld [tilespmem:s14+$0x500]  }
0x3e: {  	v32 =	vimm.s32 $0x0;
	v36 =	vld [tilespmem:s14+$0x4E0]  }
0x3f: {  	v38 =	vadd.s32 v16, v32;
	v42 =	vld [tilespmem:s14+$0x470]  }
0x40: {  	v43 =	vadd.s32 v14, v32;
	v44 =	vld [tilespmem:s14+$0x490]  }
0x41: {  	v45 =	vadd.s32 v12, v32;
	v46 =	vld [tilespmem:s14+$0x4C0]  }
0x42: {  	v47 =	vadd.s32 v10, v32;
	v48 =	vld [tilespmem:s14+$0x4A0]  }
0x43: {  	v49 =	vadd.s32 v6, v32;
	v50 =	vld [tilespmem:s14+$0x460]  }
0x44: {  	v51 =	vadd.s32 v8, v32;
	v52 =	vld [tilespmem:s14+$0x480];
	[tilespmem:v38+s29+$0x0] =	vst.idx.msk $0xffff, v33  }
0x45: {  	v62 =	vadd.s32 v18, v32;
	v53 =	vld [tilespmem:s14+$0x4D0];
	[tilespmem:v43+s29+$0x0] =	vst.idx.msk $0xffff, v36  }
0x46: {  	v57 =	vadd.s32 v7, v32;
	v54 =	vld [tilespmem:s14+$0x4B0];
	[tilespmem:v45+s29+$0x0] =	vst.idx.msk $0xffff, v46  }
0x47: {  	v58 =	vadd.s32 v11, v32;
	v55 =	vld [tilespmem:s14+$0x580];
	[tilespmem:v47+s29+$0x0] =	vst.idx.msk $0xffff, v48  }
0x48: {  	v59 =	vadd.s32 v9, v32;
	v47 =	vld [tilespmem:s14+$0x560];
	[tilespmem:v49+s29+$0x0] =	vst.idx.msk $0xffff, v50  }
0x49: {  	v60 =	vadd.s32 v17, v32;
	[tilespmem:v51+s29+$0x0] =	vst.idx.msk $0xffff, v52;
	v38 =	vld [tilespmem:s14+$0x5A0]  }
0x4a: {  	v61 =	vadd.s32 v13, v32;
	v36 =	vld [tilespmem:s14+$0x570];
	[tilespmem:v62+s29+$0x0] =	vst.idx.msk $0xffff, v37  }
0x4b: {  	v63 =	vadd.s32 v15, v32;
	v33 =	vld [tilespmem:s14+$0x450];
	[tilespmem:v57+s29+$0x0] =	vst.idx.msk $0xffff, v42  }
0x4c: {  	v37 =	vld [tilespmem:s14+$0x5B0];
	[tilespmem:v58+s29+$0x0] =	vst.idx.msk $0xffff, v54;
	v58 =	vadd.s32 v19, v32  }
0x4d: {  	v45 =	vld [tilespmem:s14+$0x5E0];
	[tilespmem:v59+s29+$0x0] =	vst.idx.msk $0xffff, v44;
	v59 =	vadd.s32 v2, v32  }
0x4e: {  	v46 =	vld [tilespmem:s15+$0x0];
	[tilespmem:v60+s29+$0x0] =	vst.idx.msk $0xffff, v35;
	v60 =	vadd.s32 v0, v32  }
0x4f: {  	v43 =	vld [tilespmem:s14+$0x540];
	[tilespmem:v61+s29+$0x0] =	vst.idx.msk $0xffff, v53;
	v61 =	vadd.s32 v22, v32  }
0x50: {  	v57 =	vld [tilespmem:s14+$0x430];
	[tilespmem:v63+s29+$0x0] =	vst.idx.msk $0xffff, v40;
	v63 =	vadd.s32 v24, v32  }
0x51: {  	v62 =	vadd.s32 v3, v32;
	v35 =	vld [tilespmem:s14+$0x590];
	[tilespmem:v58+s29+$0x0] =	vst.idx.msk $0xffff, v39  }
0x52: {  	v50 =	vadd.s32 v30, v32;
	v42 =	vld [tilespmem:s14+$0x5C0];
	[tilespmem:v59+s29+$0x0] =	vst.idx.msk $0xffff, v41  }
0x53: {  	v52 =	vadd.s32 v1, v32;
	v40 =	vld [tilespmem:s14+$0x440];
	[tilespmem:v60+s29+$0x0] =	vst.idx.msk $0xffff, v34  }
0x54: {  	v51 =	vadd.s32 v28, v32;
	v44 =	vld [tilespmem:s14+$0x5D0];
	[tilespmem:v61+s29+$0x0] =	vst.idx.msk $0xffff, v47  }
0x55: {  	v49 =	vadd.s32 v31, v32;
	v47 =	vld [tilespmem:s14+$0x5F0];
	[tilespmem:v63+s29+$0x0] =	vst.idx.msk $0xffff, v55  }
0x56: {  	s13 =	simm.s32 $0x0;
	v48 =	vadd.s32 v20, v32;
	s15 =	simm.s32 $0x200;
	v34 =	vadd.s32 v26, v32;
	v41 =	vld [tilespmem:s14+$0x550];
	v39 =	vadd.s32 $0x10, v32;
	s14 =	simm.s32 $0x610;
	[tilespmem:v62+s29+$0x0] =	vst.idx.msk $0xffff, v57  }
.LBB2_3:
0x57: {  	v53 =	vld [tilespmem:s14+$0xFFFFFFF0];
	s16 =	sand.u32 $0x3E00, s15;
	v54 =	vadd.s32 v26, v39;
	s13 =	sadd.s32 $0x10, s13;
	[tilespmem:v50+s29+$0x0] =	vst.idx.msk $0xffff, v45  }
0x58: {  	v45 =	vadd.s32 v4, v32;
	v50 =	vld [tilespmem:s16+$0x530];
	p1 =	slt.u32 s13, $0x1F0;
	[tilespmem:v52+s29+$0x0] =	vst.idx.msk $0xffff, v46  }
0x59: {  	v52 =	vadd.s32 v27, v32;
	v46 =	vld [tilespmem:s16+$0x4F0];
	[tilespmem:v51+s29+$0x0] =	vst.idx.msk $0xffff, v42;
	v42 =	vadd.s32 v29, v32  }
0x5a: {  	v56 =	vadd.s32 v23, v32;
	v51 =	vadd.s32 v6, v39;
	v55 =	vld [tilespmem:s16+$0x510];
	[tilespmem:v49+s29+$0x0] =	vst.idx.msk $0xffff, v47  }
0x5b: {  	v49 =	vadd.s32 v8, v39;
	v47 =	vld [tilespmem:s16+$0x420];
	[tilespmem:v48+s29+$0x0] =	vst.idx.msk $0xffff, v43;
	v43 =	vadd.s32 v21, v32  }
0x5c: {  	v58 =	vadd.s32 v5, v32;
	v48 =	vadd.s32 v7, v39;
	v57 =	vld [tilespmem:s16+$0x520];
	[tilespmem:v34+s29+$0x0] =	vst.idx.msk $0xffff, v38;
	v34 =	vmov v54  }
0x5d: {  	v38 =	vadd.s32 v10, v39;
	v54 =	vld [tilespmem:s16+$0x500];
	[tilespmem:v45+s29+$0x0] =	vst.idx.msk $0xffff, v40;
	v40 =	vadd.s32 v25, v32;
	v32 =	vmov v39  }
0x5e: {  	v45 =	vadd.s32 v12, v39;
	v59 =	vld [tilespmem:s16+$0x4E0];
	[tilespmem:v42+s29+$0x0] =	vst.idx.msk $0xffff, v44  }
0x5f: {  	v60 =	vadd.s32 v16, v39;
	v44 =	vadd.s32 v14, v39;
	v42 =	vld [tilespmem:s16+$0x470];
	[tilespmem:v56+s29+$0x0] =	vst.idx.msk $0xffff, v36  }
0x60: {  	v61 =	vadd.s32 v11, v39;
	v56 =	vld [tilespmem:s16+$0x490];
	[tilespmem:v43+s29+$0x0] =	vst.idx.msk $0xffff, v41  }
0x61: {  	v41 =	vadd.s32 v18, v39;
	v36 =	vld [tilespmem:s16+$0x4C0];
	[tilespmem:v58+s29+$0x0] =	vst.idx.msk $0xffff, v33  }
0x62: {  	v43 =	vadd.s32 v2, v39;
	v58 =	vadd.s32 v17, v39;
	v33 =	vld [tilespmem:s16+$0x4A0];
	[tilespmem:v40+s29+$0x0] =	vst.idx.msk $0xffff, v35  }
0x63: {  	v40 =	vadd.s32 v13, v39;
	v35 =	vld [tilespmem:s16+$0x460];
	[tilespmem:v52+s29+$0x0] =	vst.idx.msk $0xffff, v37  }
0x64: {  	v37 =	vld [tilespmem:s16+$0x480];
	[tilespmem:v60+s29+$0x0] =	vst.idx.msk $0xffff, v54  }
0x65: {  	v52 =	vld [tilespmem:s16+$0x4D0];
	[tilespmem:v44+s29+$0x0] =	vst.idx.msk $0xffff, v59  }
0x66: {  	v44 =	vld [tilespmem:s16+$0x4B0];
	[tilespmem:v45+s29+$0x0] =	vst.idx.msk $0xffff, v36  }
0x67: {  	v45 =	vadd.s32 v9, v39;
	[tilespmem:v38+s29+$0x0] =	vst.idx.msk $0xffff, v33;
	v54 =	vld [tilespmem:s16+$0x560]  }
0x68: {  	[tilespmem:v51+s29+$0x0] =	vst.idx.msk $0xffff, v35;
	v59 =	vld [tilespmem:s16+$0x580]  }
0x69: {  	[tilespmem:v49+s29+$0x0] =	vst.idx.msk $0xffff, v37;
	v38 =	vld [tilespmem:s16+$0x5A0]  }
0x6a: {  	[tilespmem:v48+s29+$0x0] =	vst.idx.msk $0xffff, v42;
	v36 =	vld [tilespmem:s16+$0x570]  }
0x6b: {  	v33 =	vld [tilespmem:s16+$0x450];
	[tilespmem:v61+s29+$0x0] =	vst.idx.msk $0xffff, v44;
	v44 =	vadd.s32 v15, v39  }
0x6c: {  	v49 =	vadd.s32 v19, v39;
	v48 =	vld [tilespmem:s16+$0x430];
	[tilespmem:v45+s29+$0x0] =	vst.idx.msk $0xffff, v56  }
0x6d: {  	[tilespmem:v58+s29+$0x0] =	vst.idx.msk $0xffff, v55;
	v35 =	vld [tilespmem:s16+$0x590]  }
0x6e: {  	v51 =	vadd.s32 v0, v39;
	[tilespmem:v40+s29+$0x0] =	vst.idx.msk $0xffff, v52;
	v42 =	vld [tilespmem:s16+$0x5C0]  }
0x6f: {  	v55 =	vadd.s32 v22, v39;
	[tilespmem:v41+s29+$0x0] =	vst.idx.msk $0xffff, v57;
	v37 =	vld [tilespmem:s16+$0x5B0]  }
0x70: {  	v56 =	vadd.s32 v3, v39;
	[tilespmem:v44+s29+$0x0] =	vst.idx.msk $0xffff, v46;
	v45 =	vld [tilespmem:s16+$0x5E0]  }
0x71: {  	v44 =	vadd.s32 v24, v39;
	v40 =	vld [tilespmem:s16+$0x440];
	[tilespmem:v49+s29+$0x0] =	vst.idx.msk $0xffff, v50  }
.Ltmp0:
0x72: {  	v50 =	vadd.s32 v30, v39;
	v46 =	vld [tilespmem:s14+$0x0];
	[tilespmem:v43+s29+$0x0] =	vst.idx.msk $0xffff, v47;
	(pc) =	sbr.rel @p1 .LBB2_3-.Ltmp0, $4  }
0x73: {  	v52 =	vadd.s32 v1, v39;
	[tilespmem:v51+s29+$0x0] =	vst.idx.msk $0xffff, v53;
	v43 =	vld [tilespmem:s16+$0x540]  }
0x74: {  	v51 =	vadd.s32 v28, v39;
	v41 =	vld [tilespmem:s16+$0x550];
	[tilespmem:v55+s29+$0x0] =	vst.idx.msk $0xffff, v54  }
0x75: {  	v49 =	vadd.s32 v31, v39;
	[tilespmem:v56+s29+$0x0] =	vst.idx.msk $0xffff, v48;
	v47 =	vld [tilespmem:s16+$0x5F0]  }
0x76: {  	s15 =	sadd.s32 $0x200, s15;
	s14 =	sadd.s32 $0x200, s14;
	v39 =	vadd.s32 $0x10, v39;
	v48 =	vadd.s32 v20, v32;
	[tilespmem:v44+s29+$0x0] =	vst.idx.msk $0xffff, v59;
	v44 =	vld [tilespmem:s16+$0x5D0]  }
0x77: {  	_ =	sdelay $0x3  }
0x78: {  	[tilespmem:v50+s29+$0x0] =	vst.idx.msk $0xffff, v45  }
0x79: {  	[tilespmem:v52+s29+$0x0] =	vst.idx.msk $0xffff, v46;
	v39 =	vadd.s32 v4, v32  }
0x7a: {  	[tilespmem:v51+s29+$0x0] =	vst.idx.msk $0xffff, v42;
	v58 =	vadd.s32 v29, v32  }
0x7b: {  	v59 =	vadd.s32 v23, v32;
	[tilespmem:v34+s29+$0x0] =	vst.idx.msk $0xffff, v38  }
0x7c: {  	v60 =	vadd.s32 v21, v32;
	[tilespmem:v48+s29+$0x0] =	vst.idx.msk $0xffff, v43  }
0x7d: {  	v62 =	vadd.s32 v25, v32;
	[tilespmem:v49+s29+$0x0] =	vst.idx.msk $0xffff, v47  }
0x7e: {  	v63 =	vadd.s32 v27, v32;
	[tilespmem:v39+s29+$0x0] =	vst.idx.msk $0xffff, v40  }
0x7f: {  	v61 =	vadd.s32 v5, v32;
	[tilespmem:v58+s29+$0x0] =	vst.idx.msk $0xffff, v44  }
0x80: {  	s13 =	sshll.u32 s12, $0x6;
	[tilespmem:v59+s29+$0x0] =	vst.idx.msk $0xffff, v36  }
0x81: {  	s16 =	sshll.u32 s12, $0xB;
	s13 =	sand.u32 $0x180, s13;
	[tilespmem:v60+s29+$0x0] =	vst.idx.msk $0xffff, v41  }
0x82: {  	s12 =	sand.u32 $0xFFFC000, s16;
	s13 =	sadd.s32 s4, s13;
	[tilespmem:v62+s29+$0x0] =	vst.idx.msk $0xffff, v35  }
0x83: {  	s14 =	simm.s32 $0x200;
	s12 =	sadd.s32 s12, s13;
	[tilespmem:v63+s29+$0x0] =	vst.idx.msk $0xffff, v37  }
0x84: {  	s15 =	simm.s32 $0x8608;
	s13 =	simm.s32 $0x8400;
	s16 =	sadd.s32 $0x0, s12;
	[tilespmem:v61+s29+$0x0] =	vst.idx.msk $0xffff, v33  }
.LBB2_5:
0x85: {  	[hbm4b:s16+s2] =	stream.linear.scatter [tilespmem:s13], [sflag:$0x3], $0x200, $0x38;
	[tilespmem:$0xC500] =	vst v63  }
0x86: {  	s16 =	smov.u32 s14;
	s13 =	smov.u32 s15;
	p1 =	sne.s32 s14, $0x3E00  }
.Ltmp1:
0x87: {  	s14 =	sadd.s32 $0x200, s14;
	(pc) =	sbr.rel @p1 .LBB2_5-.Ltmp1, $2  }
0x88: {  	_ =	sdelay $0x2  }
0x89: {  	s15 =	sadd.s32 $0x208, s15;
	s16 =	sadd.s32 s16, s12  }
0x8a: {  	[hbm4b:s16+s2] =	stream.linear.scatter [tilespmem:s13], [sflag:$0x3], $0x200, $0x38;
	[tilespmem:$0xC500] =	vst v63  }
0x8b: {  	_ =	swait.ge [sflag:s19], $0x1000  }
0x8c: {  	[sflag:s19] =	ssyncset.done $0x0  }
0x8d: {  	[sflag:s19] =	ssyncadd.s32 $0xFFFFF000  }
0x8e: {  	_ =	swait.ge [sflag:s19], $0x1000  }
0x8f: {  	[sflag:s19] =	ssyncset.done $0x0  }
0x90: {  	[sflag:s19] =	ssyncadd.s32 $0xFFFFF000  }
0x91: {  	_ =	swait.ge [sflag:s19], $0x1000  }
0x92: {  	[sflag:s19] =	ssyncset.done $0x0  }
0x93: {  	[sflag:s19] =	ssyncadd.s32 $0xFFFFF000  }
0x94: {  	s1 =	sor.u32 $0x1, s1;
	_ =	swait.ge [sflag:s19], $0x1000  }
0x95: {  	p1 =	sgt.u32 s1, $0x30;
	[sflag:s19] =	ssyncset.done $0x0  }
0x96: {  	s12 =	simm.s32 @!p1 $0x1;
	[sflag:s19] =	ssyncadd.s32 $0xFFFFF000  }
0x97: {  	_ =	swait.ge @!p1 [sflag:s12], $0x200  }
0x98: {  	s13 =	simm.s32 @!p1 $0x0;
	[sflag:s12] =	ssyncset.done @!p1 $0x0  }
0x99: {  	s14 =	simm.s32 @!p1 $0x400;
	[sflag:s12] =	ssyncadd.s32 @!p1 $0xFFFFFE00;
	s12 =	simm.s32 @!p1 $0x80  }
0x9a: {  	[tilespmem:s14], [sflag:$0x2] =	stream.indirect.gather @!p1 [hbm4b:s3+s12], $0x20, s13, s12, $0xb8;
	[tilespmem:$0xC500] =	vst v63  }
0x9b: {  	s13 =	simm.s32 @!p1 $0x1400  }
0x9c: {  	[tilespmem:s13], [sflag:$0x2] =	stream.indirect.gather @!p1 [hbm4b:s3+s12], $0x20, s12, s12, $0xb8;
	[tilespmem:$0xC500] =	vst v63  }
0x9d: {  	s14 =	simm.s32 @!p1 $0x2400;
	s13 =	simm.s32 @!p1 $0x100  }
0x9e: {  	[tilespmem:s14], [sflag:$0x2] =	stream.indirect.gather @!p1 [hbm4b:s3+s12], $0x20, s13, s12, $0xb8;
	[tilespmem:$0xC500] =	vst v63  }
0x9f: {  	s1 =	sadd.s32 s5, s1;
	s13 =	simm.s32 @!p1 $0x180;
	s14 =	simm.s32 @!p1 $0x3400  }
0xa0: {  	[tilespmem:s14], [sflag:$0x2] =	stream.indirect.gather @!p1 [hbm4b:s3+s12], $0x20, s13, s12, $0xb8;
	[tilespmem:$0xC500] =	vst v63  }
0xa1: {  	s12 =	sshll.u32 @!p0 s1, $0x6  }
0xa2: {  	s13 =	simm.s32 @!p0 $0x0;
	s14 =	simm.s32 @!p0 $0x200;
	s12 =	sadd.s32 @!p0 s12, s8  }
0xa3: {  	[tilespmem:s14], [sflag:$0x1] =	stream.linear.gather @!p0 [hbm4b:s12+s13], $0x200, $0x38;
	[tilespmem:$0xC500] =	vst v63  }
0xa4: {  	_ =	swait.ge [sflag:s30], $0x4000  }
0xa5: {  	[sflag:s30] =	ssyncset.done $0x0  }
0xa6: {  	s16 =	simm.s32 $0x4400;
	[sflag:s30] =	ssyncadd.s32 $0xFFFFC000  }
0xa7: {  	v40 =	vld [tilespmem:s16+$0x130]  }
0xa8: {  	v43 =	vld [tilespmem:s16+$0x150]  }
0xa9: {  	v38 =	vld [tilespmem:s16+$0x170]  }
0xaa: {  	v39 =	vld [tilespmem:s16+$0x1F0]  }
0xab: {  	v42 =	vld [tilespmem:s16+$0x190]  }
0xac: {  	v41 =	vld [tilespmem:s16+$0x1B0]  }
0xad: {  	v37 =	vld [tilespmem:s16+$0xF0]  }
0xae: {  	v44 =	vld [tilespmem:s16+$0x1D0]  }
0xaf: {  	v35 =	vld [tilespmem:s16+$0x70]  }
0xb0: {  	v33 =	vld [tilespmem:s16+$0x50]  }
0xb1: {  	v32 =	vld [tilespmem:s16+$0x30]  }
0xb2: {  	v34 =	vimm.s32 $0x0;
	v36 =	vld [tilespmem:s16+$0x0]  }
0xb3: {  	v46 =	vadd.s32 v30, v34;
	v45 =	vld [tilespmem:s16+$0x1E0]  }
0xb4: {  	v48 =	vadd.s32 v28, v34;
	v47 =	vld [tilespmem:s16+$0x1C0]  }
0xb5: {  	v54 =	vadd.s32 v26, v34;
	v49 =	vld [tilespmem:s16+$0x1A0]  }
0xb6: {  	v62 =	vadd.s32 v24, v34;
	v51 =	vld [tilespmem:s16+$0x180]  }
0xb7: {  	v59 =	vadd.s32 v22, v34;
	v53 =	vld [tilespmem:s16+$0x160]  }
0xb8: {  	v60 =	vadd.s32 v18, v34;
	v57 =	vld [tilespmem:s16+$0x120];
	[tilespmem:v46+s29+$0x0] =	vst.idx.msk $0xffff, v45  }
0xb9: {  	v50 =	vadd.s32 v31, v34;
	v55 =	vld [tilespmem:s16+$0x140];
	[tilespmem:v48+s29+$0x0] =	vst.idx.msk $0xffff, v47  }
0xba: {  	v52 =	vadd.s32 v29, v34;
	v58 =	vld [tilespmem:s16+$0x100];
	[tilespmem:v54+s29+$0x0] =	vst.idx.msk $0xffff, v49  }
0xbb: {  	v56 =	vadd.s32 v27, v34;
	v48 =	vld [tilespmem:s16+$0xE0];
	[tilespmem:v62+s29+$0x0] =	vst.idx.msk $0xffff, v51  }
0xbc: {  	v63 =	vadd.s32 v25, v34;
	v47 =	vld [tilespmem:s16+$0xC0];
	[tilespmem:v59+s29+$0x0] =	vst.idx.msk $0xffff, v53  }
0xbd: {  	v46 =	vld [tilespmem:s16+$0xA0];
	v49 =	vadd.s32 v20, v34;
	[tilespmem:v60+s29+$0x0] =	vst.idx.msk $0xffff, v57  }
0xbe: {  	v45 =	vld [tilespmem:s16+$0x60];
	v62 =	vadd.s32 v16, v34;
	[tilespmem:v50+s29+$0x0] =	vst.idx.msk $0xffff, v39  }
0xbf: {  	v51 =	vld [tilespmem:s16+$0x110];
	[tilespmem:v52+s29+$0x0] =	vst.idx.msk $0xffff, v44;
	v50 =	vadd.s32 v23, v34  }
0xc0: {  	v61 =	vadd.s32 v21, v34;
	v53 =	vld [tilespmem:s16+$0xD0];
	[tilespmem:v56+s29+$0x0] =	vst.idx.msk $0xffff, v41  }
0xc1: {  	v44 =	vld [tilespmem:s16+$0x80];
	[tilespmem:v63+s29+$0x0] =	vst.idx.msk $0xffff, v42;
	v63 =	vadd.s32 v19, v34  }
0xc2: {  	v54 =	vadd.s32 v14, v34;
	v41 =	vld [tilespmem:s16+$0x40];
	[tilespmem:v49+s29+$0x0] =	vst.idx.msk $0xffff, v55  }
0xc3: {  	v42 =	vld [tilespmem:s16+$0x20];
	v55 =	vadd.s32 v17, v34;
	[tilespmem:v62+s29+$0x0] =	vst.idx.msk $0xffff, v58  }
0xc4: {  	v39 =	vld [tilespmem:s16+$0x10];
	v52 =	vadd.s32 v15, v34;
	[tilespmem:v50+s29+$0x0] =	vst.idx.msk $0xffff, v38  }
0xc5: {  	v56 =	vadd.s32 v12, v34;
	v49 =	vld [tilespmem:s16+$0x90];
	[tilespmem:v61+s29+$0x0] =	vst.idx.msk $0xffff, v43  }
0xc6: {  	s12 =	simm.s32 $0x0;
	s13 =	simm.s32 $0x4600;
	v57 =	vadd.s32 v13, v34;
	v38 =	vadd.s32 v10, v34;
	v50 =	vld [tilespmem:s16+$0xB0];
	[tilespmem:v63+s29+$0x0] =	vst.idx.msk $0xffff, v40;
	v40 =	vadd.s32 $0x10, v34  }
.LBB2_7:
0xc7: {  	v58 =	vadd.s32 v10, v40;
	v43 =	vld [tilespmem:s13+$0x130];
	s12 =	sadd.s32 $0x10, s12;
	[tilespmem:v54+s29+$0x0] =	vst.idx.msk $0xffff, v48  }
0xc8: {  	v48 =	vadd.s32 v11, v34;
	v59 =	vld [tilespmem:s13+$0x150];
	p0 =	slt.u32 s12, $0x1F0;
	[tilespmem:v55+s29+$0x0] =	vst.idx.msk $0xffff, v51  }
0xc9: {  	v54 =	vadd.s32 v0, v34;
	v51 =	vld [tilespmem:s13+$0x170];
	[tilespmem:v52+s29+$0x0] =	vst.idx.msk $0xffff, v37  }
0xca: {  	v55 =	vadd.s32 v6, v34;
	v52 =	vld [tilespmem:s13+$0x1F0];
	[tilespmem:v56+s29+$0x0] =	vst.idx.msk $0xffff, v47  }
0xcb: {  	v47 =	vadd.s32 v8, v34;
	v56 =	vld [tilespmem:s13+$0x190];
	[tilespmem:v57+s29+$0x0] =	vst.idx.msk $0xffff, v53  }
0xcc: {  	v57 =	vadd.s32 v9, v34;
	v53 =	vld [tilespmem:s13+$0x1B0];
	[tilespmem:v38+s29+$0x0] =	vst.idx.msk $0xffff, v46;
	v38 =	vmov v58  }
0xcd: {  	v46 =	vadd.s32 v7, v34;
	v37 =	vld [tilespmem:s13+$0xF0];
	[tilespmem:v48+s29+$0x0] =	vst.idx.msk $0xffff, v50  }
0xce: {  	v48 =	vadd.s32 v4, v34;
	v50 =	vld [tilespmem:s13+$0x1D0];
	[tilespmem:v54+s29+$0x0] =	vst.idx.msk $0xffff, v36  }
0xcf: {  	v58 =	vadd.s32 v2, v34;
	v54 =	vld [tilespmem:s13+$0x70];
	[tilespmem:v55+s29+$0x0] =	vst.idx.msk $0xffff, v45  }
0xd0: {  	v55 =	vadd.s32 v5, v34;
	v45 =	vld [tilespmem:s13+$0x50];
	[tilespmem:v47+s29+$0x0] =	vst.idx.msk $0xffff, v44  }
0xd1: {  	v60 =	vadd.s32 v3, v34;
	v47 =	vadd.s32 v1, v34;
	v34 =	vmov v40;
	v44 =	vld [tilespmem:s13+$0x30];
	[tilespmem:v57+s29+$0x0] =	vst.idx.msk $0xffff, v49  }
0xd2: {  	v36 =	vld [tilespmem:s13+$0x0];
	[tilespmem:v46+s29+$0x0] =	vst.idx.msk $0xffff, v35  }
0xd3: {  	v49 =	vadd.s32 v30, v40;
	v46 =	vld [tilespmem:s13+$0x1E0];
	[tilespmem:v48+s29+$0x0] =	vst.idx.msk $0xffff, v41  }
0xd4: {  	v48 =	vadd.s32 v28, v40;
	v41 =	vld [tilespmem:s13+$0x1C0];
	[tilespmem:v58+s29+$0x0] =	vst.idx.msk $0xffff, v42;
	v35 =	vmov v54  }
0xd5: {  	v54 =	vadd.s32 v31, v40;
	v42 =	vld [tilespmem:s13+$0x1A0];
	[tilespmem:v55+s29+$0x0] =	vst.idx.msk $0xffff, v33;
	v33 =	vmov v45  }
0xd6: {  	v55 =	vadd.s32 v29, v40;
	v45 =	vld [tilespmem:s13+$0x180];
	[tilespmem:v47+s29+$0x0] =	vst.idx.msk $0xffff, v39  }
0xd7: {  	v57 =	vadd.s32 v26, v40;
	v39 =	vld [tilespmem:s13+$0x160];
	[tilespmem:v60+s29+$0x0] =	vst.idx.msk $0xffff, v32;
	v32 =	vmov v44  }
0xd8: {  	v44 =	vadd.s32 v27, v40;
	v58 =	vld [tilespmem:s13+$0x140];
	[tilespmem:v49+s29+$0x0] =	vst.idx.msk $0xffff, v46  }
0xd9: {  	v60 =	vadd.s32 v24, v40;
	v49 =	vld [tilespmem:s13+$0x120];
	[tilespmem:v48+s29+$0x0] =	vst.idx.msk $0xffff, v41  }
0xda: {  	v41 =	vadd.s32 v22, v40;
	v61 =	vld [tilespmem:s13+$0x100];
	[tilespmem:v54+s29+$0x0] =	vst.idx.msk $0xffff, v52  }
0xdb: {  	v52 =	vadd.s32 v25, v40;
	v48 =	vld [tilespmem:s13+$0xE0];
	[tilespmem:v55+s29+$0x0] =	vst.idx.msk $0xffff, v50  }
0xdc: {  	v50 =	vadd.s32 v23, v40;
	v47 =	vld [tilespmem:s13+$0xC0];
	[tilespmem:v57+s29+$0x0] =	vst.idx.msk $0xffff, v42  }
0xdd: {  	v55 =	vadd.s32 v20, v40;
	v46 =	vld [tilespmem:s13+$0xA0];
	[tilespmem:v44+s29+$0x0] =	vst.idx.msk $0xffff, v53  }
0xde: {  	v53 =	vadd.s32 v18, v40;
	v44 =	vld [tilespmem:s13+$0x80];
	[tilespmem:v60+s29+$0x0] =	vst.idx.msk $0xffff, v45  }
0xdf: {  	v57 =	vadd.s32 v21, v40;
	v45 =	vld [tilespmem:s13+$0x60];
	[tilespmem:v41+s29+$0x0] =	vst.idx.msk $0xffff, v39  }
0xe0: {  	v60 =	vadd.s32 v16, v40;
	v41 =	vld [tilespmem:s13+$0x40];
	[tilespmem:v52+s29+$0x0] =	vst.idx.msk $0xffff, v56  }
0xe1: {  	v62 =	vadd.s32 v19, v40;
	v42 =	vld [tilespmem:s13+$0x20];
	[tilespmem:v50+s29+$0x0] =	vst.idx.msk $0xffff, v51  }
.Ltmp2:
0xe2: {  	v54 =	vadd.s32 v14, v40;
	v39 =	vld [tilespmem:s13+$0x10];
	[tilespmem:v55+s29+$0x0] =	vst.idx.msk $0xffff, v58;
	(pc) =	sbr.rel @p0 .LBB2_7-.Ltmp2, $4  }
0xe3: {  	v55 =	vadd.s32 v17, v40;
	v51 =	vld [tilespmem:s13+$0x110];
	[tilespmem:v53+s29+$0x0] =	vst.idx.msk $0xffff, v49  }
0xe4: {  	v52 =	vadd.s32 v15, v40;
	v49 =	vld [tilespmem:s13+$0x90];
	[tilespmem:v57+s29+$0x0] =	vst.idx.msk $0xffff, v59  }
0xe5: {  	v56 =	vadd.s32 v12, v40;
	v50 =	vld [tilespmem:s13+$0xB0];
	[tilespmem:v60+s29+$0x0] =	vst.idx.msk $0xffff, v61  }
0xe6: {  	v40 =	vadd.s32 $0x10, v40;
	v57 =	vadd.s32 v13, v34;
	v53 =	vld [tilespmem:s13+$0xD0];
	[tilespmem:v62+s29+$0x0] =	vst.idx.msk $0xffff, v43;
	s13 =	sadd.s32 $0x200, s13  }
0xe7: {  	_ =	sdelay $0x3  }
0xe8: {  	[tilespmem:v54+s29+$0x0] =	vst.idx.msk $0xffff, v48  }
0xe9: {  	v40 =	vadd.s32 v11, v34;
	[tilespmem:v56+s29+$0x0] =	vst.idx.msk $0xffff, v47  }
0xea: {  	v43 =	vadd.s32 v0, v34;
	[tilespmem:v38+s29+$0x0] =	vst.idx.msk $0xffff, v46  }
0xeb: {  	v56 =	vadd.s32 v8, v34;
	[tilespmem:v55+s29+$0x0] =	vst.idx.msk $0xffff, v51  }
0xec: {  	v59 =	vadd.s32 v4, v34;
	[tilespmem:v52+s29+$0x0] =	vst.idx.msk $0xffff, v37  }
0xed: {  	v60 =	vadd.s32 v2, v34;
	[tilespmem:v57+s29+$0x0] =	vst.idx.msk $0xffff, v53  }
0xee: {  	v55 =	vadd.s32 v6, v34;
	[tilespmem:v40+s29+$0x0] =	vst.idx.msk $0xffff, v50  }
0xef: {  	v61 =	vadd.s32 v5, v34;
	[tilespmem:v43+s29+$0x0] =	vst.idx.msk $0xffff, v36  }
0xf0: {  	v62 =	vadd.s32 v1, v34;
	[tilespmem:v56+s29+$0x0] =	vst.idx.msk $0xffff, v44  }
0xf1: {  	v63 =	vadd.s32 v3, v34;
	[tilespmem:v59+s29+$0x0] =	vst.idx.msk $0xffff, v41  }
0xf2: {  	v58 =	vadd.s32 v7, v34;
	[tilespmem:v60+s29+$0x0] =	vst.idx.msk $0xffff, v42  }
0xf3: {  	v57 =	vadd.s32 v9, v34;
	[tilespmem:v55+s29+$0x0] =	vst.idx.msk $0xffff, v45  }
0xf4: {  	s12 =	sshll.u32 s1, $0x6;
	[tilespmem:v61+s29+$0x0] =	vst.idx.msk $0xffff, v33  }
0xf5: {  	s16 =	sshll.u32 s1, $0xB;
	s12 =	sand.u32 $0x1C0, s12;
	[tilespmem:v62+s29+$0x0] =	vst.idx.msk $0xffff, v39  }
0xf6: {  	s1 =	sand.u32 $0xFFFC000, s16;
	s12 =	sadd.s32 s4, s12;
	[tilespmem:v63+s29+$0x0] =	vst.idx.msk $0xffff, v32  }
0xf7: {  	s13 =	simm.s32 $0x200;
	s1 =	sadd.s32 s1, s12;
	[tilespmem:v58+s29+$0x0] =	vst.idx.msk $0xffff, v35  }
0xf8: {  	s14 =	simm.s32 $0x8608;
	s12 =	simm.s32 $0x8400;
	s15 =	sadd.s32 $0x0, s1;
	[tilespmem:v57+s29+$0x0] =	vst.idx.msk $0xffff, v49  }
.LBB2_9:
0xf9: {  	[hbm4b:s15+s2] =	stream.linear.scatter [tilespmem:s12], [sflag:$0x3], $0x200, $0x38;
	[tilespmem:$0xC500] =	vst v63  }
0xfa: {  	s15 =	smov.u32 s13;
	s12 =	smov.u32 s14;
	p0 =	sne.s32 s13, $0x3E00  }
.Ltmp3:
0xfb: {  	s13 =	sadd.s32 $0x200, s13;
	(pc) =	sbr.rel @p0 .LBB2_9-.Ltmp3, $2  }
0xfc: {  	_ =	sdelay $0x2  }
0xfd: {  	s14 =	sadd.s32 $0x208, s14;
	s15 =	sadd.s32 s15, s1  }
0xfe: {  	s0 =	sadd.s32 $0x1, s0  }
0xff: {  	p0 =	sne.s32 s0, $0x19  }
.Ltmp4:
0x100: {  	_ = 	snop;
	(pc) =	sbr.rel @p0 .LBB2_2-.Ltmp4, $2  }
0x101: {  	_ =	sdelay $0x2  }
0x102: {  	[hbm4b:s15+s2] =	stream.linear.scatter [tilespmem:s12], [sflag:$0x3], $0x200, $0x38;
	[tilespmem:$0xC500] =	vst v63  }
0x103: {  	s31 =	sadd.s32 $0x1, s31  }
0x104: {  	p0 =	sne.s32 s31, s9  }
.Ltmp5:
0x105: {  	_ = 	snop;
	(pc) =	sbr.rel @p0 .LBB2_1-.Ltmp5, $4  }
0x106: {  	_ = 	snop  }
0x107: {  	_ =	swait.ge [sflag:s30], $0x4000  }
0x108: {  	[sflag:s30] =	ssyncset.done $0x0  }
0x109: {  	[sflag:s30] =	ssyncadd.s32 $0xFFFFC000  }
0x10a: {  	_ =	sfence.sel $0x180000  }
0x10b: {  	[bflag:$0x0] =	sbarrier.arrive $0xFFFF  }
0x10c: {  	_ =	strace $0x9000004A  }
0x10d: {  	s0 =	stileid.u32;
	[bflag:$0x2] =	sbarrier.arrive $0xFFFF  }
0x10e: {  	p0 =	sne.s32 s0, $0x0;
	s0 =	rddreg [dreg:$0x2]  }
0x10f: {  	s0 =	sadd.s32 @!p0 $0x100000, s0  }
0x110: {  	[sflag:s0] =	ssyncadd.tile.s32 @!p0 $0x1;
	_ =	shalt  }
.Lfunc_end2:
_tile_overlayer_lowered:
.L_overlay_start_2:
0x111: {  	(tag) =	ssettag $0x2  }
0x112: {  	s0 =	rddreg [dreg:$0x0];
	s2 =	stileid.u32  }
0x113: {  	s1 =	rddreg [dreg:$0x1];
	p0 =	sne.s32 s2, $0x0  }
0x114: {  	s3 =	rddreg [dreg:$0x2];
	[bflag:$0x3] =	sbarrier.arrive $0xFFFF;
	s2 =	simm.s32 @!p0 $0x1C04  }
0x115: {  	[timem:s3], [sflag:s2] =	dma.local @!p0 [hbm:s0], s1  }
0x116: {  	s0 =	simm.s32 @!p0 $0x4  }
0x117: {  	_ =	swait.ge @!p0 [sflag:s0], s1  }
0x118: {  	s1 =	ssub.s32 @!p0 $0x0, s1;
	[sflag:s0] =	ssyncset.done @!p0 $0x0  }
0x119: {  	[sflag:s0] =	ssyncadd.s32 @!p0 s1  }
0x11a: {  	[bflag:$0x3] =	sbarrier.arrive $0xFFFF  }
0x11b: {  	_ =	shalt  }

</sc_bundles>
